<compile_context>
chip_gen: v7x
topology: tpu7x:2x2x1
jax: 0.10.2.dev20260603
libtpu: 0.0.44.dev20260713+nightly
codegen_flags: <defaults>
</compile_context>

<pallas_src>
import functools

import jax
import jax.numpy as jnp
from jax import lax
from jax.experimental import pallas as pl
from jax.experimental.pallas import tpu as pltpu
from jax.experimental.pallas import tpu_sc as plsc

_NC = 2
_NS = 16
_NW = _NC * _NS
_NBUF = 4


def _sc_gather(n_chunks, gb, nf, nfp, d, dp, n_rows):
    bpc = gb // nf
    n_outer = n_chunks // _NBUF
    mesh = plsc.VectorSubcoreMesh(core_axis_name="c", subcore_axis_name="s")

    @functools.partial(
        pl.kernel,
        out_type=jax.ShapeDtypeStruct((n_rows, dp), jnp.float32),
        mesh=mesh,
        scratch_types=[
            pltpu.VMEM((n_chunks, gb), jnp.int32),
            pltpu.VMEM((_NBUF, gb, d), jnp.float32),
            pltpu.SemaphoreType.DMA((_NBUF,)),
            pltpu.SemaphoreType.DMA((_NBUF,)),
        ],
        compiler_params=pltpu.CompilerParams(use_tc_tiling_on_sc=False),
    )
    def emb(idx_hbm, table_hbm, out_hbm, idx_v, rows_v, gsem, wsem):
        wid = lax.axis_index("s") * _NC + lax.axis_index("c")
        pltpu.sync_copy(idx_hbm.at[wid], idx_v)
        base = wid * n_chunks

        def wb_pair(chunk, slot, k):
            src = rows_v.at[slot, pl.ds(k * nf, nf)]
            b = (base + chunk) * bpc + k
            dst = out_hbm.at[pl.ds(b * nfp, nf), pl.ds(0, d)]
            return src, dst

        def fire(chunk, slot):
            pltpu.async_copy(
                table_hbm.at[idx_v.at[chunk]], rows_v.at[slot], gsem.at[slot]
            )

        def drain(chunk, slot):
            pltpu.make_async_copy(
                table_hbm.at[idx_v.at[chunk]], rows_v.at[slot], gsem.at[slot]
            ).wait()
            for k in range(bpc):
                src, dst = wb_pair(chunk, slot, k)
                pltpu.async_copy(src, dst, wsem.at[slot])

        def wait_wb(chunk, slot):
            for k in range(bpc):
                src, dst = wb_pair(chunk, slot, k)
                pltpu.make_async_copy(src, dst, wsem.at[slot]).wait()

        for b in range(_NBUF):
            fire(b, b)

        @pl.loop(0, n_outer - 1)
        def _(i):
            for b in range(_NBUF):
                g = i * _NBUF + b
                drain(g, b)
                wait_wb(g, b)
                fire(g + _NBUF, b)

        for b in range(_NBUF):
            g = (n_outer - 1) * _NBUF + b
            drain(g, b)
            wait_wb(g, b)

    return emb


def kernel(input, table):
    bsz, nf = input.shape
    v, d = table.shape
    nfp = ((nf + 7) // 8) * 8
    dp = 128
    bpc = 4
    gb = bpc * nf
    assert (bsz * nf) % (_NW * gb) == 0 and bsz % bpc == 0
    n_chunks = (bsz * nf) // (_NW * gb)
    assert n_chunks % _NBUF == 0, (n_chunks, _NBUF)
    flat = input.reshape(-1).astype(jnp.int32)
    idx = flat.reshape(_NW, n_chunks, gb)
    t2 = lax.optimization_barrier(table.reshape(v // 2, 2 * d))
    tlin = t2.reshape(v, d)
    out = _sc_gather(n_chunks, gb, nf, nfp, d, dp, bsz * nfp)(idx, tlin)
    return out.reshape(bsz, nfp, dp)[:, :nf, :d]

# --- scband reference (transcript-rebuilt; emitter-appended) ---
"""Pipeline reference for scband-safe-embedding-wrapper-7971459301960 (READ-ONLY COPY).

The authoritative reference and input builder live on the scoring server;
editing this copy changes nothing except your own understanding.
"""

import jax, jax.numpy as jnp
import numpy as np

NUM_EMBEDDINGS = 1000000
EMBEDDING_DIM = 64
BATCH = 16384
N_FIELDS = 26

def setup_inputs(seed: int = 0) -> dict:
    key = jax.random.key(seed)
    k_idx, k_tab = jax.random.split(key)
    input = jax.random.randint(k_idx, (BATCH, N_FIELDS), 0, NUM_EMBEDDINGS, dtype=jnp.int64 if jax.config.jax_enable_x64 else jnp.int32)
    # nn.Embedding default init: N(0, 1)
    table = jax.random.normal(k_tab, (NUM_EMBEDDINGS, EMBEDDING_DIM), dtype=jnp.float32)
    return {"input": input, "table": table}

def reference(input, table):
    # SafeEmbeddingWrapper: input.detach().clone() is a no-op mathematically;
    # then embedding lookup table[input] -> [B, F, D]
    idx = jax.lax.stop_gradient(input)
    return jnp.take(table, idx, axis=0)

if __name__ == "__main__":
    import jax
    _d = setup_inputs()
    print(jax.jit(kernel)(*tuple(_d.values())))

</pallas_src>

<mosaic_0001>
#map = affine_map<(d0, d1) -> (0, 0, 0)>
#map1 = affine_map<(d0, d1) -> (0, 0)>
module attributes {stable_mosaic.version = 14 : i64} {
  func.func @emb(%arg0: i32, %arg1: i32, %arg2: memref<32x128x104xi32, #tpu.memory_space<hbm>>, %arg3: memref<1000000x64xf32, #tpu.memory_space<hbm>>, %arg4: memref<524288x128xf32, #tpu.memory_space<hbm>>, %arg5: memref<128x104xi32, #tpu.memory_space<vmem>>, %arg6: memref<4x104x64xf32, #tpu.memory_space<vmem>>, %arg7: memref<4x!tpu.dma_semaphore, #tpu.memory_space<semaphore_mem>>, %arg8: memref<4x!tpu.dma_semaphore, #tpu.memory_space<semaphore_mem>>) attributes {dimension_semantics = [#tpu.dimension_semantics<core_parallel>, #tpu.dimension_semantics<subcore_parallel>], iteration_bounds = array<i64: 2, 16>, scalar_prefetch = 0 : i64, scratch_operands = 4 : i64, tpu.core_type = #tpu.core_type<sc_vector_subcore>, window_params = [{transform_indices = #map}, {transform_indices = #map1}, {transform_indices = #map1}]} {
    %mul3A = arith.constant 2 : i32
    %mul3A_0 = arith.muli %arg1, %mul3A : i32
    %add3A = arith.addi %mul3A_0, %arg0 : i32
    "tpu.region"() ({
      %run_scoped3A = tpu.sem_alloc : memref<!tpu.dma_semaphore, #tpu.memory_space<semaphore_mem>>
      %dma_start3A_893 = arith.constant 0 : i32
      %dma_start3A_894 = arith.constant 0 : i32
      %dma_start3A_895 = tpu.memref_slice %arg2[%add3A, %dma_start3A_893, %dma_start3A_894] : memref<32x128x104xi32, #tpu.memory_space<hbm>> -> memref<1x128x104xi32, #tpu.memory_space<hbm>>
      %dma_start3A_896 = tpu.memref_squeeze %dma_start3A_895 : memref<1x128x104xi32, #tpu.memory_space<hbm>> -> memref<128x104xi32, #tpu.memory_space<hbm>>
      %dma_start3A_897 = arith.constant 0 : i32
      %dma_start3A_898 = arith.constant 0 : i32
      %dma_start3A_899 = tpu.memref_slice %arg2[%add3A, %dma_start3A_897, %dma_start3A_898] : memref<32x128x104xi32, #tpu.memory_space<hbm>> -> memref<1x128x104xi32, #tpu.memory_space<hbm>>
      %dma_start3A_900 = tpu.memref_squeeze %dma_start3A_899 : memref<1x128x104xi32, #tpu.memory_space<hbm>> -> memref<128x104xi32, #tpu.memory_space<hbm>>
      tpu.enqueue_dma source(%dma_start3A_900 : memref<128x104xi32, #tpu.memory_space<hbm>>) target(%arg5 : memref<128x104xi32, #tpu.memory_space<vmem>>) target_semaphore(%run_scoped3A : memref<!tpu.dma_semaphore, #tpu.memory_space<semaphore_mem>>)
      %dma_wait3A_901 = arith.constant 0 : i32
      %dma_wait3A_902 = arith.constant 0 : i32
      %dma_wait3A_903 = tpu.memref_slice %arg2[%add3A, %dma_wait3A_901, %dma_wait3A_902] : memref<32x128x104xi32, #tpu.memory_space<hbm>> -> memref<1x128x104xi32, #tpu.memory_space<hbm>>
      %dma_wait3A_904 = tpu.memref_squeeze %dma_wait3A_903 : memref<1x128x104xi32, #tpu.memory_space<hbm>> -> memref<128x104xi32, #tpu.memory_space<hbm>>
      %dma_wait3A_905 = arith.constant 0 : i32
      %dma_wait3A_906 = arith.constant 0 : i32
      %dma_wait3A_907 = tpu.memref_slice %arg2[%add3A, %dma_wait3A_905, %dma_wait3A_906] : memref<32x128x104xi32, #tpu.memory_space<hbm>> -> memref<1x128x104xi32, #tpu.memory_space<hbm>>
      %dma_wait3A_908 = tpu.memref_squeeze %dma_wait3A_907 : memref<1x128x104xi32, #tpu.memory_space<hbm>> -> memref<128x104xi32, #tpu.memory_space<hbm>>
      tpu.wait_dma2 semaphore(%run_scoped3A : memref<!tpu.dma_semaphore, #tpu.memory_space<semaphore_mem>>) src(%dma_wait3A_908 : memref<128x104xi32, #tpu.memory_space<hbm>>) dst(%arg5 : memref<128x104xi32, #tpu.memory_space<vmem>>)
      tpu.yield
    }) : () -> ()
    %mul3A_1 = arith.constant 128 : i32
    %mul3A_2 = arith.muli %add3A, %mul3A_1 : i32
    %dma_start3A = arith.constant 0 : i32
    %dma_start3A_3 = arith.constant 0 : i32
    %dma_start3A_4 = arith.constant 0 : i32
    %dma_start3A_5 = arith.constant 0 : i32
    %dma_start3A_6 = arith.constant 0 : i32
    %dma_start3A_7 = tpu.memref_slice %arg6[%dma_start3A_3, %dma_start3A_5, %dma_start3A_6] : memref<4x104x64xf32, #tpu.memory_space<vmem>> -> memref<1x104x64xf32, #tpu.memory_space<vmem>>
    %dma_start3A_8 = tpu.memref_squeeze %dma_start3A_7 : memref<1x104x64xf32, #tpu.memory_space<vmem>> -> memref<104x64xf32, #tpu.memory_space<vmem>>
    %dma_start3A_9 = arith.constant 0 : i32
    %dma_start3A_10 = tpu.memref_slice %arg5[%dma_start3A, %dma_start3A_9] : memref<128x104xi32, #tpu.memory_space<vmem>> -> memref<1x104xi32, #tpu.memory_space<vmem>>
    %dma_start3A_11 = tpu.memref_squeeze %dma_start3A_10 : memref<1x104xi32, #tpu.memory_space<vmem>> -> memref<104xi32, #tpu.memory_space<vmem>>
    %dma_start3A_12 = arith.constant 0 : i32
    %dma_start3A_13 = arith.constant 0 : i32
    %dma_start3A_14 = tpu.memref_slice %arg3[%dma_start3A_12, %dma_start3A_13] : memref<1000000x64xf32, #tpu.memory_space<hbm>> -> memref<1000000x64xf32, #tpu.memory_space<hbm>>
    %dma_start3A_15 = tpu.memref_slice %arg7[%dma_start3A_4] : memref<4x!tpu.dma_semaphore, #tpu.memory_space<semaphore_mem>> -> memref<1x!tpu.dma_semaphore, #tpu.memory_space<semaphore_mem>>
    %dma_start3A_16 = tpu.memref_squeeze %dma_start3A_15 : memref<1x!tpu.dma_semaphore, #tpu.memory_space<semaphore_mem>> -> memref<!tpu.dma_semaphore, #tpu.memory_space<semaphore_mem>>
    tpu.enqueue_indirect_dma source(%dma_start3A_14 : memref<1000000x64xf32, #tpu.memory_space<hbm>>) target(%dma_start3A_8 : memref<104x64xf32, #tpu.memory_space<vmem>>) offsets(%dma_start3A_11 : memref<104xi32, #tpu.memory_space<vmem>>) semaphore(%dma_start3A_16 : memref<!tpu.dma_semaphore, #tpu.memory_space<semaphore_mem>>)
    %dma_start3A_17 = arith.constant 1 : i32
    %dma_start3A_18 = arith.constant 1 : i32
    %dma_start3A_19 = arith.constant 1 : i32
    %dma_start3A_20 = arith.constant 0 : i32
    %dma_start3A_21 = arith.constant 0 : i32
    %dma_start3A_22 = tpu.memref_slice %arg6[%dma_start3A_18, %dma_start3A_20, %dma_start3A_21] : memref<4x104x64xf32, #tpu.memory_space<vmem>> -> memref<1x104x64xf32, #tpu.memory_space<vmem>>
    %dma_start3A_23 = tpu.memref_squeeze %dma_start3A_22 : memref<1x104x64xf32, #tpu.memory_space<vmem>> -> memref<104x64xf32, #tpu.memory_space<vmem>>
    %dma_start3A_24 = arith.constant 0 : i32
    %dma_start3A_25 = tpu.memref_slice %arg5[%dma_start3A_17, %dma_start3A_24] : memref<128x104xi32, #tpu.memory_space<vmem>> -> memref<1x104xi32, #tpu.memory_space<vmem>>
    %dma_start3A_26 = tpu.memref_squeeze %dma_start3A_25 : memref<1x104xi32, #tpu.memory_space<vmem>> -> memref<104xi32, #tpu.memory_space<vmem>>
    %dma_start3A_27 = arith.constant 0 : i32
    %dma_start3A_28 = arith.constant 0 : i32
    %dma_start3A_29 = tpu.memref_slice %arg3[%dma_start3A_27, %dma_start3A_28] : memref<1000000x64xf32, #tpu.memory_space<hbm>> -> memref<1000000x64xf32, #tpu.memory_space<hbm>>
    %dma_start3A_30 = tpu.memref_slice %arg7[%dma_start3A_19] : memref<4x!tpu.dma_semaphore, #tpu.memory_space<semaphore_mem>> -> memref<1x!tpu.dma_semaphore, #tpu.memory_space<semaphore_mem>>
    %dma_start3A_31 = tpu.memref_squeeze %dma_start3A_30 : memref<1x!tpu.dma_semaphore, #tpu.memory_space<semaphore_mem>> -> memref<!tpu.dma_semaphore, #tpu.memory_space<semaphore_mem>>
    tpu.enqueue_indirect_dma source(%dma_start3A_29 : memref<1000000x64xf32, #tpu.memory_space<hbm>>) target(%dma_start3A_23 : memref<104x64xf32, #tpu.memory_space<vmem>>) offsets(%dma_start3A_26 : memref<104xi32, #tpu.memory_space<vmem>>) semaphore(%dma_start3A_31 : memref<!tpu.dma_semaphore, #tpu.memory_space<semaphore_mem>>)
    %dma_start3A_32 = arith.constant 2 : i32
    %dma_start3A_33 = arith.constant 2 : i32
    %dma_start3A_34 = arith.constant 2 : i32
    %dma_start3A_35 = arith.constant 0 : i32
    %dma_start3A_36 = arith.constant 0 : i32
    %dma_start3A_37 = tpu.memref_slice %arg6[%dma_start3A_33, %dma_start3A_35, %dma_start3A_36] : memref<4x104x64xf32, #tpu.memory_space<vmem>> -> memref<1x104x64xf32, #tpu.memory_space<vmem>>
    %dma_start3A_38 = tpu.memref_squeeze %dma_start3A_37 : memref<1x104x64xf32, #tpu.memory_space<vmem>> -> memref<104x64xf32, #tpu.memory_space<vmem>>
    %dma_start3A_39 = arith.constant 0 : i32
    %dma_start3A_40 = tpu.memref_slice %arg5[%dma_start3A_32, %dma_start3A_39] : memref<128x104xi32, #tpu.memory_space<vmem>> -> memref<1x104xi32, #tpu.memory_space<vmem>>
    %dma_start3A_41 = tpu.memref_squeeze %dma_start3A_40 : memref<1x104xi32, #tpu.memory_space<vmem>> -> memref<104xi32, #tpu.memory_space<vmem>>
    %dma_start3A_42 = arith.constant 0 : i32
    %dma_start3A_43 = arith.constant 0 : i32
    %dma_start3A_44 = tpu.memref_slice %arg3[%dma_start3A_42, %dma_start3A_43] : memref<1000000x64xf32, #tpu.memory_space<hbm>> -> memref<1000000x64xf32, #tpu.memory_space<hbm>>
    %dma_start3A_45 = tpu.memref_slice %arg7[%dma_start3A_34] : memref<4x!tpu.dma_semaphore, #tpu.memory_space<semaphore_mem>> -> memref<1x!tpu.dma_semaphore, #tpu.memory_space<semaphore_mem>>
    %dma_start3A_46 = tpu.memref_squeeze %dma_start3A_45 : memref<1x!tpu.dma_semaphore, #tpu.memory_space<semaphore_mem>> -> memref<!tpu.dma_semaphore, #tpu.memory_space<semaphore_mem>>
    tpu.enqueue_indirect_dma source(%dma_start3A_44 : memref<1000000x64xf32, #tpu.memory_space<hbm>>) target(%dma_start3A_38 : memref<104x64xf32, #tpu.memory_space<vmem>>) offsets(%dma_start3A_41 : memref<104xi32, #tpu.memory_space<vmem>>) semaphore(%dma_start3A_46 : memref<!tpu.dma_semaphore, #tpu.memory_space<semaphore_mem>>)
    %dma_start3A_47 = arith.constant 3 : i32
    %dma_start3A_48 = arith.constant 3 : i32
    %dma_start3A_49 = arith.constant 3 : i32
    %dma_start3A_50 = arith.constant 0 : i32
    %dma_start3A_51 = arith.constant 0 : i32
    %dma_start3A_52 = tpu.memref_slice %arg6[%dma_start3A_48, %dma_start3A_50, %dma_start3A_51] : memref<4x104x64xf32, #tpu.memory_space<vmem>> -> memref<1x104x64xf32, #tpu.memory_space<vmem>>
    %dma_start3A_53 = tpu.memref_squeeze %dma_start3A_52 : memref<1x104x64xf32, #tpu.memory_space<vmem>> -> memref<104x64xf32, #tpu.memory_space<vmem>>
    %dma_start3A_54 = arith.constant 0 : i32
    %dma_start3A_55 = tpu.memref_slice %arg5[%dma_start3A_47, %dma_start3A_54] : memref<128x104xi32, #tpu.memory_space<vmem>> -> memref<1x104xi32, #tpu.memory_space<vmem>>
    %dma_start3A_56 = tpu.memref_squeeze %dma_start3A_55 : memref<1x104xi32, #tpu.memory_space<vmem>> -> memref<104xi32, #tpu.memory_space<vmem>>
    %dma_start3A_57 = arith.constant 0 : i32
    %dma_start3A_58 = arith.constant 0 : i32
    %dma_start3A_59 = tpu.memref_slice %arg3[%dma_start3A_57, %dma_start3A_58] : memref<1000000x64xf32, #tpu.memory_space<hbm>> -> memref<1000000x64xf32, #tpu.memory_space<hbm>>
    %dma_start3A_60 = tpu.memref_slice %arg7[%dma_start3A_49] : memref<4x!tpu.dma_semaphore, #tpu.memory_space<semaphore_mem>> -> memref<1x!tpu.dma_semaphore, #tpu.memory_space<semaphore_mem>>
    %dma_start3A_61 = tpu.memref_squeeze %dma_start3A_60 : memref<1x!tpu.dma_semaphore, #tpu.memory_space<semaphore_mem>> -> memref<!tpu.dma_semaphore, #tpu.memory_space<semaphore_mem>>
    tpu.enqueue_indirect_dma source(%dma_start3A_59 : memref<1000000x64xf32, #tpu.memory_space<hbm>>) target(%dma_start3A_53 : memref<104x64xf32, #tpu.memory_space<vmem>>) offsets(%dma_start3A_56 : memref<104xi32, #tpu.memory_space<vmem>>) semaphore(%dma_start3A_61 : memref<!tpu.dma_semaphore, #tpu.memory_space<semaphore_mem>>)
    %scan3A = arith.constant 0 : i32
    %scan3A_62 = arith.constant 31 : i32
    %scan3A_63 = arith.addi %scan3A, %scan3A_62 : i32
    %scan3A_64 = arith.constant 1 : i32
    scf.for %scan3A_893 = %scan3A to %scan3A_63 step %scan3A_64  : i32 {
      %mul3A_894 = arith.constant 1 : i32
      %mul3A_895 = arith.muli %scan3A_893, %mul3A_894 : i32
      %add3A_896 = arith.constant 0 : i32
      %add3A_897 = arith.addi %add3A_896, %mul3A_895 : i32
      %mul3A_898 = arith.constant 4 : i32
      %mul3A_899 = arith.muli %add3A_897, %mul3A_898 : i32
      %add3A_900 = arith.constant 0 : i32
      %add3A_901 = arith.addi %mul3A_899, %add3A_900 : i32
      %dma_wait3A_902 = arith.constant 0 : i32
      %dma_wait3A_903 = arith.constant 0 : i32
      %dma_wait3A_904 = arith.constant 0 : i32
      %dma_wait3A_905 = arith.constant 0 : i32
      %dma_wait3A_906 = tpu.memref_slice %arg6[%dma_wait3A_902, %dma_wait3A_904, %dma_wait3A_905] : memref<4x104x64xf32, #tpu.memory_space<vmem>> -> memref<1x104x64xf32, #tpu.memory_space<vmem>>
      %dma_wait3A_907 = tpu.memref_squeeze %dma_wait3A_906 : memref<1x104x64xf32, #tpu.memory_space<vmem>> -> memref<104x64xf32, #tpu.memory_space<vmem>>
      %dma_wait3A_908 = arith.constant 0 : i32
      %dma_wait3A_909 = tpu.memref_slice %arg5[%add3A_901, %dma_wait3A_908] : memref<128x104xi32, #tpu.memory_space<vmem>> -> memref<1x104xi32, #tpu.memory_space<vmem>>
      %dma_wait3A_910 = tpu.memref_squeeze %dma_wait3A_909 : memref<1x104xi32, #tpu.memory_space<vmem>> -> memref<104xi32, #tpu.memory_space<vmem>>
      %dma_wait3A_911 = arith.constant 0 : i32
      %dma_wait3A_912 = arith.constant 0 : i32
      %dma_wait3A_913 = tpu.memref_slice %arg3[%dma_wait3A_911, %dma_wait3A_912] : memref<1000000x64xf32, #tpu.memory_space<hbm>> -> memref<1000000x64xf32, #tpu.memory_space<hbm>>
      %dma_wait3A_914 = tpu.memref_slice %arg7[%dma_wait3A_903] : memref<4x!tpu.dma_semaphore, #tpu.memory_space<semaphore_mem>> -> memref<1x!tpu.dma_semaphore, #tpu.memory_space<semaphore_mem>>
      %dma_wait3A_915 = tpu.memref_squeeze %dma_wait3A_914 : memref<1x!tpu.dma_semaphore, #tpu.memory_space<semaphore_mem>> -> memref<!tpu.dma_semaphore, #tpu.memory_space<semaphore_mem>>
      tpu.wait_indirect_dma semaphore(%dma_wait3A_915 : memref<!tpu.dma_semaphore, #tpu.memory_space<semaphore_mem>>) src(%dma_wait3A_913 : memref<1000000x64xf32, #tpu.memory_space<hbm>>) dst(%dma_wait3A_907 : memref<104x64xf32, #tpu.memory_space<vmem>>)
      %add3A_916 = arith.addi %mul3A_2, %add3A_901 : i32
      %mul3A_917 = arith.constant 4 : i32
      %mul3A_918 = arith.muli %add3A_916, %mul3A_917 : i32
      %add3A_919 = arith.constant 0 : i32
      %add3A_920 = arith.addi %mul3A_918, %add3A_919 : i32
      %mul3A_921 = arith.constant 32 : i32
      %mul3A_922 = arith.muli %add3A_920, %mul3A_921 : i32
      %dma_start3A_923 = arith.constant 0 : i32
      %dma_start3A_924 = arith.constant 0 : i32
      %dma_start3A_925 = arith.constant 0 : i32
      %dma_start3A_926 = arith.constant 0 : i32
      %dma_start3A_927 = tpu.memref_slice %arg6[%dma_start3A_923, %dma_start3A_925, %dma_start3A_926] : memref<4x104x64xf32, #tpu.memory_space<vmem>> -> memref<1x26x64xf32, #tpu.memory_space<vmem>>
      %dma_start3A_928 = tpu.memref_squeeze %dma_start3A_927 : memref<1x26x64xf32, #tpu.memory_space<vmem>> -> memref<26x64xf32, #tpu.memory_space<vmem>>
      %dma_start3A_929 = arith.constant 0 : i32
      %dma_start3A_930 = tpu.memref_slice %arg4[%mul3A_922, %dma_start3A_929] : memref<524288x128xf32, #tpu.memory_space<hbm>> -> memref<26x64xf32, #tpu.memory_space<hbm>>
      %dma_start3A_931 = tpu.memref_slice %arg8[%dma_start3A_924] : memref<4x!tpu.dma_semaphore, #tpu.memory_space<semaphore_mem>> -> memref<1x!tpu.dma_semaphore, #tpu.memory_space<semaphore_mem>>
      %dma_start3A_932 = tpu.memref_squeeze %dma_start3A_931 : memref<1x!tpu.dma_semaphore, #tpu.memory_space<semaphore_mem>> -> memref<!tpu.dma_semaphore, #tpu.memory_space<semaphore_mem>>
      %dma_start3A_933 = arith.constant 0 : i32
      %dma_start3A_934 = tpu.memref_slice %arg4[%mul3A_922, %dma_start3A_933] : memref<524288x128xf32, #tpu.memory_space<hbm>> -> memref<26x64xf32, #tpu.memory_space<hbm>>
      %dma_start3A_935 = arith.constant 0 : i32
      %dma_start3A_936 = arith.constant 0 : i32
      %dma_start3A_937 = tpu.memref_slice %arg6[%dma_start3A_923, %dma_start3A_935, %dma_start3A_936] : memref<4x104x64xf32, #tpu.memory_space<vmem>> -> memref<1x26x64xf32, #tpu.memory_space<vmem>>
      %dma_start3A_938 = tpu.memref_squeeze %dma_start3A_937 : memref<1x26x64xf32, #tpu.memory_space<vmem>> -> memref<26x64xf32, #tpu.memory_space<vmem>>
      tpu.enqueue_dma source(%dma_start3A_938 : memref<26x64xf32, #tpu.memory_space<vmem>>) target(%dma_start3A_934 : memref<26x64xf32, #tpu.memory_space<hbm>>) target_semaphore(%dma_start3A_932 : memref<!tpu.dma_semaphore, #tpu.memory_space<semaphore_mem>>)
      %add3A_939 = arith.addi %mul3A_2, %add3A_901 : i32
      %mul3A_940 = arith.constant 4 : i32
      %mul3A_941 = arith.muli %add3A_939, %mul3A_940 : i32
      %add3A_942 = arith.constant 1 : i32
      %add3A_943 = arith.addi %mul3A_941, %add3A_942 : i32
      %mul3A_944 = arith.constant 32 : i32
      %mul3A_945 = arith.muli %add3A_943, %mul3A_944 : i32
      %dma_start3A_946 = arith.constant 0 : i32
      %dma_start3A_947 = arith.constant 0 : i32
      %dma_start3A_948 = arith.constant 26 : i32
      %dma_start3A_949 = arith.constant 0 : i32
      %dma_start3A_950 = tpu.memref_slice %arg6[%dma_start3A_946, %dma_start3A_948, %dma_start3A_949] : memref<4x104x64xf32, #tpu.memory_space<vmem>> -> memref<1x26x64xf32, #tpu.memory_space<vmem>>
      %dma_start3A_951 = tpu.memref_squeeze %dma_start3A_950 : memref<1x26x64xf32, #tpu.memory_space<vmem>> -> memref<26x64xf32, #tpu.memory_space<vmem>>
      %dma_start3A_952 = arith.constant 0 : i32
      %dma_start3A_953 = tpu.memref_slice %arg4[%mul3A_945, %dma_start3A_952] : memref<524288x128xf32, #tpu.memory_space<hbm>> -> memref<26x64xf32, #tpu.memory_space<hbm>>
      %dma_start3A_954 = tpu.memref_slice %arg8[%dma_start3A_947] : memref<4x!tpu.dma_semaphore, #tpu.memory_space<semaphore_mem>> -> memref<1x!tpu.dma_semaphore, #tpu.memory_space<semaphore_mem>>
      %dma_start3A_955 = tpu.memref_squeeze %dma_start3A_954 : memref<1x!tpu.dma_semaphore, #tpu.memory_space<semaphore_mem>> -> memref<!tpu.dma_semaphore, #tpu.memory_space<semaphore_mem>>
      %dma_start3A_956 = arith.constant 0 : i32
      %dma_start3A_957 = tpu.memref_slice %arg4[%mul3A_945, %dma_start3A_956] : memref<524288x128xf32, #tpu.memory_space<hbm>> -> memref<26x64xf32, #tpu.memory_space<hbm>>
      %dma_start3A_958 = arith.constant 26 : i32
      %dma_start3A_959 = arith.constant 0 : i32
      %dma_start3A_960 = tpu.memref_slice %arg6[%dma_start3A_946, %dma_start3A_958, %dma_start3A_959] : memref<4x104x64xf32, #tpu.memory_space<vmem>> -> memref<1x26x64xf32, #tpu.memory_space<vmem>>
      %dma_start3A_961 = tpu.memref_squeeze %dma_start3A_960 : memref<1x26x64xf32, #tpu.memory_space<vmem>> -> memref<26x64xf32, #tpu.memory_space<vmem>>
      tpu.enqueue_dma source(%dma_start3A_961 : memref<26x64xf32, #tpu.memory_space<vmem>>) target(%dma_start3A_957 : memref<26x64xf32, #tpu.memory_space<hbm>>) target_semaphore(%dma_start3A_955 : memref<!tpu.dma_semaphore, #tpu.memory_space<semaphore_mem>>)
      %add3A_962 = arith.addi %mul3A_2, %add3A_901 : i32
      %mul3A_963 = arith.constant 4 : i32
      %mul3A_964 = arith.muli %add3A_962, %mul3A_963 : i32
      %add3A_965 = arith.constant 2 : i32
      %add3A_966 = arith.addi %mul3A_964, %add3A_965 : i32
      %mul3A_967 = arith.constant 32 : i32
      %mul3A_968 = arith.muli %add3A_966, %mul3A_967 : i32
      %dma_start3A_969 = arith.constant 0 : i32
      %dma_start3A_970 = arith.constant 0 : i32
      %dma_start3A_971 = arith.constant 52 : i32
      %dma_start3A_972 = arith.constant 0 : i32
      %dma_start3A_973 = tpu.memref_slice %arg6[%dma_start3A_969, %dma_start3A_971, %dma_start3A_972] : memref<4x104x64xf32, #tpu.memory_space<vmem>> -> memref<1x26x64xf32, #tpu.memory_space<vmem>>
      %dma_start3A_974 = tpu.memref_squeeze %dma_start3A_973 : memref<1x26x64xf32, #tpu.memory_space<vmem>> -> memref<26x64xf32, #tpu.memory_space<vmem>>
      %dma_start3A_975 = arith.constant 0 : i32
      %dma_start3A_976 = tpu.memref_slice %arg4[%mul3A_968, %dma_start3A_975] : memref<524288x128xf32, #tpu.memory_space<hbm>> -> memref<26x64xf32, #tpu.memory_space<hbm>>
      %dma_start3A_977 = tpu.memref_slice %arg8[%dma_start3A_970] : memref<4x!tpu.dma_semaphore, #tpu.memory_space<semaphore_mem>> -> memref<1x!tpu.dma_semaphore, #tpu.memory_space<semaphore_mem>>
      %dma_start3A_978 = tpu.memref_squeeze %dma_start3A_977 : memref<1x!tpu.dma_semaphore, #tpu.memory_space<semaphore_mem>> -> memref<!tpu.dma_semaphore, #tpu.memory_space<semaphore_mem>>
      %dma_start3A_979 = arith.constant 0 : i32
      %dma_start3A_980 = tpu.memref_slice %arg4[%mul3A_968, %dma_start3A_979] : memref<524288x128xf32, #tpu.memory_space<hbm>> -> memref<26x64xf32, #tpu.memory_space<hbm>>
      %dma_start3A_981 = arith.constant 52 : i32
      %dma_start3A_982 = arith.constant 0 : i32
      %dma_start3A_983 = tpu.memref_slice %arg6[%dma_start3A_969, %dma_start3A_981, %dma_start3A_982] : memref<4x104x64xf32, #tpu.memory_space<vmem>> -> memref<1x26x64xf32, #tpu.memory_space<vmem>>
      %dma_start3A_984 = tpu.memref_squeeze %dma_start3A_983 : memref<1x26x64xf32, #tpu.memory_space<vmem>> -> memref<26x64xf32, #tpu.memory_space<vmem>>
      tpu.enqueue_dma source(%dma_start3A_984 : memref<26x64xf32, #tpu.memory_space<vmem>>) target(%dma_start3A_980 : memref<26x64xf32, #tpu.memory_space<hbm>>) target_semaphore(%dma_start3A_978 : memref<!tpu.dma_semaphore, #tpu.memory_space<semaphore_mem>>)
      %add3A_985 = arith.addi %mul3A_2, %add3A_901 : i32
      %mul3A_986 = arith.constant 4 : i32
      %mul3A_987 = arith.muli %add3A_985, %mul3A_986 : i32
      %add3A_988 = arith.constant 3 : i32
      %add3A_989 = arith.addi %mul3A_987, %add3A_988 : i32
      %mul3A_990 = arith.constant 32 : i32
      %mul3A_991 = arith.muli %add3A_989, %mul3A_990 : i32
      %dma_start3A_992 = arith.constant 0 : i32
      %dma_start3A_993 = arith.constant 0 : i32
      %dma_start3A_994 = arith.constant 78 : i32
      %dma_start3A_995 = arith.constant 0 : i32
      %dma_start3A_996 = tpu.memref_slice %arg6[%dma_start3A_992, %dma_start3A_994, %dma_start3A_995] : memref<4x104x64xf32, #tpu.memory_space<vmem>> -> memref<1x26x64xf32, #tpu.memory_space<vmem>>
      %dma_start3A_997 = tpu.memref_squeeze %dma_start3A_996 : memref<1x26x64xf32, #tpu.memory_space<vmem>> -> memref<26x64xf32, #tpu.memory_space<vmem>>
      %dma_start3A_998 = arith.constant 0 : i32
      %dma_start3A_999 = tpu.memref_slice %arg4[%mul3A_991, %dma_start3A_998] : memref<524288x128xf32, #tpu.memory_space<hbm>> -> memref<26x64xf32, #tpu.memory_space<hbm>>
      %dma_start3A_1000 = tpu.memref_slice %arg8[%dma_start3A_993] : memref<4x!tpu.dma_semaphore, #tpu.memory_space<semaphore_mem>> -> memref<1x!tpu.dma_semaphore, #tpu.memory_space<semaphore_mem>>
      %dma_start3A_1001 = tpu.memref_squeeze %dma_start3A_1000 : memref<1x!tpu.dma_semaphore, #tpu.memory_space<semaphore_mem>> -> memref<!tpu.dma_semaphore, #tpu.memory_space<semaphore_mem>>
      %dma_start3A_1002 = arith.constant 0 : i32
      %dma_start3A_1003 = tpu.memref_slice %arg4[%mul3A_991, %dma_start3A_1002] : memref<524288x128xf32, #tpu.memory_space<hbm>> -> memref<26x64xf32, #tpu.memory_space<hbm>>
      %dma_start3A_1004 = arith.constant 78 : i32
      %dma_start3A_1005 = arith.constant 0 : i32
      %dma_start3A_1006 = tpu.memref_slice %arg6[%dma_start3A_992, %dma_start3A_1004, %dma_start3A_1005] : memref<4x104x64xf32, #tpu.memory_space<vmem>> -> memref<1x26x64xf32, #tpu.memory_space<vmem>>
      %dma_start3A_1007 = tpu.memref_squeeze %dma_start3A_1006 : memref<1x26x64xf32, #tpu.memory_space<vmem>> -> memref<26x64xf32, #tpu.memory_space<vmem>>
      tpu.enqueue_dma source(%dma_start3A_1007 : memref<26x64xf32, #tpu.memory_space<vmem>>) target(%dma_start3A_1003 : memref<26x64xf32, #tpu.memory_space<hbm>>) target_semaphore(%dma_start3A_1001 : memref<!tpu.dma_semaphore, #tpu.memory_space<semaphore_mem>>)
      %add3A_1008 = arith.addi %mul3A_2, %add3A_901 : i32
      %mul3A_1009 = arith.constant 4 : i32
      %mul3A_1010 = arith.muli %add3A_1008, %mul3A_1009 : i32
      %add3A_1011 = arith.constant 0 : i32
      %add3A_1012 = arith.addi %mul3A_1010, %add3A_1011 : i32
      %mul3A_1013 = arith.constant 32 : i32
      %mul3A_1014 = arith.muli %add3A_1012, %mul3A_1013 : i32
      %dma_wait3A_1015 = arith.constant 0 : i32
      %dma_wait3A_1016 = arith.constant 0 : i32
      %dma_wait3A_1017 = arith.constant 0 : i32
      %dma_wait3A_1018 = arith.constant 0 : i32
      %dma_wait3A_1019 = tpu.memref_slice %arg6[%dma_wait3A_1015, %dma_wait3A_1017, %dma_wait3A_1018] : memref<4x104x64xf32, #tpu.memory_space<vmem>> -> memref<1x26x64xf32, #tpu.memory_space<vmem>>
      %dma_wait3A_1020 = tpu.memref_squeeze %dma_wait3A_1019 : memref<1x26x64xf32, #tpu.memory_space<vmem>> -> memref<26x64xf32, #tpu.memory_space<vmem>>
      %dma_wait3A_1021 = arith.constant 0 : i32
      %dma_wait3A_1022 = tpu.memref_slice %arg4[%mul3A_1014, %dma_wait3A_1021] : memref<524288x128xf32, #tpu.memory_space<hbm>> -> memref<26x64xf32, #tpu.memory_space<hbm>>
      %dma_wait3A_1023 = tpu.memref_slice %arg8[%dma_wait3A_1016] : memref<4x!tpu.dma_semaphore, #tpu.memory_space<semaphore_mem>> -> memref<1x!tpu.dma_semaphore, #tpu.memory_space<semaphore_mem>>
      %dma_wait3A_1024 = tpu.memref_squeeze %dma_wait3A_1023 : memref<1x!tpu.dma_semaphore, #tpu.memory_space<semaphore_mem>> -> memref<!tpu.dma_semaphore, #tpu.memory_space<semaphore_mem>>
      %dma_wait3A_1025 = arith.constant 0 : i32
      %dma_wait3A_1026 = tpu.memref_slice %arg4[%mul3A_1014, %dma_wait3A_1025] : memref<524288x128xf32, #tpu.memory_space<hbm>> -> memref<26x64xf32, #tpu.memory_space<hbm>>
      %dma_wait3A_1027 = arith.constant 0 : i32
      %dma_wait3A_1028 = arith.constant 0 : i32
      %dma_wait3A_1029 = tpu.memref_slice %arg6[%dma_wait3A_1015, %dma_wait3A_1027, %dma_wait3A_1028] : memref<4x104x64xf32, #tpu.memory_space<vmem>> -> memref<1x26x64xf32, #tpu.memory_space<vmem>>
      %dma_wait3A_1030 = tpu.memref_squeeze %dma_wait3A_1029 : memref<1x26x64xf32, #tpu.memory_space<vmem>> -> memref<26x64xf32, #tpu.memory_space<vmem>>
      tpu.wait_dma2 semaphore(%dma_wait3A_1024 : memref<!tpu.dma_semaphore, #tpu.memory_space<semaphore_mem>>) src(%dma_wait3A_1030 : memref<26x64xf32, #tpu.memory_space<vmem>>) dst(%dma_wait3A_1026 : memref<26x64xf32, #tpu.memory_space<hbm>>)
      %add3A_1031 = arith.addi %mul3A_2, %add3A_901 : i32
      %mul3A_1032 = arith.constant 4 : i32
      %mul3A_1033 = arith.muli %add3A_1031, %mul3A_1032 : i32
      %add3A_1034 = arith.constant 1 : i32
      %add3A_1035 = arith.addi %mul3A_1033, %add3A_1034 : i32
      %mul3A_1036 = arith.constant 32 : i32
      %mul3A_1037 = arith.muli %add3A_1035, %mul3A_1036 : i32
      %dma_wait3A_1038 = arith.constant 0 : i32
      %dma_wait3A_1039 = arith.constant 0 : i32
      %dma_wait3A_1040 = arith.constant 26 : i32
      %dma_wait3A_1041 = arith.constant 0 : i32
      %dma_wait3A_1042 = tpu.memref_slice %arg6[%dma_wait3A_1038, %dma_wait3A_1040, %dma_wait3A_1041] : memref<4x104x64xf32, #tpu.memory_space<vmem>> -> memref<1x26x64xf32, #tpu.memory_space<vmem>>
      %dma_wait3A_1043 = tpu.memref_squeeze %dma_wait3A_1042 : memref<1x26x64xf32, #tpu.memory_space<vmem>> -> memref<26x64xf32, #tpu.memory_space<vmem>>
      %dma_wait3A_1044 = arith.constant 0 : i32
      %dma_wait3A_1045 = tpu.memref_slice %arg4[%mul3A_1037, %dma_wait3A_1044] : memref<524288x128xf32, #tpu.memory_space<hbm>> -> memref<26x64xf32, #tpu.memory_space<hbm>>
      %dma_wait3A_1046 = tpu.memref_slice %arg8[%dma_wait3A_1039] : memref<4x!tpu.dma_semaphore, #tpu.memory_space<semaphore_mem>> -> memref<1x!tpu.dma_semaphore, #tpu.memory_space<semaphore_mem>>
      %dma_wait3A_1047 = tpu.memref_squeeze %dma_wait3A_1046 : memref<1x!tpu.dma_semaphore, #tpu.memory_space<semaphore_mem>> -> memref<!tpu.dma_semaphore, #tpu.memory_space<semaphore_mem>>
      %dma_wait3A_1048 = arith.constant 0 : i32
      %dma_wait3A_1049 = tpu.memref_slice %arg4[%mul3A_1037, %dma_wait3A_1048] : memref<524288x128xf32, #tpu.memory_space<hbm>> -> memref<26x64xf32, #tpu.memory_space<hbm>>
      %dma_wait3A_1050 = arith.constant 26 : i32
      %dma_wait3A_1051 = arith.constant 0 : i32
      %dma_wait3A_1052 = tpu.memref_slice %arg6[%dma_wait3A_1038, %dma_wait3A_1050, %dma_wait3A_1051] : memref<4x104x64xf32, #tpu.memory_space<vmem>> -> memref<1x26x64xf32, #tpu.memory_space<vmem>>
      %dma_wait3A_1053 = tpu.memref_squeeze %dma_wait3A_1052 : memref<1x26x64xf32, #tpu.memory_space<vmem>> -> memref<26x64xf32, #tpu.memory_space<vmem>>
      tpu.wait_dma2 semaphore(%dma_wait3A_1047 : memref<!tpu.dma_semaphore, #tpu.memory_space<semaphore_mem>>) src(%dma_wait3A_1053 : memref<26x64xf32, #tpu.memory_space<vmem>>) dst(%dma_wait3A_1049 : memref<26x64xf32, #tpu.memory_space<hbm>>)
      %add3A_1054 = arith.addi %mul3A_2, %add3A_901 : i32
      %mul3A_1055 = arith.constant 4 : i32
      %mul3A_1056 = arith.muli %add3A_1054, %mul3A_1055 : i32
      %add3A_1057 = arith.constant 2 : i32
      %add3A_1058 = arith.addi %mul3A_1056, %add3A_1057 : i32
      %mul3A_1059 = arith.constant 32 : i32
      %mul3A_1060 = arith.muli %add3A_1058, %mul3A_1059 : i32
      %dma_wait3A_1061 = arith.constant 0 : i32
      %dma_wait3A_1062 = arith.constant 0 : i32
      %dma_wait3A_1063 = arith.constant 52 : i32
      %dma_wait3A_1064 = arith.constant 0 : i32
      %dma_wait3A_1065 = tpu.memref_slice %arg6[%dma_wait3A_1061, %dma_wait3A_1063, %dma_wait3A_1064] : memref<4x104x64xf32, #tpu.memory_space<vmem>> -> memref<1x26x64xf32, #tpu.memory_space<vmem>>
      %dma_wait3A_1066 = tpu.memref_squeeze %dma_wait3A_1065 : memref<1x26x64xf32, #tpu.memory_space<vmem>> -> memref<26x64xf32, #tpu.memory_space<vmem>>
      %dma_wait3A_1067 = arith.constant 0 : i32
      %dma_wait3A_1068 = tpu.memref_slice %arg4[%mul3A_1060, %dma_wait3A_1067] : memref<524288x128xf32, #tpu.memory_space<hbm>> -> memref<26x64xf32, #tpu.memory_space<hbm>>
      %dma_wait3A_1069 = tpu.memref_slice %arg8[%dma_wait3A_1062] : memref<4x!tpu.dma_semaphore, #tpu.memory_space<semaphore_mem>> -> memref<1x!tpu.dma_semaphore, #tpu.memory_space<semaphore_mem>>
      %dma_wait3A_1070 = tpu.memref_squeeze %dma_wait3A_1069 : memref<1x!tpu.dma_semaphore, #tpu.memory_space<semaphore_mem>> -> memref<!tpu.dma_semaphore, #tpu.memory_space<semaphore_mem>>
      %dma_wait3A_1071 = arith.constant 0 : i32
      %dma_wait3A_1072 = tpu.memref_slice %arg4[%mul3A_1060, %dma_wait3A_1071] : memref<524288x128xf32, #tpu.memory_space<hbm>> -> memref<26x64xf32, #tpu.memory_space<hbm>>
      %dma_wait3A_1073 = arith.constant 52 : i32
      %dma_wait3A_1074 = arith.constant 0 : i32
      %dma_wait3A_1075 = tpu.memref_slice %arg6[%dma_wait3A_1061, %dma_wait3A_1073, %dma_wait3A_1074] : memref<4x104x64xf32, #tpu.memory_space<vmem>> -> memref<1x26x64xf32, #tpu.memory_space<vmem>>
      %dma_wait3A_1076 = tpu.memref_squeeze %dma_wait3A_1075 : memref<1x26x64xf32, #tpu.memory_space<vmem>> -> memref<26x64xf32, #tpu.memory_space<vmem>>
      tpu.wait_dma2 semaphore(%dma_wait3A_1070 : memref<!tpu.dma_semaphore, #tpu.memory_space<semaphore_mem>>) src(%dma_wait3A_1076 : memref<26x64xf32, #tpu.memory_space<vmem>>) dst(%dma_wait3A_1072 : memref<26x64xf32, #tpu.memory_space<hbm>>)
      %add3A_1077 = arith.addi %mul3A_2, %add3A_901 : i32
      %mul3A_1078 = arith.constant 4 : i32
      %mul3A_1079 = arith.muli %add3A_1077, %mul3A_1078 : i32
      %add3A_1080 = arith.constant 3 : i32
      %add3A_1081 = arith.addi %mul3A_1079, %add3A_1080 : i32
      %mul3A_1082 = arith.constant 32 : i32
      %mul3A_1083 = arith.muli %add3A_1081, %mul3A_1082 : i32
      %dma_wait3A_1084 = arith.constant 0 : i32
      %dma_wait3A_1085 = arith.constant 0 : i32
      %dma_wait3A_1086 = arith.constant 78 : i32
      %dma_wait3A_1087 = arith.constant 0 : i32
      %dma_wait3A_1088 = tpu.memref_slice %arg6[%dma_wait3A_1084, %dma_wait3A_1086, %dma_wait3A_1087] : memref<4x104x64xf32, #tpu.memory_space<vmem>> -> memref<1x26x64xf32, #tpu.memory_space<vmem>>
      %dma_wait3A_1089 = tpu.memref_squeeze %dma_wait3A_1088 : memref<1x26x64xf32, #tpu.memory_space<vmem>> -> memref<26x64xf32, #tpu.memory_space<vmem>>
      %dma_wait3A_1090 = arith.constant 0 : i32
      %dma_wait3A_1091 = tpu.memref_slice %arg4[%mul3A_1083, %dma_wait3A_1090] : memref<524288x128xf32, #tpu.memory_space<hbm>> -> memref<26x64xf32, #tpu.memory_space<hbm>>
      %dma_wait3A_1092 = tpu.memref_slice %arg8[%dma_wait3A_1085] : memref<4x!tpu.dma_semaphore, #tpu.memory_space<semaphore_mem>> -> memref<1x!tpu.dma_semaphore, #tpu.memory_space<semaphore_mem>>
      %dma_wait3A_1093 = tpu.memref_squeeze %dma_wait3A_1092 : memref<1x!tpu.dma_semaphore, #tpu.memory_space<semaphore_mem>> -> memref<!tpu.dma_semaphore, #tpu.memory_space<semaphore_mem>>
      %dma_wait3A_1094 = arith.constant 0 : i32
      %dma_wait3A_1095 = tpu.memref_slice %arg4[%mul3A_1083, %dma_wait3A_1094] : memref<524288x128xf32, #tpu.memory_space<hbm>> -> memref<26x64xf32, #tpu.memory_space<hbm>>
      %dma_wait3A_1096 = arith.constant 78 : i32
      %dma_wait3A_1097 = arith.constant 0 : i32
      %dma_wait3A_1098 = tpu.memref_slice %arg6[%dma_wait3A_1084, %dma_wait3A_1096, %dma_wait3A_1097] : memref<4x104x64xf32, #tpu.memory_space<vmem>> -> memref<1x26x64xf32, #tpu.memory_space<vmem>>
      %dma_wait3A_1099 = tpu.memref_squeeze %dma_wait3A_1098 : memref<1x26x64xf32, #tpu.memory_space<vmem>> -> memref<26x64xf32, #tpu.memory_space<vmem>>
      tpu.wait_dma2 semaphore(%dma_wait3A_1093 : memref<!tpu.dma_semaphore, #tpu.memory_space<semaphore_mem>>) src(%dma_wait3A_1099 : memref<26x64xf32, #tpu.memory_space<vmem>>) dst(%dma_wait3A_1095 : memref<26x64xf32, #tpu.memory_space<hbm>>)
      %add3A_1100 = arith.constant 4 : i32
      %add3A_1101 = arith.addi %add3A_901, %add3A_1100 : i32
      %dma_start3A_1102 = arith.constant 0 : i32
      %dma_start3A_1103 = arith.constant 0 : i32
      %dma_start3A_1104 = arith.constant 0 : i32
      %dma_start3A_1105 = arith.constant 0 : i32
      %dma_start3A_1106 = tpu.memref_slice %arg6[%dma_start3A_1102, %dma_start3A_1104, %dma_start3A_1105] : memref<4x104x64xf32, #tpu.memory_space<vmem>> -> memref<1x104x64xf32, #tpu.memory_space<vmem>>
      %dma_start3A_1107 = tpu.memref_squeeze %dma_start3A_1106 : memref<1x104x64xf32, #tpu.memory_space<vmem>> -> memref<104x64xf32, #tpu.memory_space<vmem>>
      %dma_start3A_1108 = arith.constant 0 : i32
      %dma_start3A_1109 = tpu.memref_slice %arg5[%add3A_1101, %dma_start3A_1108] : memref<128x104xi32, #tpu.memory_space<vmem>> -> memref<1x104xi32, #tpu.memory_space<vmem>>
      %dma_start3A_1110 = tpu.memref_squeeze %dma_start3A_1109 : memref<1x104xi32, #tpu.memory_space<vmem>> -> memref<104xi32, #tpu.memory_space<vmem>>
      %dma_start3A_1111 = arith.constant 0 : i32
      %dma_start3A_1112 = arith.constant 0 : i32
      %dma_start3A_1113 = tpu.memref_slice %arg3[%dma_start3A_1111, %dma_start3A_1112] : memref<1000000x64xf32, #tpu.memory_space<hbm>> -> memref<1000000x64xf32, #tpu.memory_space<hbm>>
      %dma_start3A_1114 = tpu.memref_slice %arg7[%dma_start3A_1103] : memref<4x!tpu.dma_semaphore, #tpu.memory_space<semaphore_mem>> -> memref<1x!tpu.dma_semaphore, #tpu.memory_space<semaphore_mem>>
      %dma_start3A_1115 = tpu.memref_squeeze %dma_start3A_1114 : memref<1x!tpu.dma_semaphore, #tpu.memory_space<semaphore_mem>> -> memref<!tpu.dma_semaphore, #tpu.memory_space<semaphore_mem>>
      tpu.enqueue_indirect_dma source(%dma_start3A_1113 : memref<1000000x64xf32, #tpu.memory_space<hbm>>) target(%dma_start3A_1107 : memref<104x64xf32, #tpu.memory_space<vmem>>) offsets(%dma_start3A_1110 : memref<104xi32, #tpu.memory_space<vmem>>) semaphore(%dma_start3A_1115 : memref<!tpu.dma_semaphore, #tpu.memory_space<semaphore_mem>>)
      %mul3A_1116 = arith.constant 4 : i32
      %mul3A_1117 = arith.muli %add3A_897, %mul3A_1116 : i32
      %add3A_1118 = arith.constant 1 : i32
      %add3A_1119 = arith.addi %mul3A_1117, %add3A_1118 : i32
      %dma_wait3A_1120 = arith.constant 1 : i32
      %dma_wait3A_1121 = arith.constant 1 : i32
      %dma_wait3A_1122 = arith.constant 0 : i32
      %dma_wait3A_1123 = arith.constant 0 : i32
      %dma_wait3A_1124 = tpu.memref_slice %arg6[%dma_wait3A_1120, %dma_wait3A_1122, %dma_wait3A_1123] : memref<4x104x64xf32, #tpu.memory_space<vmem>> -> memref<1x104x64xf32, #tpu.memory_space<vmem>>
      %dma_wait3A_1125 = tpu.memref_squeeze %dma_wait3A_1124 : memref<1x104x64xf32, #tpu.memory_space<vmem>> -> memref<104x64xf32, #tpu.memory_space<vmem>>
      %dma_wait3A_1126 = arith.constant 0 : i32
      %dma_wait3A_1127 = tpu.memref_slice %arg5[%add3A_1119, %dma_wait3A_1126] : memref<128x104xi32, #tpu.memory_space<vmem>> -> memref<1x104xi32, #tpu.memory_space<vmem>>
      %dma_wait3A_1128 = tpu.memref_squeeze %dma_wait3A_1127 : memref<1x104xi32, #tpu.memory_space<vmem>> -> memref<104xi32, #tpu.memory_space<vmem>>
      %dma_wait3A_1129 = arith.constant 0 : i32
      %dma_wait3A_1130 = arith.constant 0 : i32
      %dma_wait3A_1131 = tpu.memref_slice %arg3[%dma_wait3A_1129, %dma_wait3A_1130] : memref<1000000x64xf32, #tpu.memory_space<hbm>> -> memref<1000000x64xf32, #tpu.memory_space<hbm>>
      %dma_wait3A_1132 = tpu.memref_slice %arg7[%dma_wait3A_1121] : memref<4x!tpu.dma_semaphore, #tpu.memory_space<semaphore_mem>> -> memref<1x!tpu.dma_semaphore, #tpu.memory_space<semaphore_mem>>
      %dma_wait3A_1133 = tpu.memref_squeeze %dma_wait3A_1132 : memref<1x!tpu.dma_semaphore, #tpu.memory_space<semaphore_mem>> -> memref<!tpu.dma_semaphore, #tpu.memory_space<semaphore_mem>>
      tpu.wait_indirect_dma semaphore(%dma_wait3A_1133 : memref<!tpu.dma_semaphore, #tpu.memory_space<semaphore_mem>>) src(%dma_wait3A_1131 : memref<1000000x64xf32, #tpu.memory_space<hbm>>) dst(%dma_wait3A_1125 : memref<104x64xf32, #tpu.memory_space<vmem>>)
      %add3A_1134 = arith.addi %mul3A_2, %add3A_1119 : i32
      %mul3A_1135 = arith.constant 4 : i32
      %mul3A_1136 = arith.muli %add3A_1134, %mul3A_1135 : i32
      %add3A_1137 = arith.constant 0 : i32
      %add3A_1138 = arith.addi %mul3A_1136, %add3A_1137 : i32
      %mul3A_1139 = arith.constant 32 : i32
      %mul3A_1140 = arith.muli %add3A_1138, %mul3A_1139 : i32
      %dma_start3A_1141 = arith.constant 1 : i32
      %dma_start3A_1142 = arith.constant 1 : i32
      %dma_start3A_1143 = arith.constant 0 : i32
      %dma_start3A_1144 = arith.constant 0 : i32
      %dma_start3A_1145 = tpu.memref_slice %arg6[%dma_start3A_1141, %dma_start3A_1143, %dma_start3A_1144] : memref<4x104x64xf32, #tpu.memory_space<vmem>> -> memref<1x26x64xf32, #tpu.memory_space<vmem>>
      %dma_start3A_1146 = tpu.memref_squeeze %dma_start3A_1145 : memref<1x26x64xf32, #tpu.memory_space<vmem>> -> memref<26x64xf32, #tpu.memory_space<vmem>>
      %dma_start3A_1147 = arith.constant 0 : i32
      %dma_start3A_1148 = tpu.memref_slice %arg4[%mul3A_1140, %dma_start3A_1147] : memref<524288x128xf32, #tpu.memory_space<hbm>> -> memref<26x64xf32, #tpu.memory_space<hbm>>
      %dma_start3A_1149 = tpu.memref_slice %arg8[%dma_start3A_1142] : memref<4x!tpu.dma_semaphore, #tpu.memory_space<semaphore_mem>> -> memref<1x!tpu.dma_semaphore, #tpu.memory_space<semaphore_mem>>
      %dma_start3A_1150 = tpu.memref_squeeze %dma_start3A_1149 : memref<1x!tpu.dma_semaphore, #tpu.memory_space<semaphore_mem>> -> memref<!tpu.dma_semaphore, #tpu.memory_space<semaphore_mem>>
      %dma_start3A_1151 = arith.constant 0 : i32
      %dma_start3A_1152 = tpu.memref_slice %arg4[%mul3A_1140, %dma_start3A_1151] : memref<524288x128xf32, #tpu.memory_space<hbm>> -> memref<26x64xf32, #tpu.memory_space<hbm>>
      %dma_start3A_1153 = arith.constant 0 : i32
      %dma_start3A_1154 = arith.constant 0 : i32
      %dma_start3A_1155 = tpu.memref_slice %arg6[%dma_start3A_1141, %dma_start3A_1153, %dma_start3A_1154] : memref<4x104x64xf32, #tpu.memory_space<vmem>> -> memref<1x26x64xf32, #tpu.memory_space<vmem>>
      %dma_start3A_1156 = tpu.memref_squeeze %dma_start3A_1155 : memref<1x26x64xf32, #tpu.memory_space<vmem>> -> memref<26x64xf32, #tpu.memory_space<vmem>>
      tpu.enqueue_dma source(%dma_start3A_1156 : memref<26x64xf32, #tpu.memory_space<vmem>>) target(%dma_start3A_1152 : memref<26x64xf32, #tpu.memory_space<hbm>>) target_semaphore(%dma_start3A_1150 : memref<!tpu.dma_semaphore, #tpu.memory_space<semaphore_mem>>)
      %add3A_1157 = arith.addi %mul3A_2, %add3A_1119 : i32
      %mul3A_1158 = arith.constant 4 : i32
      %mul3A_1159 = arith.muli %add3A_1157, %mul3A_1158 : i32
      %add3A_1160 = arith.constant 1 : i32
      %add3A_1161 = arith.addi %mul3A_1159, %add3A_1160 : i32
      %mul3A_1162 = arith.constant 32 : i32
      %mul3A_1163 = arith.muli %add3A_1161, %mul3A_1162 : i32
      %dma_start3A_1164 = arith.constant 1 : i32
      %dma_start3A_1165 = arith.constant 1 : i32
      %dma_start3A_1166 = arith.constant 26 : i32
      %dma_start3A_1167 = arith.constant 0 : i32
      %dma_start3A_1168 = tpu.memref_slice %arg6[%dma_start3A_1164, %dma_start3A_1166, %dma_start3A_1167] : memref<4x104x64xf32, #tpu.memory_space<vmem>> -> memref<1x26x64xf32, #tpu.memory_space<vmem>>
      %dma_start3A_1169 = tpu.memref_squeeze %dma_start3A_1168 : memref<1x26x64xf32, #tpu.memory_space<vmem>> -> memref<26x64xf32, #tpu.memory_space<vmem>>
      %dma_start3A_1170 = arith.constant 0 : i32
      %dma_start3A_1171 = tpu.memref_slice %arg4[%mul3A_1163, %dma_start3A_1170] : memref<524288x128xf32, #tpu.memory_space<hbm>> -> memref<26x64xf32, #tpu.memory_space<hbm>>
      %dma_start3A_1172 = tpu.memref_slice %arg8[%dma_start3A_1165] : memref<4x!tpu.dma_semaphore, #tpu.memory_space<semaphore_mem>> -> memref<1x!tpu.dma_semaphore, #tpu.memory_space<semaphore_mem>>
      %dma_start3A_1173 = tpu.memref_squeeze %dma_start3A_1172 : memref<1x!tpu.dma_semaphore, #tpu.memory_space<semaphore_mem>> -> memref<!tpu.dma_semaphore, #tpu.memory_space<semaphore_mem>>
      %dma_start3A_1174 = arith.constant 0 : i32
      %dma_start3A_1175 = tpu.memref_slice %arg4[%mul3A_1163, %dma_start3A_1174] : memref<524288x128xf32, #tpu.memory_space<hbm>> -> memref<26x64xf32, #tpu.memory_space<hbm>>
      %dma_start3A_1176 = arith.constant 26 : i32
      %dma_start3A_1177 = arith.constant 0 : i32
      %dma_start3A_1178 = tpu.memref_slice %arg6[%dma_start3A_1164, %dma_start3A_1176, %dma_start3A_1177] : memref<4x104x64xf32, #tpu.memory_space<vmem>> -> memref<1x26x64xf32, #tpu.memory_space<vmem>>
      %dma_start3A_1179 = tpu.memref_squeeze %dma_start3A_1178 : memref<1x26x64xf32, #tpu.memory_space<vmem>> -> memref<26x64xf32, #tpu.memory_space<vmem>>
      tpu.enqueue_dma source(%dma_start3A_1179 : memref<26x64xf32, #tpu.memory_space<vmem>>) target(%dma_start3A_1175 : memref<26x64xf32, #tpu.memory_space<hbm>>) target_semaphore(%dma_start3A_1173 : memref<!tpu.dma_semaphore, #tpu.memory_space<semaphore_mem>>)
      %add3A_1180 = arith.addi %mul3A_2, %add3A_1119 : i32
      %mul3A_1181 = arith.constant 4 : i32
      %mul3A_1182 = arith.muli %add3A_1180, %mul3A_1181 : i32
      %add3A_1183 = arith.constant 2 : i32
      %add3A_1184 = arith.addi %mul3A_1182, %add3A_1183 : i32
      %mul3A_1185 = arith.constant 32 : i32
      %mul3A_1186 = arith.muli %add3A_1184, %mul3A_1185 : i32
      %dma_start3A_1187 = arith.constant 1 : i32
      %dma_start3A_1188 = arith.constant 1 : i32
      %dma_start3A_1189 = arith.constant 52 : i32
      %dma_start3A_1190 = arith.constant 0 : i32
      %dma_start3A_1191 = tpu.memref_slice %arg6[%dma_start3A_1187, %dma_start3A_1189, %dma_start3A_1190] : memref<4x104x64xf32, #tpu.memory_space<vmem>> -> memref<1x26x64xf32, #tpu.memory_space<vmem>>
      %dma_start3A_1192 = tpu.memref_squeeze %dma_start3A_1191 : memref<1x26x64xf32, #tpu.memory_space<vmem>> -> memref<26x64xf32, #tpu.memory_space<vmem>>
      %dma_start3A_1193 = arith.constant 0 : i32
      %dma_start3A_1194 = tpu.memref_slice %arg4[%mul3A_1186, %dma_start3A_1193] : memref<524288x128xf32, #tpu.memory_space<hbm>> -> memref<26x64xf32, #tpu.memory_space<hbm>>
      %dma_start3A_1195 = tpu.memref_slice %arg8[%dma_start3A_1188] : memref<4x!tpu.dma_semaphore, #tpu.memory_space<semaphore_mem>> -> memref<1x!tpu.dma_semaphore, #tpu.memory_space<semaphore_mem>>
      %dma_start3A_1196 = tpu.memref_squeeze %dma_start3A_1195 : memref<1x!tpu.dma_semaphore, #tpu.memory_space<semaphore_mem>> -> memref<!tpu.dma_semaphore, #tpu.memory_space<semaphore_mem>>
      %dma_start3A_1197 = arith.constant 0 : i32
      %dma_start3A_1198 = tpu.memref_slice %arg4[%mul3A_1186, %dma_start3A_1197] : memref<524288x128xf32, #tpu.memory_space<hbm>> -> memref<26x64xf32, #tpu.memory_space<hbm>>
      %dma_start3A_1199 = arith.constant 52 : i32
      %dma_start3A_1200 = arith.constant 0 : i32
      %dma_start3A_1201 = tpu.memref_slice %arg6[%dma_start3A_1187, %dma_start3A_1199, %dma_start3A_1200] : memref<4x104x64xf32, #tpu.memory_space<vmem>> -> memref<1x26x64xf32, #tpu.memory_space<vmem>>
      %dma_start3A_1202 = tpu.memref_squeeze %dma_start3A_1201 : memref<1x26x64xf32, #tpu.memory_space<vmem>> -> memref<26x64xf32, #tpu.memory_space<vmem>>
      tpu.enqueue_dma source(%dma_start3A_1202 : memref<26x64xf32, #tpu.memory_space<vmem>>) target(%dma_start3A_1198 : memref<26x64xf32, #tpu.memory_space<hbm>>) target_semaphore(%dma_start3A_1196 : memref<!tpu.dma_semaphore, #tpu.memory_space<semaphore_mem>>)
      %add3A_1203 = arith.addi %mul3A_2, %add3A_1119 : i32
      %mul3A_1204 = arith.constant 4 : i32
      %mul3A_1205 = arith.muli %add3A_1203, %mul3A_1204 : i32
      %add3A_1206 = arith.constant 3 : i32
      %add3A_1207 = arith.addi %mul3A_1205, %add3A_1206 : i32
      %mul3A_1208 = arith.constant 32 : i32
      %mul3A_1209 = arith.muli %add3A_1207, %mul3A_1208 : i32
      %dma_start3A_1210 = arith.constant 1 : i32
      %dma_start3A_1211 = arith.constant 1 : i32
      %dma_start3A_1212 = arith.constant 78 : i32
      %dma_start3A_1213 = arith.constant 0 : i32
      %dma_start3A_1214 = tpu.memref_slice %arg6[%dma_start3A_1210, %dma_start3A_1212, %dma_start3A_1213] : memref<4x104x64xf32, #tpu.memory_space<vmem>> -> memref<1x26x64xf32, #tpu.memory_space<vmem>>
      %dma_start3A_1215 = tpu.memref_squeeze %dma_start3A_1214 : memref<1x26x64xf32, #tpu.memory_space<vmem>> -> memref<26x64xf32, #tpu.memory_space<vmem>>
      %dma_start3A_1216 = arith.constant 0 : i32
      %dma_start3A_1217 = tpu.memref_slice %arg4[%mul3A_1209, %dma_start3A_1216] : memref<524288x128xf32, #tpu.memory_space<hbm>> -> memref<26x64xf32, #tpu.memory_space<hbm>>
      %dma_start3A_1218 = tpu.memref_slice %arg8[%dma_start3A_1211] : memref<4x!tpu.dma_semaphore, #tpu.memory_space<semaphore_mem>> -> memref<1x!tpu.dma_semaphore, #tpu.memory_space<semaphore_mem>>
      %dma_start3A_1219 = tpu.memref_squeeze %dma_start3A_1218 : memref<1x!tpu.dma_semaphore, #tpu.memory_space<semaphore_mem>> -> memref<!tpu.dma_semaphore, #tpu.memory_space<semaphore_mem>>
      %dma_start3A_1220 = arith.constant 0 : i32
      %dma_start3A_1221 = tpu.memref_slice %arg4[%mul3A_1209, %dma_start3A_1220] : memref<524288x128xf32, #tpu.memory_space<hbm>> -> memref<26x64xf32, #tpu.memory_space<hbm>>
      %dma_start3A_1222 = arith.constant 78 : i32
      %dma_start3A_1223 = arith.constant 0 : i32
      %dma_start3A_1224 = tpu.memref_slice %arg6[%dma_start3A_1210, %dma_start3A_1222, %dma_start3A_1223] : memref<4x104x64xf32, #tpu.memory_space<vmem>> -> memref<1x26x64xf32, #tpu.memory_space<vmem>>
      %dma_start3A_1225 = tpu.memref_squeeze %dma_start3A_1224 : memref<1x26x64xf32, #tpu.memory_space<vmem>> -> memref<26x64xf32, #tpu.memory_space<vmem>>
      tpu.enqueue_dma source(%dma_start3A_1225 : memref<26x64xf32, #tpu.memory_space<vmem>>) target(%dma_start3A_1221 : memref<26x64xf32, #tpu.memory_space<hbm>>) target_semaphore(%dma_start3A_1219 : memref<!tpu.dma_semaphore, #tpu.memory_space<semaphore_mem>>)
      %add3A_1226 = arith.addi %mul3A_2, %add3A_1119 : i32
      %mul3A_1227 = arith.constant 4 : i32
      %mul3A_1228 = arith.muli %add3A_1226, %mul3A_1227 : i32
      %add3A_1229 = arith.constant 0 : i32
      %add3A_1230 = arith.addi %mul3A_1228, %add3A_1229 : i32
      %mul3A_1231 = arith.constant 32 : i32
      %mul3A_1232 = arith.muli %add3A_1230, %mul3A_1231 : i32
      %dma_wait3A_1233 = arith.constant 1 : i32
      %dma_wait3A_1234 = arith.constant 1 : i32
      %dma_wait3A_1235 = arith.constant 0 : i32
      %dma_wait3A_1236 = arith.constant 0 : i32
      %dma_wait3A_1237 = tpu.memref_slice %arg6[%dma_wait3A_1233, %dma_wait3A_1235, %dma_wait3A_1236] : memref<4x104x64xf32, #tpu.memory_space<vmem>> -> memref<1x26x64xf32, #tpu.memory_space<vmem>>
      %dma_wait3A_1238 = tpu.memref_squeeze %dma_wait3A_1237 : memref<1x26x64xf32, #tpu.memory_space<vmem>> -> memref<26x64xf32, #tpu.memory_space<vmem>>
      %dma_wait3A_1239 = arith.constant 0 : i32
      %dma_wait3A_1240 = tpu.memref_slice %arg4[%mul3A_1232, %dma_wait3A_1239] : memref<524288x128xf32, #tpu.memory_space<hbm>> -> memref<26x64xf32, #tpu.memory_space<hbm>>
      %dma_wait3A_1241 = tpu.memref_slice %arg8[%dma_wait3A_1234] : memref<4x!tpu.dma_semaphore, #tpu.memory_space<semaphore_mem>> -> memref<1x!tpu.dma_semaphore, #tpu.memory_space<semaphore_mem>>
      %dma_wait3A_1242 = tpu.memref_squeeze %dma_wait3A_1241 : memref<1x!tpu.dma_semaphore, #tpu.memory_space<semaphore_mem>> -> memref<!tpu.dma_semaphore, #tpu.memory_space<semaphore_mem>>
      %dma_wait3A_1243 = arith.constant 0 : i32
      %dma_wait3A_1244 = tpu.memref_slice %arg4[%mul3A_1232, %dma_wait3A_1243] : memref<524288x128xf32, #tpu.memory_space<hbm>> -> memref<26x64xf32, #tpu.memory_space<hbm>>
      %dma_wait3A_1245 = arith.constant 0 : i32
      %dma_wait3A_1246 = arith.constant 0 : i32
      %dma_wait3A_1247 = tpu.memref_slice %arg6[%dma_wait3A_1233, %dma_wait3A_1245, %dma_wait3A_1246] : memref<4x104x64xf32, #tpu.memory_space<vmem>> -> memref<1x26x64xf32, #tpu.memory_space<vmem>>
      %dma_wait3A_1248 = tpu.memref_squeeze %dma_wait3A_1247 : memref<1x26x64xf32, #tpu.memory_space<vmem>> -> memref<26x64xf32, #tpu.memory_space<vmem>>
      tpu.wait_dma2 semaphore(%dma_wait3A_1242 : memref<!tpu.dma_semaphore, #tpu.memory_space<semaphore_mem>>) src(%dma_wait3A_1248 : memref<26x64xf32, #tpu.memory_space<vmem>>) dst(%dma_wait3A_1244 : memref<26x64xf32, #tpu.memory_space<hbm>>)
      %add3A_1249 = arith.addi %mul3A_2, %add3A_1119 : i32
      %mul3A_1250 = arith.constant 4 : i32
      %mul3A_1251 = arith.muli %add3A_1249, %mul3A_1250 : i32
      %add3A_1252 = arith.constant 1 : i32
      %add3A_1253 = arith.addi %mul3A_1251, %add3A_1252 : i32
      %mul3A_1254 = arith.constant 32 : i32
      %mul3A_1255 = arith.muli %add3A_1253, %mul3A_1254 : i32
      %dma_wait3A_1256 = arith.constant 1 : i32
      %dma_wait3A_1257 = arith.constant 1 : i32
      %dma_wait3A_1258 = arith.constant 26 : i32
      %dma_wait3A_1259 = arith.constant 0 : i32
      %dma_wait3A_1260 = tpu.memref_slice %arg6[%dma_wait3A_1256, %dma_wait3A_1258, %dma_wait3A_1259] : memref<4x104x64xf32, #tpu.memory_space<vmem>> -> memref<1x26x64xf32, #tpu.memory_space<vmem>>
      %dma_wait3A_1261 = tpu.memref_squeeze %dma_wait3A_1260 : memref<1x26x64xf32, #tpu.memory_space<vmem>> -> memref<26x64xf32, #tpu.memory_space<vmem>>
      %dma_wait3A_1262 = arith.constant 0 : i32
      %dma_wait3A_1263 = tpu.memref_slice %arg4[%mul3A_1255, %dma_wait3A_1262] : memref<524288x128xf32, #tpu.memory_space<hbm>> -> memref<26x64xf32, #tpu.memory_space<hbm>>
      %dma_wait3A_1264 = tpu.memref_slice %arg8[%dma_wait3A_1257] : memref<4x!tpu.dma_semaphore, #tpu.memory_space<semaphore_mem>> -> memref<1x!tpu.dma_semaphore, #tpu.memory_space<semaphore_mem>>
      %dma_wait3A_1265 = tpu.memref_squeeze %dma_wait3A_1264 : memref<1x!tpu.dma_semaphore, #tpu.memory_space<semaphore_mem>> -> memref<!tpu.dma_semaphore, #tpu.memory_space<semaphore_mem>>
      %dma_wait3A_1266 = arith.constant 0 : i32
      %dma_wait3A_1267 = tpu.memref_slice %arg4[%mul3A_1255, %dma_wait3A_1266] : memref<524288x128xf32, #tpu.memory_space<hbm>> -> memref<26x64xf32, #tpu.memory_space<hbm>>
      %dma_wait3A_1268 = arith.constant 26 : i32
      %dma_wait3A_1269 = arith.constant 0 : i32
      %dma_wait3A_1270 = tpu.memref_slice %arg6[%dma_wait3A_1256, %dma_wait3A_1268, %dma_wait3A_1269] : memref<4x104x64xf32, #tpu.memory_space<vmem>> -> memref<1x26x64xf32, #tpu.memory_space<vmem>>
      %dma_wait3A_1271 = tpu.memref_squeeze %dma_wait3A_1270 : memref<1x26x64xf32, #tpu.memory_space<vmem>> -> memref<26x64xf32, #tpu.memory_space<vmem>>
      tpu.wait_dma2 semaphore(%dma_wait3A_1265 : memref<!tpu.dma_semaphore, #tpu.memory_space<semaphore_mem>>) src(%dma_wait3A_1271 : memref<26x64xf32, #tpu.memory_space<vmem>>) dst(%dma_wait3A_1267 : memref<26x64xf32, #tpu.memory_space<hbm>>)
      %add3A_1272 = arith.addi %mul3A_2, %add3A_1119 : i32
      %mul3A_1273 = arith.constant 4 : i32
      %mul3A_1274 = arith.muli %add3A_1272, %mul3A_1273 : i32
      %add3A_1275 = arith.constant 2 : i32
      %add3A_1276 = arith.addi %mul3A_1274, %add3A_1275 : i32
      %mul3A_1277 = arith.constant 32 : i32
      %mul3A_1278 = arith.muli %add3A_1276, %mul3A_1277 : i32
      %dma_wait3A_1279 = arith.constant 1 : i32
      %dma_wait3A_1280 = arith.constant 1 : i32
      %dma_wait3A_1281 = arith.constant 52 : i32
      %dma_wait3A_1282 = arith.constant 0 : i32
      %dma_wait3A_1283 = tpu.memref_slice %arg6[%dma_wait3A_1279, %dma_wait3A_1281, %dma_wait3A_1282] : memref<4x104x64xf32, #tpu.memory_space<vmem>> -> memref<1x26x64xf32, #tpu.memory_space<vmem>>
      %dma_wait3A_1284 = tpu.memref_squeeze %dma_wait3A_1283 : memref<1x26x64xf32, #tpu.memory_space<vmem>> -> memref<26x64xf32, #tpu.memory_space<vmem>>
      %dma_wait3A_1285 = arith.constant 0 : i32
      %dma_wait3A_1286 = tpu.memref_slice %arg4[%mul3A_1278, %dma_wait3A_1285] : memref<524288x128xf32, #tpu.memory_space<hbm>> -> memref<26x64xf32, #tpu.memory_space<hbm>>
      %dma_wait3A_1287 = tpu.memref_slice %arg8[%dma_wait3A_1280] : memref<4x!tpu.dma_semaphore, #tpu.memory_space<semaphore_mem>> -> memref<1x!tpu.dma_semaphore, #tpu.memory_space<semaphore_mem>>
      %dma_wait3A_1288 = tpu.memref_squeeze %dma_wait3A_1287 : memref<1x!tpu.dma_semaphore, #tpu.memory_space<semaphore_mem>> -> memref<!tpu.dma_semaphore, #tpu.memory_space<semaphore_mem>>
      %dma_wait3A_1289 = arith.constant 0 : i32
      %dma_wait3A_1290 = tpu.memref_slice %arg4[%mul3A_1278, %dma_wait3A_1289] : memref<524288x128xf32, #tpu.memory_space<hbm>> -> memref<26x64xf32, #tpu.memory_space<hbm>>
      %dma_wait3A_1291 = arith.constant 52 : i32
      %dma_wait3A_1292 = arith.constant 0 : i32
      %dma_wait3A_1293 = tpu.memref_slice %arg6[%dma_wait3A_1279, %dma_wait3A_1291, %dma_wait3A_1292] : memref<4x104x64xf32, #tpu.memory_space<vmem>> -> memref<1x26x64xf32, #tpu.memory_space<vmem>>
      %dma_wait3A_1294 = tpu.memref_squeeze %dma_wait3A_1293 : memref<1x26x64xf32, #tpu.memory_space<vmem>> -> memref<26x64xf32, #tpu.memory_space<vmem>>
      tpu.wait_dma2 semaphore(%dma_wait3A_1288 : memref<!tpu.dma_semaphore, #tpu.memory_space<semaphore_mem>>) src(%dma_wait3A_1294 : memref<26x64xf32, #tpu.memory_space<vmem>>) dst(%dma_wait3A_1290 : memref<26x64xf32, #tpu.memory_space<hbm>>)
      %add3A_1295 = arith.addi %mul3A_2, %add3A_1119 : i32
      %mul3A_1296 = arith.constant 4 : i32
      %mul3A_1297 = arith.muli %add3A_1295, %mul3A_1296 : i32
      %add3A_1298 = arith.constant 3 : i32
      %add3A_1299 = arith.addi %mul3A_1297, %add3A_1298 : i32
      %mul3A_1300 = arith.constant 32 : i32
      %mul3A_1301 = arith.muli %add3A_1299, %mul3A_1300 : i32
      %dma_wait3A_1302 = arith.constant 1 : i32
      %dma_wait3A_1303 = arith.constant 1 : i32
      %dma_wait3A_1304 = arith.constant 78 : i32
      %dma_wait3A_1305 = arith.constant 0 : i32
      %dma_wait3A_1306 = tpu.memref_slice %arg6[%dma_wait3A_1302, %dma_wait3A_1304, %dma_wait3A_1305] : memref<4x104x64xf32, #tpu.memory_space<vmem>> -> memref<1x26x64xf32, #tpu.memory_space<vmem>>
      %dma_wait3A_1307 = tpu.memref_squeeze %dma_wait3A_1306 : memref<1x26x64xf32, #tpu.memory_space<vmem>> -> memref<26x64xf32, #tpu.memory_space<vmem>>
      %dma_wait3A_1308 = arith.constant 0 : i32
      %dma_wait3A_1309 = tpu.memref_slice %arg4[%mul3A_1301, %dma_wait3A_1308] : memref<524288x128xf32, #tpu.memory_space<hbm>> -> memref<26x64xf32, #tpu.memory_space<hbm>>
      %dma_wait3A_1310 = tpu.memref_slice %arg8[%dma_wait3A_1303] : memref<4x!tpu.dma_semaphore, #tpu.memory_space<semaphore_mem>> -> memref<1x!tpu.dma_semaphore, #tpu.memory_space<semaphore_mem>>
      %dma_wait3A_1311 = tpu.memref_squeeze %dma_wait3A_1310 : memref<1x!tpu.dma_semaphore, #tpu.memory_space<semaphore_mem>> -> memref<!tpu.dma_semaphore, #tpu.memory_space<semaphore_mem>>
      %dma_wait3A_1312 = arith.constant 0 : i32
      %dma_wait3A_1313 = tpu.memref_slice %arg4[%mul3A_1301, %dma_wait3A_1312] : memref<524288x128xf32, #tpu.memory_space<hbm>> -> memref<26x64xf32, #tpu.memory_space<hbm>>
      %dma_wait3A_1314 = arith.constant 78 : i32
      %dma_wait3A_1315 = arith.constant 0 : i32
      %dma_wait3A_1316 = tpu.memref_slice %arg6[%dma_wait3A_1302, %dma_wait3A_1314, %dma_wait3A_1315] : memref<4x104x64xf32, #tpu.memory_space<vmem>> -> memref<1x26x64xf32, #tpu.memory_space<vmem>>
      %dma_wait3A_1317 = tpu.memref_squeeze %dma_wait3A_1316 : memref<1x26x64xf32, #tpu.memory_space<vmem>> -> memref<26x64xf32, #tpu.memory_space<vmem>>
      tpu.wait_dma2 semaphore(%dma_wait3A_1311 : memref<!tpu.dma_semaphore, #tpu.memory_space<semaphore_mem>>) src(%dma_wait3A_1317 : memref<26x64xf32, #tpu.memory_space<vmem>>) dst(%dma_wait3A_1313 : memref<26x64xf32, #tpu.memory_space<hbm>>)
      %add3A_1318 = arith.constant 4 : i32
      %add3A_1319 = arith.addi %add3A_1119, %add3A_1318 : i32
      %dma_start3A_1320 = arith.constant 1 : i32
      %dma_start3A_1321 = arith.constant 1 : i32
      %dma_start3A_1322 = arith.constant 0 : i32
      %dma_start3A_1323 = arith.constant 0 : i32
      %dma_start3A_1324 = tpu.memref_slice %arg6[%dma_start3A_1320, %dma_start3A_1322, %dma_start3A_1323] : memref<4x104x64xf32, #tpu.memory_space<vmem>> -> memref<1x104x64xf32, #tpu.memory_space<vmem>>
      %dma_start3A_1325 = tpu.memref_squeeze %dma_start3A_1324 : memref<1x104x64xf32, #tpu.memory_space<vmem>> -> memref<104x64xf32, #tpu.memory_space<vmem>>
      %dma_start3A_1326 = arith.constant 0 : i32
      %dma_start3A_1327 = tpu.memref_slice %arg5[%add3A_1319, %dma_start3A_1326] : memref<128x104xi32, #tpu.memory_space<vmem>> -> memref<1x104xi32, #tpu.memory_space<vmem>>
      %dma_start3A_1328 = tpu.memref_squeeze %dma_start3A_1327 : memref<1x104xi32, #tpu.memory_space<vmem>> -> memref<104xi32, #tpu.memory_space<vmem>>
      %dma_start3A_1329 = arith.constant 0 : i32
      %dma_start3A_1330 = arith.constant 0 : i32
      %dma_start3A_1331 = tpu.memref_slice %arg3[%dma_start3A_1329, %dma_start3A_1330] : memref<1000000x64xf32, #tpu.memory_space<hbm>> -> memref<1000000x64xf32, #tpu.memory_space<hbm>>
      %dma_start3A_1332 = tpu.memref_slice %arg7[%dma_start3A_1321] : memref<4x!tpu.dma_semaphore, #tpu.memory_space<semaphore_mem>> -> memref<1x!tpu.dma_semaphore, #tpu.memory_space<semaphore_mem>>
      %dma_start3A_1333 = tpu.memref_squeeze %dma_start3A_1332 : memref<1x!tpu.dma_semaphore, #tpu.memory_space<semaphore_mem>> -> memref<!tpu.dma_semaphore, #tpu.memory_space<semaphore_mem>>
      tpu.enqueue_indirect_dma source(%dma_start3A_1331 : memref<1000000x64xf32, #tpu.memory_space<hbm>>) target(%dma_start3A_1325 : memref<104x64xf32, #tpu.memory_space<vmem>>) offsets(%dma_start3A_1328 : memref<104xi32, #tpu.memory_space<vmem>>) semaphore(%dma_start3A_1333 : memref<!tpu.dma_semaphore, #tpu.memory_space<semaphore_mem>>)
      %mul3A_1334 = arith.constant 4 : i32
      %mul3A_1335 = arith.muli %add3A_897, %mul3A_1334 : i32
      %add3A_1336 = arith.constant 2 : i32
      %add3A_1337 = arith.addi %mul3A_1335, %add3A_1336 : i32
      %dma_wait3A_1338 = arith.constant 2 : i32
      %dma_wait3A_1339 = arith.constant 2 : i32
      %dma_wait3A_1340 = arith.constant 0 : i32
      %dma_wait3A_1341 = arith.constant 0 : i32
      %dma_wait3A_1342 = tpu.memref_slice %arg6[%dma_wait3A_1338, %dma_wait3A_1340, %dma_wait3A_1341] : memref<4x104x64xf32, #tpu.memory_space<vmem>> -> memref<1x104x64xf32, #tpu.memory_space<vmem>>
      %dma_wait3A_1343 = tpu.memref_squeeze %dma_wait3A_1342 : memref<1x104x64xf32, #tpu.memory_space<vmem>> -> memref<104x64xf32, #tpu.memory_space<vmem>>
      %dma_wait3A_1344 = arith.constant 0 : i32
      %dma_wait3A_1345 = tpu.memref_slice %arg5[%add3A_1337, %dma_wait3A_1344] : memref<128x104xi32, #tpu.memory_space<vmem>> -> memref<1x104xi32, #tpu.memory_space<vmem>>
      %dma_wait3A_1346 = tpu.memref_squeeze %dma_wait3A_1345 : memref<1x104xi32, #tpu.memory_space<vmem>> -> memref<104xi32, #tpu.memory_space<vmem>>
      %dma_wait3A_1347 = arith.constant 0 : i32
      %dma_wait3A_1348 = arith.constant 0 : i32
      %dma_wait3A_1349 = tpu.memref_slice %arg3[%dma_wait3A_1347, %dma_wait3A_1348] : memref<1000000x64xf32, #tpu.memory_space<hbm>> -> memref<1000000x64xf32, #tpu.memory_space<hbm>>
      %dma_wait3A_1350 = tpu.memref_slice %arg7[%dma_wait3A_1339] : memref<4x!tpu.dma_semaphore, #tpu.memory_space<semaphore_mem>> -> memref<1x!tpu.dma_semaphore, #tpu.memory_space<semaphore_mem>>
      %dma_wait3A_1351 = tpu.memref_squeeze %dma_wait3A_1350 : memref<1x!tpu.dma_semaphore, #tpu.memory_space<semaphore_mem>> -> memref<!tpu.dma_semaphore, #tpu.memory_space<semaphore_mem>>
      tpu.wait_indirect_dma semaphore(%dma_wait3A_1351 : memref<!tpu.dma_semaphore, #tpu.memory_space<semaphore_mem>>) src(%dma_wait3A_1349 : memref<1000000x64xf32, #tpu.memory_space<hbm>>) dst(%dma_wait3A_1343 : memref<104x64xf32, #tpu.memory_space<vmem>>)
      %add3A_1352 = arith.addi %mul3A_2, %add3A_1337 : i32
      %mul3A_1353 = arith.constant 4 : i32
      %mul3A_1354 = arith.muli %add3A_1352, %mul3A_1353 : i32
      %add3A_1355 = arith.constant 0 : i32
      %add3A_1356 = arith.addi %mul3A_1354, %add3A_1355 : i32
      %mul3A_1357 = arith.constant 32 : i32
      %mul3A_1358 = arith.muli %add3A_1356, %mul3A_1357 : i32
      %dma_start3A_1359 = arith.constant 2 : i32
      %dma_start3A_1360 = arith.constant 2 : i32
      %dma_start3A_1361 = arith.constant 0 : i32
      %dma_start3A_1362 = arith.constant 0 : i32
      %dma_start3A_1363 = tpu.memref_slice %arg6[%dma_start3A_1359, %dma_start3A_1361, %dma_start3A_1362] : memref<4x104x64xf32, #tpu.memory_space<vmem>> -> memref<1x26x64xf32, #tpu.memory_space<vmem>>
      %dma_start3A_1364 = tpu.memref_squeeze %dma_start3A_1363 : memref<1x26x64xf32, #tpu.memory_space<vmem>> -> memref<26x64xf32, #tpu.memory_space<vmem>>
      %dma_start3A_1365 = arith.constant 0 : i32
      %dma_start3A_1366 = tpu.memref_slice %arg4[%mul3A_1358, %dma_start3A_1365] : memref<524288x128xf32, #tpu.memory_space<hbm>> -> memref<26x64xf32, #tpu.memory_space<hbm>>
      %dma_start3A_1367 = tpu.memref_slice %arg8[%dma_start3A_1360] : memref<4x!tpu.dma_semaphore, #tpu.memory_space<semaphore_mem>> -> memref<1x!tpu.dma_semaphore, #tpu.memory_space<semaphore_mem>>
      %dma_start3A_1368 = tpu.memref_squeeze %dma_start3A_1367 : memref<1x!tpu.dma_semaphore, #tpu.memory_space<semaphore_mem>> -> memref<!tpu.dma_semaphore, #tpu.memory_space<semaphore_mem>>
      %dma_start3A_1369 = arith.constant 0 : i32
      %dma_start3A_1370 = tpu.memref_slice %arg4[%mul3A_1358, %dma_start3A_1369] : memref<524288x128xf32, #tpu.memory_space<hbm>> -> memref<26x64xf32, #tpu.memory_space<hbm>>
      %dma_start3A_1371 = arith.constant 0 : i32
      %dma_start3A_1372 = arith.constant 0 : i32
      %dma_start3A_1373 = tpu.memref_slice %arg6[%dma_start3A_1359, %dma_start3A_1371, %dma_start3A_1372] : memref<4x104x64xf32, #tpu.memory_space<vmem>> -> memref<1x26x64xf32, #tpu.memory_space<vmem>>
      %dma_start3A_1374 = tpu.memref_squeeze %dma_start3A_1373 : memref<1x26x64xf32, #tpu.memory_space<vmem>> -> memref<26x64xf32, #tpu.memory_space<vmem>>
      tpu.enqueue_dma source(%dma_start3A_1374 : memref<26x64xf32, #tpu.memory_space<vmem>>) target(%dma_start3A_1370 : memref<26x64xf32, #tpu.memory_space<hbm>>) target_semaphore(%dma_start3A_1368 : memref<!tpu.dma_semaphore, #tpu.memory_space<semaphore_mem>>)
      %add3A_1375 = arith.addi %mul3A_2, %add3A_1337 : i32
      %mul3A_1376 = arith.constant 4 : i32
      %mul3A_1377 = arith.muli %add3A_1375, %mul3A_1376 : i32
      %add3A_1378 = arith.constant 1 : i32
      %add3A_1379 = arith.addi %mul3A_1377, %add3A_1378 : i32
      %mul3A_1380 = arith.constant 32 : i32
      %mul3A_1381 = arith.muli %add3A_1379, %mul3A_1380 : i32
      %dma_start3A_1382 = arith.constant 2 : i32
      %dma_start3A_1383 = arith.constant 2 : i32
      %dma_start3A_1384 = arith.constant 26 : i32
      %dma_start3A_1385 = arith.constant 0 : i32
      %dma_start3A_1386 = tpu.memref_slice %arg6[%dma_start3A_1382, %dma_start3A_1384, %dma_start3A_1385] : memref<4x104x64xf32, #tpu.memory_space<vmem>> -> memref<1x26x64xf32, #tpu.memory_space<vmem>>
      %dma_start3A_1387 = tpu.memref_squeeze %dma_start3A_1386 : memref<1x26x64xf32, #tpu.memory_space<vmem>> -> memref<26x64xf32, #tpu.memory_space<vmem>>
      %dma_start3A_1388 = arith.constant 0 : i32
      %dma_start3A_1389 = tpu.memref_slice %arg4[%mul3A_1381, %dma_start3A_1388] : memref<524288x128xf32, #tpu.memory_space<hbm>> -> memref<26x64xf32, #tpu.memory_space<hbm>>
      %dma_start3A_1390 = tpu.memref_slice %arg8[%dma_start3A_1383] : memref<4x!tpu.dma_semaphore, #tpu.memory_space<semaphore_mem>> -> memref<1x!tpu.dma_semaphore, #tpu.memory_space<semaphore_mem>>
      %dma_start3A_1391 = tpu.memref_squeeze %dma_start3A_1390 : memref<1x!tpu.dma_semaphore, #tpu.memory_space<semaphore_mem>> -> memref<!tpu.dma_semaphore, #tpu.memory_space<semaphore_mem>>
      %dma_start3A_1392 = arith.constant 0 : i32
      %dma_start3A_1393 = tpu.memref_slice %arg4[%mul3A_1381, %dma_start3A_1392] : memref<524288x128xf32, #tpu.memory_space<hbm>> -> memref<26x64xf32, #tpu.memory_space<hbm>>
      %dma_start3A_1394 = arith.constant 26 : i32
      %dma_start3A_1395 = arith.constant 0 : i32
      %dma_start3A_1396 = tpu.memref_slice %arg6[%dma_start3A_1382, %dma_start3A_1394, %dma_start3A_1395] : memref<4x104x64xf32, #tpu.memory_space<vmem>> -> memref<1x26x64xf32, #tpu.memory_space<vmem>>
      %dma_start3A_1397 = tpu.memref_squeeze %dma_start3A_1396 : memref<1x26x64xf32, #tpu.memory_space<vmem>> -> memref<26x64xf32, #tpu.memory_space<vmem>>
      tpu.enqueue_dma source(%dma_start3A_1397 : memref<26x64xf32, #tpu.memory_space<vmem>>) target(%dma_start3A_1393 : memref<26x64xf32, #tpu.memory_space<hbm>>) target_semaphore(%dma_start3A_1391 : memref<!tpu.dma_semaphore, #tpu.memory_space<semaphore_mem>>)
      %add3A_1398 = arith.addi %mul3A_2, %add3A_1337 : i32
      %mul3A_1399 = arith.constant 4 : i32
      %mul3A_1400 = arith.muli %add3A_1398, %mul3A_1399 : i32
      %add3A_1401 = arith.constant 2 : i32
      %add3A_1402 = arith.addi %mul3A_1400, %add3A_1401 : i32
      %mul3A_1403 = arith.constant 32 : i32
      %mul3A_1404 = arith.muli %add3A_1402, %mul3A_1403 : i32
      %dma_start3A_1405 = arith.constant 2 : i32
      %dma_start3A_1406 = arith.constant 2 : i32
      %dma_start3A_1407 = arith.constant 52 : i32
      %dma_start3A_1408 = arith.constant 0 : i32
      %dma_start3A_1409 = tpu.memref_slice %arg6[%dma_start3A_1405, %dma_start3A_1407, %dma_start3A_1408] : memref<4x104x64xf32, #tpu.memory_space<vmem>> -> memref<1x26x64xf32, #tpu.memory_space<vmem>>
      %dma_start3A_1410 = tpu.memref_squeeze %dma_start3A_1409 : memref<1x26x64xf32, #tpu.memory_space<vmem>> -> memref<26x64xf32, #tpu.memory_space<vmem>>
      %dma_start3A_1411 = arith.constant 0 : i32
      %dma_start3A_1412 = tpu.memref_slice %arg4[%mul3A_1404, %dma_start3A_1411] : memref<524288x128xf32, #tpu.memory_space<hbm>> -> memref<26x64xf32, #tpu.memory_space<hbm>>
      %dma_start3A_1413 = tpu.memref_slice %arg8[%dma_start3A_1406] : memref<4x!tpu.dma_semaphore, #tpu.memory_space<semaphore_mem>> -> memref<1x!tpu.dma_semaphore, #tpu.memory_space<semaphore_mem>>
      %dma_start3A_1414 = tpu.memref_squeeze %dma_start3A_1413 : memref<1x!tpu.dma_semaphore, #tpu.memory_space<semaphore_mem>> -> memref<!tpu.dma_semaphore, #tpu.memory_space<semaphore_mem>>
      %dma_start3A_1415 = arith.constant 0 : i32
      %dma_start3A_1416 = tpu.memref_slice %arg4[%mul3A_1404, %dma_start3A_1415] : memref<524288x128xf32, #tpu.memory_space<hbm>> -> memref<26x64xf32, #tpu.memory_space<hbm>>
      %dma_start3A_1417 = arith.constant 52 : i32
      %dma_start3A_1418 = arith.constant 0 : i32
      %dma_start3A_1419 = tpu.memref_slice %arg6[%dma_start3A_1405, %dma_start3A_1417, %dma_start3A_1418] : memref<4x104x64xf32, #tpu.memory_space<vmem>> -> memref<1x26x64xf32, #tpu.memory_space<vmem>>
      %dma_start3A_1420 = tpu.memref_squeeze %dma_start3A_1419 : memref<1x26x64xf32, #tpu.memory_space<vmem>> -> memref<26x64xf32, #tpu.memory_space<vmem>>
      tpu.enqueue_dma source(%dma_start3A_1420 : memref<26x64xf32, #tpu.memory_space<vmem>>) target(%dma_start3A_1416 : memref<26x64xf32, #tpu.memory_space<hbm>>) target_semaphore(%dma_start3A_1414 : memref<!tpu.dma_semaphore, #tpu.memory_space<semaphore_mem>>)
      %add3A_1421 = arith.addi %mul3A_2, %add3A_1337 : i32
      %mul3A_1422 = arith.constant 4 : i32
      %mul3A_1423 = arith.muli %add3A_1421, %mul3A_1422 : i32
      %add3A_1424 = arith.constant 3 : i32
      %add3A_1425 = arith.addi %mul3A_1423, %add3A_1424 : i32
      %mul3A_1426 = arith.constant 32 : i32
      %mul3A_1427 = arith.muli %add3A_1425, %mul3A_1426 : i32
      %dma_start3A_1428 = arith.constant 2 : i32
      %dma_start3A_1429 = arith.constant 2 : i32
      %dma_start3A_1430 = arith.constant 78 : i32
      %dma_start3A_1431 = arith.constant 0 : i32
      %dma_start3A_1432 = tpu.memref_slice %arg6[%dma_start3A_1428, %dma_start3A_1430, %dma_start3A_1431] : memref<4x104x64xf32, #tpu.memory_space<vmem>> -> memref<1x26x64xf32, #tpu.memory_space<vmem>>
      %dma_start3A_1433 = tpu.memref_squeeze %dma_start3A_1432 : memref<1x26x64xf32, #tpu.memory_space<vmem>> -> memref<26x64xf32, #tpu.memory_space<vmem>>
      %dma_start3A_1434 = arith.constant 0 : i32
      %dma_start3A_1435 = tpu.memref_slice %arg4[%mul3A_1427, %dma_start3A_1434] : memref<524288x128xf32, #tpu.memory_space<hbm>> -> memref<26x64xf32, #tpu.memory_space<hbm>>
      %dma_start3A_1436 = tpu.memref_slice %arg8[%dma_start3A_1429] : memref<4x!tpu.dma_semaphore, #tpu.memory_space<semaphore_mem>> -> memref<1x!tpu.dma_semaphore, #tpu.memory_space<semaphore_mem>>
      %dma_start3A_1437 = tpu.memref_squeeze %dma_start3A_1436 : memref<1x!tpu.dma_semaphore, #tpu.memory_space<semaphore_mem>> -> memref<!tpu.dma_semaphore, #tpu.memory_space<semaphore_mem>>
      %dma_start3A_1438 = arith.constant 0 : i32
      %dma_start3A_1439 = tpu.memref_slice %arg4[%mul3A_1427, %dma_start3A_1438] : memref<524288x128xf32, #tpu.memory_space<hbm>> -> memref<26x64xf32, #tpu.memory_space<hbm>>
      %dma_start3A_1440 = arith.constant 78 : i32
      %dma_start3A_1441 = arith.constant 0 : i32
      %dma_start3A_1442 = tpu.memref_slice %arg6[%dma_start3A_1428, %dma_start3A_1440, %dma_start3A_1441] : memref<4x104x64xf32, #tpu.memory_space<vmem>> -> memref<1x26x64xf32, #tpu.memory_space<vmem>>
      %dma_start3A_1443 = tpu.memref_squeeze %dma_start3A_1442 : memref<1x26x64xf32, #tpu.memory_space<vmem>> -> memref<26x64xf32, #tpu.memory_space<vmem>>
      tpu.enqueue_dma source(%dma_start3A_1443 : memref<26x64xf32, #tpu.memory_space<vmem>>) target(%dma_start3A_1439 : memref<26x64xf32, #tpu.memory_space<hbm>>) target_semaphore(%dma_start3A_1437 : memref<!tpu.dma_semaphore, #tpu.memory_space<semaphore_mem>>)
      %add3A_1444 = arith.addi %mul3A_2, %add3A_1337 : i32
      %mul3A_1445 = arith.constant 4 : i32
      %mul3A_1446 = arith.muli %add3A_1444, %mul3A_1445 : i32
      %add3A_1447 = arith.constant 0 : i32
      %add3A_1448 = arith.addi %mul3A_1446, %add3A_1447 : i32
      %mul3A_1449 = arith.constant 32 : i32
      %mul3A_1450 = arith.muli %add3A_1448, %mul3A_1449 : i32
      %dma_wait3A_1451 = arith.constant 2 : i32
      %dma_wait3A_1452 = arith.constant 2 : i32
      %dma_wait3A_1453 = arith.constant 0 : i32
      %dma_wait3A_1454 = arith.constant 0 : i32
      %dma_wait3A_1455 = tpu.memref_slice %arg6[%dma_wait3A_1451, %dma_wait3A_1453, %dma_wait3A_1454] : memref<4x104x64xf32, #tpu.memory_space<vmem>> -> memref<1x26x64xf32, #tpu.memory_space<vmem>>
      %dma_wait3A_1456 = tpu.memref_squeeze %dma_wait3A_1455 : memref<1x26x64xf32, #tpu.memory_space<vmem>> -> memref<26x64xf32, #tpu.memory_space<vmem>>
      %dma_wait3A_1457 = arith.constant 0 : i32
      %dma_wait3A_1458 = tpu.memref_slice %arg4[%mul3A_1450, %dma_wait3A_1457] : memref<524288x128xf32, #tpu.memory_space<hbm>> -> memref<26x64xf32, #tpu.memory_space<hbm>>
      %dma_wait3A_1459 = tpu.memref_slice %arg8[%dma_wait3A_1452] : memref<4x!tpu.dma_semaphore, #tpu.memory_space<semaphore_mem>> -> memref<1x!tpu.dma_semaphore, #tpu.memory_space<semaphore_mem>>
      %dma_wait3A_1460 = tpu.memref_squeeze %dma_wait3A_1459 : memref<1x!tpu.dma_semaphore, #tpu.memory_space<semaphore_mem>> -> memref<!tpu.dma_semaphore, #tpu.memory_space<semaphore_mem>>
      %dma_wait3A_1461 = arith.constant 0 : i32
      %dma_wait3A_1462 = tpu.memref_slice %arg4[%mul3A_1450, %dma_wait3A_1461] : memref<524288x128xf32, #tpu.memory_space<hbm>> -> memref<26x64xf32, #tpu.memory_space<hbm>>
      %dma_wait3A_1463 = arith.constant 0 : i32
      %dma_wait3A_1464 = arith.constant 0 : i32
      %dma_wait3A_1465 = tpu.memref_slice %arg6[%dma_wait3A_1451, %dma_wait3A_1463, %dma_wait3A_1464] : memref<4x104x64xf32, #tpu.memory_space<vmem>> -> memref<1x26x64xf32, #tpu.memory_space<vmem>>
      %dma_wait3A_1466 = tpu.memref_squeeze %dma_wait3A_1465 : memref<1x26x64xf32, #tpu.memory_space<vmem>> -> memref<26x64xf32, #tpu.memory_space<vmem>>
      tpu.wait_dma2 semaphore(%dma_wait3A_1460 : memref<!tpu.dma_semaphore, #tpu.memory_space<semaphore_mem>>) src(%dma_wait3A_1466 : memref<26x64xf32, #tpu.memory_space<vmem>>) dst(%dma_wait3A_1462 : memref<26x64xf32, #tpu.memory_space<hbm>>)
      %add3A_1467 = arith.addi %mul3A_2, %add3A_1337 : i32
      %mul3A_1468 = arith.constant 4 : i32
      %mul3A_1469 = arith.muli %add3A_1467, %mul3A_1468 : i32
      %add3A_1470 = arith.constant 1 : i32
      %add3A_1471 = arith.addi %mul3A_1469, %add3A_1470 : i32
      %mul3A_1472 = arith.constant 32 : i32
      %mul3A_1473 = arith.muli %add3A_1471, %mul3A_1472 : i32
      %dma_wait3A_1474 = arith.constant 2 : i32
      %dma_wait3A_1475 = arith.constant 2 : i32
      %dma_wait3A_1476 = arith.constant 26 : i32
      %dma_wait3A_1477 = arith.constant 0 : i32
      %dma_wait3A_1478 = tpu.memref_slice %arg6[%dma_wait3A_1474, %dma_wait3A_1476, %dma_wait3A_1477] : memref<4x104x64xf32, #tpu.memory_space<vmem>> -> memref<1x26x64xf32, #tpu.memory_space<vmem>>
      %dma_wait3A_1479 = tpu.memref_squeeze %dma_wait3A_1478 : memref<1x26x64xf32, #tpu.memory_space<vmem>> -> memref<26x64xf32, #tpu.memory_space<vmem>>
      %dma_wait3A_1480 = arith.constant 0 : i32
      %dma_wait3A_1481 = tpu.memref_slice %arg4[%mul3A_1473, %dma_wait3A_1480] : memref<524288x128xf32, #tpu.memory_space<hbm>> -> memref<26x64xf32, #tpu.memory_space<hbm>>
      %dma_wait3A_1482 = tpu.memref_slice %arg8[%dma_wait3A_1475] : memref<4x!tpu.dma_semaphore, #tpu.memory_space<semaphore_mem>> -> memref<1x!tpu.dma_semaphore, #tpu.memory_space<semaphore_mem>>
      %dma_wait3A_1483 = tpu.memref_squeeze %dma_wait3A_1482 : memref<1x!tpu.dma_semaphore, #tpu.memory_space<semaphore_mem>> -> memref<!tpu.dma_semaphore, #tpu.memory_space<semaphore_mem>>
      %dma_wait3A_1484 = arith.constant 0 : i32
      %dma_wait3A_1485 = tpu.memref_slice %arg4[%mul3A_1473, %dma_wait3A_1484] : memref<524288x128xf32, #tpu.memory_space<hbm>> -> memref<26x64xf32, #tpu.memory_space<hbm>>
      %dma_wait3A_1486 = arith.constant 26 : i32
      %dma_wait3A_1487 = arith.constant 0 : i32
      %dma_wait3A_1488 = tpu.memref_slice %arg6[%dma_wait3A_1474, %dma_wait3A_1486, %dma_wait3A_1487] : memref<4x104x64xf32, #tpu.memory_space<vmem>> -> memref<1x26x64xf32, #tpu.memory_space<vmem>>
      %dma_wait3A_1489 = tpu.memref_squeeze %dma_wait3A_1488 : memref<1x26x64xf32, #tpu.memory_space<vmem>> -> memref<26x64xf32, #tpu.memory_space<vmem>>
      tpu.wait_dma2 semaphore(%dma_wait3A_1483 : memref<!tpu.dma_semaphore, #tpu.memory_space<semaphore_mem>>) src(%dma_wait3A_1489 : memref<26x64xf32, #tpu.memory_space<vmem>>) dst(%dma_wait3A_1485 : memref<26x64xf32, #tpu.memory_space<hbm>>)
      %add3A_1490 = arith.addi %mul3A_2, %add3A_1337 : i32
      %mul3A_1491 = arith.constant 4 : i32
      %mul3A_1492 = arith.muli %add3A_1490, %mul3A_1491 : i32
      %add3A_1493 = arith.constant 2 : i32
      %add3A_1494 = arith.addi %mul3A_1492, %add3A_1493 : i32
      %mul3A_1495 = arith.constant 32 : i32
      %mul3A_1496 = arith.muli %add3A_1494, %mul3A_1495 : i32
      %dma_wait3A_1497 = arith.constant 2 : i32
      %dma_wait3A_1498 = arith.constant 2 : i32
      %dma_wait3A_1499 = arith.constant 52 : i32
      %dma_wait3A_1500 = arith.constant 0 : i32
      %dma_wait3A_1501 = tpu.memref_slice %arg6[%dma_wait3A_1497, %dma_wait3A_1499, %dma_wait3A_1500] : memref<4x104x64xf32, #tpu.memory_space<vmem>> -> memref<1x26x64xf32, #tpu.memory_space<vmem>>
      %dma_wait3A_1502 = tpu.memref_squeeze %dma_wait3A_1501 : memref<1x26x64xf32, #tpu.memory_space<vmem>> -> memref<26x64xf32, #tpu.memory_space<vmem>>
      %dma_wait3A_1503 = arith.constant 0 : i32
      %dma_wait3A_1504 = tpu.memref_slice %arg4[%mul3A_1496, %dma_wait3A_1503] : memref<524288x128xf32, #tpu.memory_space<hbm>> -> memref<26x64xf32, #tpu.memory_space<hbm>>
      %dma_wait3A_1505 = tpu.memref_slice %arg8[%dma_wait3A_1498] : memref<4x!tpu.dma_semaphore, #tpu.memory_space<semaphore_mem>> -> memref<1x!tpu.dma_semaphore, #tpu.memory_space<semaphore_mem>>
      %dma_wait3A_1506 = tpu.memref_squeeze %dma_wait3A_1505 : memref<1x!tpu.dma_semaphore, #tpu.memory_space<semaphore_mem>> -> memref<!tpu.dma_semaphore, #tpu.memory_space<semaphore_mem>>
      %dma_wait3A_1507 = arith.constant 0 : i32
      %dma_wait3A_1508 = tpu.memref_slice %arg4[%mul3A_1496, %dma_wait3A_1507] : memref<524288x128xf32, #tpu.memory_space<hbm>> -> memref<26x64xf32, #tpu.memory_space<hbm>>
      %dma_wait3A_1509 = arith.constant 52 : i32
      %dma_wait3A_1510 = arith.constant 0 : i32
      %dma_wait3A_1511 = tpu.memref_slice %arg6[%dma_wait3A_1497, %dma_wait3A_1509, %dma_wait3A_1510] : memref<4x104x64xf32, #tpu.memory_space<vmem>> -> memref<1x26x64xf32, #tpu.memory_space<vmem>>
      %dma_wait3A_1512 = tpu.memref_squeeze %dma_wait3A_1511 : memref<1x26x64xf32, #tpu.memory_space<vmem>> -> memref<26x64xf32, #tpu.memory_space<vmem>>
      tpu.wait_dma2 semaphore(%dma_wait3A_1506 : memref<!tpu.dma_semaphore, #tpu.memory_space<semaphore_mem>>) src(%dma_wait3A_1512 : memref<26x64xf32, #tpu.memory_space<vmem>>) dst(%dma_wait3A_1508 : memref<26x64xf32, #tpu.memory_space<hbm>>)
      %add3A_1513 = arith.addi %mul3A_2, %add3A_1337 : i32
      %mul3A_1514 = arith.constant 4 : i32
      %mul3A_1515 = arith.muli %add3A_1513, %mul3A_1514 : i32
      %add3A_1516 = arith.constant 3 : i32
      %add3A_1517 = arith.addi %mul3A_1515, %add3A_1516 : i32
      %mul3A_1518 = arith.constant 32 : i32
      %mul3A_1519 = arith.muli %add3A_1517, %mul3A_1518 : i32
      %dma_wait3A_1520 = arith.constant 2 : i32
      %dma_wait3A_1521 = arith.constant 2 : i32
      %dma_wait3A_1522 = arith.constant 78 : i32
      %dma_wait3A_1523 = arith.constant 0 : i32
      %dma_wait3A_1524 = tpu.memref_slice %arg6[%dma_wait3A_1520, %dma_wait3A_1522, %dma_wait3A_1523] : memref<4x104x64xf32, #tpu.memory_space<vmem>> -> memref<1x26x64xf32, #tpu.memory_space<vmem>>
      %dma_wait3A_1525 = tpu.memref_squeeze %dma_wait3A_1524 : memref<1x26x64xf32, #tpu.memory_space<vmem>> -> memref<26x64xf32, #tpu.memory_space<vmem>>
      %dma_wait3A_1526 = arith.constant 0 : i32
      %dma_wait3A_1527 = tpu.memref_slice %arg4[%mul3A_1519, %dma_wait3A_1526] : memref<524288x128xf32, #tpu.memory_space<hbm>> -> memref<26x64xf32, #tpu.memory_space<hbm>>
      %dma_wait3A_1528 = tpu.memref_slice %arg8[%dma_wait3A_1521] : memref<4x!tpu.dma_semaphore, #tpu.memory_space<semaphore_mem>> -> memref<1x!tpu.dma_semaphore, #tpu.memory_space<semaphore_mem>>
      %dma_wait3A_1529 = tpu.memref_squeeze %dma_wait3A_1528 : memref<1x!tpu.dma_semaphore, #tpu.memory_space<semaphore_mem>> -> memref<!tpu.dma_semaphore, #tpu.memory_space<semaphore_mem>>
      %dma_wait3A_1530 = arith.constant 0 : i32
      %dma_wait3A_1531 = tpu.memref_slice %arg4[%mul3A_1519, %dma_wait3A_1530] : memref<524288x128xf32, #tpu.memory_space<hbm>> -> memref<26x64xf32, #tpu.memory_space<hbm>>
      %dma_wait3A_1532 = arith.constant 78 : i32
      %dma_wait3A_1533 = arith.constant 0 : i32
      %dma_wait3A_1534 = tpu.memref_slice %arg6[%dma_wait3A_1520, %dma_wait3A_1532, %dma_wait3A_1533] : memref<4x104x64xf32, #tpu.memory_space<vmem>> -> memref<1x26x64xf32, #tpu.memory_space<vmem>>
      %dma_wait3A_1535 = tpu.memref_squeeze %dma_wait3A_1534 : memref<1x26x64xf32, #tpu.memory_space<vmem>> -> memref<26x64xf32, #tpu.memory_space<vmem>>
      tpu.wait_dma2 semaphore(%dma_wait3A_1529 : memref<!tpu.dma_semaphore, #tpu.memory_space<semaphore_mem>>) src(%dma_wait3A_1535 : memref<26x64xf32, #tpu.memory_space<vmem>>) dst(%dma_wait3A_1531 : memref<26x64xf32, #tpu.memory_space<hbm>>)
      %add3A_1536 = arith.constant 4 : i32
      %add3A_1537 = arith.addi %add3A_1337, %add3A_1536 : i32
      %dma_start3A_1538 = arith.constant 2 : i32
      %dma_start3A_1539 = arith.constant 2 : i32
      %dma_start3A_1540 = arith.constant 0 : i32
      %dma_start3A_1541 = arith.constant 0 : i32
      %dma_start3A_1542 = tpu.memref_slice %arg6[%dma_start3A_1538, %dma_start3A_1540, %dma_start3A_1541] : memref<4x104x64xf32, #tpu.memory_space<vmem>> -> memref<1x104x64xf32, #tpu.memory_space<vmem>>
      %dma_start3A_1543 = tpu.memref_squeeze %dma_start3A_1542 : memref<1x104x64xf32, #tpu.memory_space<vmem>> -> memref<104x64xf32, #tpu.memory_space<vmem>>
      %dma_start3A_1544 = arith.constant 0 : i32
      %dma_start3A_1545 = tpu.memref_slice %arg5[%add3A_1537, %dma_start3A_1544] : memref<128x104xi32, #tpu.memory_space<vmem>> -> memref<1x104xi32, #tpu.memory_space<vmem>>
      %dma_start3A_1546 = tpu.memref_squeeze %dma_start3A_1545 : memref<1x104xi32, #tpu.memory_space<vmem>> -> memref<104xi32, #tpu.memory_space<vmem>>
      %dma_start3A_1547 = arith.constant 0 : i32
      %dma_start3A_1548 = arith.constant 0 : i32
      %dma_start3A_1549 = tpu.memref_slice %arg3[%dma_start3A_1547, %dma_start3A_1548] : memref<1000000x64xf32, #tpu.memory_space<hbm>> -> memref<1000000x64xf32, #tpu.memory_space<hbm>>
      %dma_start3A_1550 = tpu.memref_slice %arg7[%dma_start3A_1539] : memref<4x!tpu.dma_semaphore, #tpu.memory_space<semaphore_mem>> -> memref<1x!tpu.dma_semaphore, #tpu.memory_space<semaphore_mem>>
      %dma_start3A_1551 = tpu.memref_squeeze %dma_start3A_1550 : memref<1x!tpu.dma_semaphore, #tpu.memory_space<semaphore_mem>> -> memref<!tpu.dma_semaphore, #tpu.memory_space<semaphore_mem>>
      tpu.enqueue_indirect_dma source(%dma_start3A_1549 : memref<1000000x64xf32, #tpu.memory_space<hbm>>) target(%dma_start3A_1543 : memref<104x64xf32, #tpu.memory_space<vmem>>) offsets(%dma_start3A_1546 : memref<104xi32, #tpu.memory_space<vmem>>) semaphore(%dma_start3A_1551 : memref<!tpu.dma_semaphore, #tpu.memory_space<semaphore_mem>>)
      %mul3A_1552 = arith.constant 4 : i32
      %mul3A_1553 = arith.muli %add3A_897, %mul3A_1552 : i32
      %add3A_1554 = arith.constant 3 : i32
      %add3A_1555 = arith.addi %mul3A_1553, %add3A_1554 : i32
      %dma_wait3A_1556 = arith.constant 3 : i32
      %dma_wait3A_1557 = arith.constant 3 : i32
      %dma_wait3A_1558 = arith.constant 0 : i32
      %dma_wait3A_1559 = arith.constant 0 : i32
      %dma_wait3A_1560 = tpu.memref_slice %arg6[%dma_wait3A_1556, %dma_wait3A_1558, %dma_wait3A_1559] : memref<4x104x64xf32, #tpu.memory_space<vmem>> -> memref<1x104x64xf32, #tpu.memory_space<vmem>>
      %dma_wait3A_1561 = tpu.memref_squeeze %dma_wait3A_1560 : memref<1x104x64xf32, #tpu.memory_space<vmem>> -> memref<104x64xf32, #tpu.memory_space<vmem>>
      %dma_wait3A_1562 = arith.constant 0 : i32
      %dma_wait3A_1563 = tpu.memref_slice %arg5[%add3A_1555, %dma_wait3A_1562] : memref<128x104xi32, #tpu.memory_space<vmem>> -> memref<1x104xi32, #tpu.memory_space<vmem>>
      %dma_wait3A_1564 = tpu.memref_squeeze %dma_wait3A_1563 : memref<1x104xi32, #tpu.memory_space<vmem>> -> memref<104xi32, #tpu.memory_space<vmem>>
      %dma_wait3A_1565 = arith.constant 0 : i32
      %dma_wait3A_1566 = arith.constant 0 : i32
      %dma_wait3A_1567 = tpu.memref_slice %arg3[%dma_wait3A_1565, %dma_wait3A_1566] : memref<1000000x64xf32, #tpu.memory_space<hbm>> -> memref<1000000x64xf32, #tpu.memory_space<hbm>>
      %dma_wait3A_1568 = tpu.memref_slice %arg7[%dma_wait3A_1557] : memref<4x!tpu.dma_semaphore, #tpu.memory_space<semaphore_mem>> -> memref<1x!tpu.dma_semaphore, #tpu.memory_space<semaphore_mem>>
      %dma_wait3A_1569 = tpu.memref_squeeze %dma_wait3A_1568 : memref<1x!tpu.dma_semaphore, #tpu.memory_space<semaphore_mem>> -> memref<!tpu.dma_semaphore, #tpu.memory_space<semaphore_mem>>
      tpu.wait_indirect_dma semaphore(%dma_wait3A_1569 : memref<!tpu.dma_semaphore, #tpu.memory_space<semaphore_mem>>) src(%dma_wait3A_1567 : memref<1000000x64xf32, #tpu.memory_space<hbm>>) dst(%dma_wait3A_1561 : memref<104x64xf32, #tpu.memory_space<vmem>>)
      %add3A_1570 = arith.addi %mul3A_2, %add3A_1555 : i32
      %mul3A_1571 = arith.constant 4 : i32
      %mul3A_1572 = arith.muli %add3A_1570, %mul3A_1571 : i32
      %add3A_1573 = arith.constant 0 : i32
      %add3A_1574 = arith.addi %mul3A_1572, %add3A_1573 : i32
      %mul3A_1575 = arith.constant 32 : i32
      %mul3A_1576 = arith.muli %add3A_1574, %mul3A_1575 : i32
      %dma_start3A_1577 = arith.constant 3 : i32
      %dma_start3A_1578 = arith.constant 3 : i32
      %dma_start3A_1579 = arith.constant 0 : i32
      %dma_start3A_1580 = arith.constant 0 : i32
      %dma_start3A_1581 = tpu.memref_slice %arg6[%dma_start3A_1577, %dma_start3A_1579, %dma_start3A_1580] : memref<4x104x64xf32, #tpu.memory_space<vmem>> -> memref<1x26x64xf32, #tpu.memory_space<vmem>>
      %dma_start3A_1582 = tpu.memref_squeeze %dma_start3A_1581 : memref<1x26x64xf32, #tpu.memory_space<vmem>> -> memref<26x64xf32, #tpu.memory_space<vmem>>
      %dma_start3A_1583 = arith.constant 0 : i32
      %dma_start3A_1584 = tpu.memref_slice %arg4[%mul3A_1576, %dma_start3A_1583] : memref<524288x128xf32, #tpu.memory_space<hbm>> -> memref<26x64xf32, #tpu.memory_space<hbm>>
      %dma_start3A_1585 = tpu.memref_slice %arg8[%dma_start3A_1578] : memref<4x!tpu.dma_semaphore, #tpu.memory_space<semaphore_mem>> -> memref<1x!tpu.dma_semaphore, #tpu.memory_space<semaphore_mem>>
      %dma_start3A_1586 = tpu.memref_squeeze %dma_start3A_1585 : memref<1x!tpu.dma_semaphore, #tpu.memory_space<semaphore_mem>> -> memref<!tpu.dma_semaphore, #tpu.memory_space<semaphore_mem>>
      %dma_start3A_1587 = arith.constant 0 : i32
      %dma_start3A_1588 = tpu.memref_slice %arg4[%mul3A_1576, %dma_start3A_1587] : memref<524288x128xf32, #tpu.memory_space<hbm>> -> memref<26x64xf32, #tpu.memory_space<hbm>>
      %dma_start3A_1589 = arith.constant 0 : i32
      %dma_start3A_1590 = arith.constant 0 : i32
      %dma_start3A_1591 = tpu.memref_slice %arg6[%dma_start3A_1577, %dma_start3A_1589, %dma_start3A_1590] : memref<4x104x64xf32, #tpu.memory_space<vmem>> -> memref<1x26x64xf32, #tpu.memory_space<vmem>>
      %dma_start3A_1592 = tpu.memref_squeeze %dma_start3A_1591 : memref<1x26x64xf32, #tpu.memory_space<vmem>> -> memref<26x64xf32, #tpu.memory_space<vmem>>
      tpu.enqueue_dma source(%dma_start3A_1592 : memref<26x64xf32, #tpu.memory_space<vmem>>) target(%dma_start3A_1588 : memref<26x64xf32, #tpu.memory_space<hbm>>) target_semaphore(%dma_start3A_1586 : memref<!tpu.dma_semaphore, #tpu.memory_space<semaphore_mem>>)
      %add3A_1593 = arith.addi %mul3A_2, %add3A_1555 : i32
      %mul3A_1594 = arith.constant 4 : i32
      %mul3A_1595 = arith.muli %add3A_1593, %mul3A_1594 : i32
      %add3A_1596 = arith.constant 1 : i32
      %add3A_1597 = arith.addi %mul3A_1595, %add3A_1596 : i32
      %mul3A_1598 = arith.constant 32 : i32
      %mul3A_1599 = arith.muli %add3A_1597, %mul3A_1598 : i32
      %dma_start3A_1600 = arith.constant 3 : i32
      %dma_start3A_1601 = arith.constant 3 : i32
      %dma_start3A_1602 = arith.constant 26 : i32
      %dma_start3A_1603 = arith.constant 0 : i32
      %dma_start3A_1604 = tpu.memref_slice %arg6[%dma_start3A_1600, %dma_start3A_1602, %dma_start3A_1603] : memref<4x104x64xf32, #tpu.memory_space<vmem>> -> memref<1x26x64xf32, #tpu.memory_space<vmem>>
      %dma_start3A_1605 = tpu.memref_squeeze %dma_start3A_1604 : memref<1x26x64xf32, #tpu.memory_space<vmem>> -> memref<26x64xf32, #tpu.memory_space<vmem>>
      %dma_start3A_1606 = arith.constant 0 : i32
      %dma_start3A_1607 = tpu.memref_slice %arg4[%mul3A_1599, %dma_start3A_1606] : memref<524288x128xf32, #tpu.memory_space<hbm>> -> memref<26x64xf32, #tpu.memory_space<hbm>>
      %dma_start3A_1608 = tpu.memref_slice %arg8[%dma_start3A_1601] : memref<4x!tpu.dma_semaphore, #tpu.memory_space<semaphore_mem>> -> memref<1x!tpu.dma_semaphore, #tpu.memory_space<semaphore_mem>>
      %dma_start3A_1609 = tpu.memref_squeeze %dma_start3A_1608 : memref<1x!tpu.dma_semaphore, #tpu.memory_space<semaphore_mem>> -> memref<!tpu.dma_semaphore, #tpu.memory_space<semaphore_mem>>
      %dma_start3A_1610 = arith.constant 0 : i32
      %dma_start3A_1611 = tpu.memref_slice %arg4[%mul3A_1599, %dma_start3A_1610] : memref<524288x128xf32, #tpu.memory_space<hbm>> -> memref<26x64xf32, #tpu.memory_space<hbm>>
      %dma_start3A_1612 = arith.constant 26 : i32
      %dma_start3A_1613 = arith.constant 0 : i32
      %dma_start3A_1614 = tpu.memref_slice %arg6[%dma_start3A_1600, %dma_start3A_1612, %dma_start3A_1613] : memref<4x104x64xf32, #tpu.memory_space<vmem>> -> memref<1x26x64xf32, #tpu.memory_space<vmem>>
      %dma_start3A_1615 = tpu.memref_squeeze %dma_start3A_1614 : memref<1x26x64xf32, #tpu.memory_space<vmem>> -> memref<26x64xf32, #tpu.memory_space<vmem>>
      tpu.enqueue_dma source(%dma_start3A_1615 : memref<26x64xf32, #tpu.memory_space<vmem>>) target(%dma_start3A_1611 : memref<26x64xf32, #tpu.memory_space<hbm>>) target_semaphore(%dma_start3A_1609 : memref<!tpu.dma_semaphore, #tpu.memory_space<semaphore_mem>>)
      %add3A_1616 = arith.addi %mul3A_2, %add3A_1555 : i32
      %mul3A_1617 = arith.constant 4 : i32
      %mul3A_1618 = arith.muli %add3A_1616, %mul3A_1617 : i32
      %add3A_1619 = arith.constant 2 : i32
      %add3A_1620 = arith.addi %mul3A_1618, %add3A_1619 : i32
      %mul3A_1621 = arith.constant 32 : i32
      %mul3A_1622 = arith.muli %add3A_1620, %mul3A_1621 : i32
      %dma_start3A_1623 = arith.constant 3 : i32
      %dma_start3A_1624 = arith.constant 3 : i32
      %dma_start3A_1625 = arith.constant 52 : i32
      %dma_start3A_1626 = arith.constant 0 : i32
      %dma_start3A_1627 = tpu.memref_slice %arg6[%dma_start3A_1623, %dma_start3A_1625, %dma_start3A_1626] : memref<4x104x64xf32, #tpu.memory_space<vmem>> -> memref<1x26x64xf32, #tpu.memory_space<vmem>>
      %dma_start3A_1628 = tpu.memref_squeeze %dma_start3A_1627 : memref<1x26x64xf32, #tpu.memory_space<vmem>> -> memref<26x64xf32, #tpu.memory_space<vmem>>
      %dma_start3A_1629 = arith.constant 0 : i32
      %dma_start3A_1630 = tpu.memref_slice %arg4[%mul3A_1622, %dma_start3A_1629] : memref<524288x128xf32, #tpu.memory_space<hbm>> -> memref<26x64xf32, #tpu.memory_space<hbm>>
      %dma_start3A_1631 = tpu.memref_slice %arg8[%dma_start3A_1624] : memref<4x!tpu.dma_semaphore, #tpu.memory_space<semaphore_mem>> -> memref<1x!tpu.dma_semaphore, #tpu.memory_space<semaphore_mem>>
      %dma_start3A_1632 = tpu.memref_squeeze %dma_start3A_1631 : memref<1x!tpu.dma_semaphore, #tpu.memory_space<semaphore_mem>> -> memref<!tpu.dma_semaphore, #tpu.memory_space<semaphore_mem>>
      %dma_start3A_1633 = arith.constant 0 : i32
      %dma_start3A_1634 = tpu.memref_slice %arg4[%mul3A_1622, %dma_start3A_1633] : memref<524288x128xf32, #tpu.memory_space<hbm>> -> memref<26x64xf32, #tpu.memory_space<hbm>>
      %dma_start3A_1635 = arith.constant 52 : i32
      %dma_start3A_1636 = arith.constant 0 : i32
      %dma_start3A_1637 = tpu.memref_slice %arg6[%dma_start3A_1623, %dma_start3A_1635, %dma_start3A_1636] : memref<4x104x64xf32, #tpu.memory_space<vmem>> -> memref<1x26x64xf32, #tpu.memory_space<vmem>>
      %dma_start3A_1638 = tpu.memref_squeeze %dma_start3A_1637 : memref<1x26x64xf32, #tpu.memory_space<vmem>> -> memref<26x64xf32, #tpu.memory_space<vmem>>
      tpu.enqueue_dma source(%dma_start3A_1638 : memref<26x64xf32, #tpu.memory_space<vmem>>) target(%dma_start3A_1634 : memref<26x64xf32, #tpu.memory_space<hbm>>) target_semaphore(%dma_start3A_1632 : memref<!tpu.dma_semaphore, #tpu.memory_space<semaphore_mem>>)
      %add3A_1639 = arith.addi %mul3A_2, %add3A_1555 : i32
      %mul3A_1640 = arith.constant 4 : i32
      %mul3A_1641 = arith.muli %add3A_1639, %mul3A_1640 : i32
      %add3A_1642 = arith.constant 3 : i32
      %add3A_1643 = arith.addi %mul3A_1641, %add3A_1642 : i32
      %mul3A_1644 = arith.constant 32 : i32
      %mul3A_1645 = arith.muli %add3A_1643, %mul3A_1644 : i32
      %dma_start3A_1646 = arith.constant 3 : i32
      %dma_start3A_1647 = arith.constant 3 : i32
      %dma_start3A_1648 = arith.constant 78 : i32
      %dma_start3A_1649 = arith.constant 0 : i32
      %dma_start3A_1650 = tpu.memref_slice %arg6[%dma_start3A_1646, %dma_start3A_1648, %dma_start3A_1649] : memref<4x104x64xf32, #tpu.memory_space<vmem>> -> memref<1x26x64xf32, #tpu.memory_space<vmem>>
      %dma_start3A_1651 = tpu.memref_squeeze %dma_start3A_1650 : memref<1x26x64xf32, #tpu.memory_space<vmem>> -> memref<26x64xf32, #tpu.memory_space<vmem>>
      %dma_start3A_1652 = arith.constant 0 : i32
      %dma_start3A_1653 = tpu.memref_slice %arg4[%mul3A_1645, %dma_start3A_1652] : memref<524288x128xf32, #tpu.memory_space<hbm>> -> memref<26x64xf32, #tpu.memory_space<hbm>>
      %dma_start3A_1654 = tpu.memref_slice %arg8[%dma_start3A_1647] : memref<4x!tpu.dma_semaphore, #tpu.memory_space<semaphore_mem>> -> memref<1x!tpu.dma_semaphore, #tpu.memory_space<semaphore_mem>>
      %dma_start3A_1655 = tpu.memref_squeeze %dma_start3A_1654 : memref<1x!tpu.dma_semaphore, #tpu.memory_space<semaphore_mem>> -> memref<!tpu.dma_semaphore, #tpu.memory_space<semaphore_mem>>
      %dma_start3A_1656 = arith.constant 0 : i32
      %dma_start3A_1657 = tpu.memref_slice %arg4[%mul3A_1645, %dma_start3A_1656] : memref<524288x128xf32, #tpu.memory_space<hbm>> -> memref<26x64xf32, #tpu.memory_space<hbm>>
      %dma_start3A_1658 = arith.constant 78 : i32
      %dma_start3A_1659 = arith.constant 0 : i32
      %dma_start3A_1660 = tpu.memref_slice %arg6[%dma_start3A_1646, %dma_start3A_1658, %dma_start3A_1659] : memref<4x104x64xf32, #tpu.memory_space<vmem>> -> memref<1x26x64xf32, #tpu.memory_space<vmem>>
      %dma_start3A_1661 = tpu.memref_squeeze %dma_start3A_1660 : memref<1x26x64xf32, #tpu.memory_space<vmem>> -> memref<26x64xf32, #tpu.memory_space<vmem>>
      tpu.enqueue_dma source(%dma_start3A_1661 : memref<26x64xf32, #tpu.memory_space<vmem>>) target(%dma_start3A_1657 : memref<26x64xf32, #tpu.memory_space<hbm>>) target_semaphore(%dma_start3A_1655 : memref<!tpu.dma_semaphore, #tpu.memory_space<semaphore_mem>>)
      %add3A_1662 = arith.addi %mul3A_2, %add3A_1555 : i32
      %mul3A_1663 = arith.constant 4 : i32
      %mul3A_1664 = arith.muli %add3A_1662, %mul3A_1663 : i32
      %add3A_1665 = arith.constant 0 : i32
      %add3A_1666 = arith.addi %mul3A_1664, %add3A_1665 : i32
      %mul3A_1667 = arith.constant 32 : i32
      %mul3A_1668 = arith.muli %add3A_1666, %mul3A_1667 : i32
      %dma_wait3A_1669 = arith.constant 3 : i32
      %dma_wait3A_1670 = arith.constant 3 : i32
      %dma_wait3A_1671 = arith.constant 0 : i32
      %dma_wait3A_1672 = arith.constant 0 : i32
      %dma_wait3A_1673 = tpu.memref_slice %arg6[%dma_wait3A_1669, %dma_wait3A_1671, %dma_wait3A_1672] : memref<4x104x64xf32, #tpu.memory_space<vmem>> -> memref<1x26x64xf32, #tpu.memory_space<vmem>>
      %dma_wait3A_1674 = tpu.memref_squeeze %dma_wait3A_1673 : memref<1x26x64xf32, #tpu.memory_space<vmem>> -> memref<26x64xf32, #tpu.memory_space<vmem>>
      %dma_wait3A_1675 = arith.constant 0 : i32
      %dma_wait3A_1676 = tpu.memref_slice %arg4[%mul3A_1668, %dma_wait3A_1675] : memref<524288x128xf32, #tpu.memory_space<hbm>> -> memref<26x64xf32, #tpu.memory_space<hbm>>
      %dma_wait3A_1677 = tpu.memref_slice %arg8[%dma_wait3A_1670] : memref<4x!tpu.dma_semaphore, #tpu.memory_space<semaphore_mem>> -> memref<1x!tpu.dma_semaphore, #tpu.memory_space<semaphore_mem>>
      %dma_wait3A_1678 = tpu.memref_squeeze %dma_wait3A_1677 : memref<1x!tpu.dma_semaphore, #tpu.memory_space<semaphore_mem>> -> memref<!tpu.dma_semaphore, #tpu.memory_space<semaphore_mem>>
      %dma_wait3A_1679 = arith.constant 0 : i32
      %dma_wait3A_1680 = tpu.memref_slice %arg4[%mul3A_1668, %dma_wait3A_1679] : memref<524288x128xf32, #tpu.memory_space<hbm>> -> memref<26x64xf32, #tpu.memory_space<hbm>>
      %dma_wait3A_1681 = arith.constant 0 : i32
      %dma_wait3A_1682 = arith.constant 0 : i32
      %dma_wait3A_1683 = tpu.memref_slice %arg6[%dma_wait3A_1669, %dma_wait3A_1681, %dma_wait3A_1682] : memref<4x104x64xf32, #tpu.memory_space<vmem>> -> memref<1x26x64xf32, #tpu.memory_space<vmem>>
      %dma_wait3A_1684 = tpu.memref_squeeze %dma_wait3A_1683 : memref<1x26x64xf32, #tpu.memory_space<vmem>> -> memref<26x64xf32, #tpu.memory_space<vmem>>
      tpu.wait_dma2 semaphore(%dma_wait3A_1678 : memref<!tpu.dma_semaphore, #tpu.memory_space<semaphore_mem>>) src(%dma_wait3A_1684 : memref<26x64xf32, #tpu.memory_space<vmem>>) dst(%dma_wait3A_1680 : memref<26x64xf32, #tpu.memory_space<hbm>>)
      %add3A_1685 = arith.addi %mul3A_2, %add3A_1555 : i32
      %mul3A_1686 = arith.constant 4 : i32
      %mul3A_1687 = arith.muli %add3A_1685, %mul3A_1686 : i32
      %add3A_1688 = arith.constant 1 : i32
      %add3A_1689 = arith.addi %mul3A_1687, %add3A_1688 : i32
      %mul3A_1690 = arith.constant 32 : i32
      %mul3A_1691 = arith.muli %add3A_1689, %mul3A_1690 : i32
      %dma_wait3A_1692 = arith.constant 3 : i32
      %dma_wait3A_1693 = arith.constant 3 : i32
      %dma_wait3A_1694 = arith.constant 26 : i32
      %dma_wait3A_1695 = arith.constant 0 : i32
      %dma_wait3A_1696 = tpu.memref_slice %arg6[%dma_wait3A_1692, %dma_wait3A_1694, %dma_wait3A_1695] : memref<4x104x64xf32, #tpu.memory_space<vmem>> -> memref<1x26x64xf32, #tpu.memory_space<vmem>>
      %dma_wait3A_1697 = tpu.memref_squeeze %dma_wait3A_1696 : memref<1x26x64xf32, #tpu.memory_space<vmem>> -> memref<26x64xf32, #tpu.memory_space<vmem>>
      %dma_wait3A_1698 = arith.constant 0 : i32
      %dma_wait3A_1699 = tpu.memref_slice %arg4[%mul3A_1691, %dma_wait3A_1698] : memref<524288x128xf32, #tpu.memory_space<hbm>> -> memref<26x64xf32, #tpu.memory_space<hbm>>
      %dma_wait3A_1700 = tpu.memref_slice %arg8[%dma_wait3A_1693] : memref<4x!tpu.dma_semaphore, #tpu.memory_space<semaphore_mem>> -> memref<1x!tpu.dma_semaphore, #tpu.memory_space<semaphore_mem>>
      %dma_wait3A_1701 = tpu.memref_squeeze %dma_wait3A_1700 : memref<1x!tpu.dma_semaphore, #tpu.memory_space<semaphore_mem>> -> memref<!tpu.dma_semaphore, #tpu.memory_space<semaphore_mem>>
      %dma_wait3A_1702 = arith.constant 0 : i32
      %dma_wait3A_1703 = tpu.memref_slice %arg4[%mul3A_1691, %dma_wait3A_1702] : memref<524288x128xf32, #tpu.memory_space<hbm>> -> memref<26x64xf32, #tpu.memory_space<hbm>>
      %dma_wait3A_1704 = arith.constant 26 : i32
      %dma_wait3A_1705 = arith.constant 0 : i32
      %dma_wait3A_1706 = tpu.memref_slice %arg6[%dma_wait3A_1692, %dma_wait3A_1704, %dma_wait3A_1705] : memref<4x104x64xf32, #tpu.memory_space<vmem>> -> memref<1x26x64xf32, #tpu.memory_space<vmem>>
      %dma_wait3A_1707 = tpu.memref_squeeze %dma_wait3A_1706 : memref<1x26x64xf32, #tpu.memory_space<vmem>> -> memref<26x64xf32, #tpu.memory_space<vmem>>
      tpu.wait_dma2 semaphore(%dma_wait3A_1701 : memref<!tpu.dma_semaphore, #tpu.memory_space<semaphore_mem>>) src(%dma_wait3A_1707 : memref<26x64xf32, #tpu.memory_space<vmem>>) dst(%dma_wait3A_1703 : memref<26x64xf32, #tpu.memory_space<hbm>>)
      %add3A_1708 = arith.addi %mul3A_2, %add3A_1555 : i32
      %mul3A_1709 = arith.constant 4 : i32
      %mul3A_1710 = arith.muli %add3A_1708, %mul3A_1709 : i32
      %add3A_1711 = arith.constant 2 : i32
      %add3A_1712 = arith.addi %mul3A_1710, %add3A_1711 : i32
      %mul3A_1713 = arith.constant 32 : i32
      %mul3A_1714 = arith.muli %add3A_1712, %mul3A_1713 : i32
      %dma_wait3A_1715 = arith.constant 3 : i32
      %dma_wait3A_1716 = arith.constant 3 : i32
      %dma_wait3A_1717 = arith.constant 52 : i32
      %dma_wait3A_1718 = arith.constant 0 : i32
      %dma_wait3A_1719 = tpu.memref_slice %arg6[%dma_wait3A_1715, %dma_wait3A_1717, %dma_wait3A_1718] : memref<4x104x64xf32, #tpu.memory_space<vmem>> -> memref<1x26x64xf32, #tpu.memory_space<vmem>>
      %dma_wait3A_1720 = tpu.memref_squeeze %dma_wait3A_1719 : memref<1x26x64xf32, #tpu.memory_space<vmem>> -> memref<26x64xf32, #tpu.memory_space<vmem>>
      %dma_wait3A_1721 = arith.constant 0 : i32
      %dma_wait3A_1722 = tpu.memref_slice %arg4[%mul3A_1714, %dma_wait3A_1721] : memref<524288x128xf32, #tpu.memory_space<hbm>> -> memref<26x64xf32, #tpu.memory_space<hbm>>
      %dma_wait3A_1723 = tpu.memref_slice %arg8[%dma_wait3A_1716] : memref<4x!tpu.dma_semaphore, #tpu.memory_space<semaphore_mem>> -> memref<1x!tpu.dma_semaphore, #tpu.memory_space<semaphore_mem>>
      %dma_wait3A_1724 = tpu.memref_squeeze %dma_wait3A_1723 : memref<1x!tpu.dma_semaphore, #tpu.memory_space<semaphore_mem>> -> memref<!tpu.dma_semaphore, #tpu.memory_space<semaphore_mem>>
      %dma_wait3A_1725 = arith.constant 0 : i32
      %dma_wait3A_1726 = tpu.memref_slice %arg4[%mul3A_1714, %dma_wait3A_1725] : memref<524288x128xf32, #tpu.memory_space<hbm>> -> memref<26x64xf32, #tpu.memory_space<hbm>>
      %dma_wait3A_1727 = arith.constant 52 : i32
      %dma_wait3A_1728 = arith.constant 0 : i32
      %dma_wait3A_1729 = tpu.memref_slice %arg6[%dma_wait3A_1715, %dma_wait3A_1727, %dma_wait3A_1728] : memref<4x104x64xf32, #tpu.memory_space<vmem>> -> memref<1x26x64xf32, #tpu.memory_space<vmem>>
      %dma_wait3A_1730 = tpu.memref_squeeze %dma_wait3A_1729 : memref<1x26x64xf32, #tpu.memory_space<vmem>> -> memref<26x64xf32, #tpu.memory_space<vmem>>
      tpu.wait_dma2 semaphore(%dma_wait3A_1724 : memref<!tpu.dma_semaphore, #tpu.memory_space<semaphore_mem>>) src(%dma_wait3A_1730 : memref<26x64xf32, #tpu.memory_space<vmem>>) dst(%dma_wait3A_1726 : memref<26x64xf32, #tpu.memory_space<hbm>>)
      %add3A_1731 = arith.addi %mul3A_2, %add3A_1555 : i32
      %mul3A_1732 = arith.constant 4 : i32
      %mul3A_1733 = arith.muli %add3A_1731, %mul3A_1732 : i32
      %add3A_1734 = arith.constant 3 : i32
      %add3A_1735 = arith.addi %mul3A_1733, %add3A_1734 : i32
      %mul3A_1736 = arith.constant 32 : i32
      %mul3A_1737 = arith.muli %add3A_1735, %mul3A_1736 : i32
      %dma_wait3A_1738 = arith.constant 3 : i32
      %dma_wait3A_1739 = arith.constant 3 : i32
      %dma_wait3A_1740 = arith.constant 78 : i32
      %dma_wait3A_1741 = arith.constant 0 : i32
      %dma_wait3A_1742 = tpu.memref_slice %arg6[%dma_wait3A_1738, %dma_wait3A_1740, %dma_wait3A_1741] : memref<4x104x64xf32, #tpu.memory_space<vmem>> -> memref<1x26x64xf32, #tpu.memory_space<vmem>>
      %dma_wait3A_1743 = tpu.memref_squeeze %dma_wait3A_1742 : memref<1x26x64xf32, #tpu.memory_space<vmem>> -> memref<26x64xf32, #tpu.memory_space<vmem>>
      %dma_wait3A_1744 = arith.constant 0 : i32
      %dma_wait3A_1745 = tpu.memref_slice %arg4[%mul3A_1737, %dma_wait3A_1744] : memref<524288x128xf32, #tpu.memory_space<hbm>> -> memref<26x64xf32, #tpu.memory_space<hbm>>
      %dma_wait3A_1746 = tpu.memref_slice %arg8[%dma_wait3A_1739] : memref<4x!tpu.dma_semaphore, #tpu.memory_space<semaphore_mem>> -> memref<1x!tpu.dma_semaphore, #tpu.memory_space<semaphore_mem>>
      %dma_wait3A_1747 = tpu.memref_squeeze %dma_wait3A_1746 : memref<1x!tpu.dma_semaphore, #tpu.memory_space<semaphore_mem>> -> memref<!tpu.dma_semaphore, #tpu.memory_space<semaphore_mem>>
      %dma_wait3A_1748 = arith.constant 0 : i32
      %dma_wait3A_1749 = tpu.memref_slice %arg4[%mul3A_1737, %dma_wait3A_1748] : memref<524288x128xf32, #tpu.memory_space<hbm>> -> memref<26x64xf32, #tpu.memory_space<hbm>>
      %dma_wait3A_1750 = arith.constant 78 : i32
      %dma_wait3A_1751 = arith.constant 0 : i32
      %dma_wait3A_1752 = tpu.memref_slice %arg6[%dma_wait3A_1738, %dma_wait3A_1750, %dma_wait3A_1751] : memref<4x104x64xf32, #tpu.memory_space<vmem>> -> memref<1x26x64xf32, #tpu.memory_space<vmem>>
      %dma_wait3A_1753 = tpu.memref_squeeze %dma_wait3A_1752 : memref<1x26x64xf32, #tpu.memory_space<vmem>> -> memref<26x64xf32, #tpu.memory_space<vmem>>
      tpu.wait_dma2 semaphore(%dma_wait3A_1747 : memref<!tpu.dma_semaphore, #tpu.memory_space<semaphore_mem>>) src(%dma_wait3A_1753 : memref<26x64xf32, #tpu.memory_space<vmem>>) dst(%dma_wait3A_1749 : memref<26x64xf32, #tpu.memory_space<hbm>>)
      %add3A_1754 = arith.constant 4 : i32
      %add3A_1755 = arith.addi %add3A_1555, %add3A_1754 : i32
      %dma_start3A_1756 = arith.constant 3 : i32
      %dma_start3A_1757 = arith.constant 3 : i32
      %dma_start3A_1758 = arith.constant 0 : i32
      %dma_start3A_1759 = arith.constant 0 : i32
      %dma_start3A_1760 = tpu.memref_slice %arg6[%dma_start3A_1756, %dma_start3A_1758, %dma_start3A_1759] : memref<4x104x64xf32, #tpu.memory_space<vmem>> -> memref<1x104x64xf32, #tpu.memory_space<vmem>>
      %dma_start3A_1761 = tpu.memref_squeeze %dma_start3A_1760 : memref<1x104x64xf32, #tpu.memory_space<vmem>> -> memref<104x64xf32, #tpu.memory_space<vmem>>
      %dma_start3A_1762 = arith.constant 0 : i32
      %dma_start3A_1763 = tpu.memref_slice %arg5[%add3A_1755, %dma_start3A_1762] : memref<128x104xi32, #tpu.memory_space<vmem>> -> memref<1x104xi32, #tpu.memory_space<vmem>>
      %dma_start3A_1764 = tpu.memref_squeeze %dma_start3A_1763 : memref<1x104xi32, #tpu.memory_space<vmem>> -> memref<104xi32, #tpu.memory_space<vmem>>
      %dma_start3A_1765 = arith.constant 0 : i32
      %dma_start3A_1766 = arith.constant 0 : i32
      %dma_start3A_1767 = tpu.memref_slice %arg3[%dma_start3A_1765, %dma_start3A_1766] : memref<1000000x64xf32, #tpu.memory_space<hbm>> -> memref<1000000x64xf32, #tpu.memory_space<hbm>>
      %dma_start3A_1768 = tpu.memref_slice %arg7[%dma_start3A_1757] : memref<4x!tpu.dma_semaphore, #tpu.memory_space<semaphore_mem>> -> memref<1x!tpu.dma_semaphore, #tpu.memory_space<semaphore_mem>>
      %dma_start3A_1769 = tpu.memref_squeeze %dma_start3A_1768 : memref<1x!tpu.dma_semaphore, #tpu.memory_space<semaphore_mem>> -> memref<!tpu.dma_semaphore, #tpu.memory_space<semaphore_mem>>
      tpu.enqueue_indirect_dma source(%dma_start3A_1767 : memref<1000000x64xf32, #tpu.memory_space<hbm>>) target(%dma_start3A_1761 : memref<104x64xf32, #tpu.memory_space<vmem>>) offsets(%dma_start3A_1764 : memref<104xi32, #tpu.memory_space<vmem>>) semaphore(%dma_start3A_1769 : memref<!tpu.dma_semaphore, #tpu.memory_space<semaphore_mem>>)
    }
    %scan3A_65 = arith.constant 31 : i32
    %dma_wait3A = arith.constant 124 : i32
    %dma_wait3A_66 = arith.constant 0 : i32
    %dma_wait3A_67 = arith.constant 0 : i32
    %dma_wait3A_68 = arith.constant 0 : i32
    %dma_wait3A_69 = arith.constant 0 : i32
    %dma_wait3A_70 = tpu.memref_slice %arg6[%dma_wait3A_66, %dma_wait3A_68, %dma_wait3A_69] : memref<4x104x64xf32, #tpu.memory_space<vmem>> -> memref<1x104x64xf32, #tpu.memory_space<vmem>>
    %dma_wait3A_71 = tpu.memref_squeeze %dma_wait3A_70 : memref<1x104x64xf32, #tpu.memory_space<vmem>> -> memref<104x64xf32, #tpu.memory_space<vmem>>
    %dma_wait3A_72 = arith.constant 0 : i32
    %dma_wait3A_73 = tpu.memref_slice %arg5[%dma_wait3A, %dma_wait3A_72] : memref<128x104xi32, #tpu.memory_space<vmem>> -> memref<1x104xi32, #tpu.memory_space<vmem>>
    %dma_wait3A_74 = tpu.memref_squeeze %dma_wait3A_73 : memref<1x104xi32, #tpu.memory_space<vmem>> -> memref<104xi32, #tpu.memory_space<vmem>>
    %dma_wait3A_75 = arith.constant 0 : i32
    %dma_wait3A_76 = arith.constant 0 : i32
    %dma_wait3A_77 = tpu.memref_slice %arg3[%dma_wait3A_75, %dma_wait3A_76] : memref<1000000x64xf32, #tpu.memory_space<hbm>> -> memref<1000000x64xf32, #tpu.memory_space<hbm>>
    %dma_wait3A_78 = tpu.memref_slice %arg7[%dma_wait3A_67] : memref<4x!tpu.dma_semaphore, #tpu.memory_space<semaphore_mem>> -> memref<1x!tpu.dma_semaphore, #tpu.memory_space<semaphore_mem>>
    %dma_wait3A_79 = tpu.memref_squeeze %dma_wait3A_78 : memref<1x!tpu.dma_semaphore, #tpu.memory_space<semaphore_mem>> -> memref<!tpu.dma_semaphore, #tpu.memory_space<semaphore_mem>>
    tpu.wait_indirect_dma semaphore(%dma_wait3A_79 : memref<!tpu.dma_semaphore, #tpu.memory_space<semaphore_mem>>) src(%dma_wait3A_77 : memref<1000000x64xf32, #tpu.memory_space<hbm>>) dst(%dma_wait3A_71 : memref<104x64xf32, #tpu.memory_space<vmem>>)
    %add3A_80 = arith.constant 124 : i32
    %add3A_81 = arith.addi %mul3A_2, %add3A_80 : i32
    %mul3A_82 = arith.constant 4 : i32
    %mul3A_83 = arith.muli %add3A_81, %mul3A_82 : i32
    %add3A_84 = arith.constant 0 : i32
    %add3A_85 = arith.addi %mul3A_83, %add3A_84 : i32
    %mul3A_86 = arith.constant 32 : i32
    %mul3A_87 = arith.muli %add3A_85, %mul3A_86 : i32
    %dma_start3A_88 = arith.constant 0 : i32
    %dma_start3A_89 = arith.constant 0 : i32
    %dma_start3A_90 = arith.constant 0 : i32
    %dma_start3A_91 = arith.constant 0 : i32
    %dma_start3A_92 = tpu.memref_slice %arg6[%dma_start3A_88, %dma_start3A_90, %dma_start3A_91] : memref<4x104x64xf32, #tpu.memory_space<vmem>> -> memref<1x26x64xf32, #tpu.memory_space<vmem>>
    %dma_start3A_93 = tpu.memref_squeeze %dma_start3A_92 : memref<1x26x64xf32, #tpu.memory_space<vmem>> -> memref<26x64xf32, #tpu.memory_space<vmem>>
    %dma_start3A_94 = arith.constant 0 : i32
    %dma_start3A_95 = tpu.memref_slice %arg4[%mul3A_87, %dma_start3A_94] : memref<524288x128xf32, #tpu.memory_space<hbm>> -> memref<26x64xf32, #tpu.memory_space<hbm>>
    %dma_start3A_96 = tpu.memref_slice %arg8[%dma_start3A_89] : memref<4x!tpu.dma_semaphore, #tpu.memory_space<semaphore_mem>> -> memref<1x!tpu.dma_semaphore, #tpu.memory_space<semaphore_mem>>
    %dma_start3A_97 = tpu.memref_squeeze %dma_start3A_96 : memref<1x!tpu.dma_semaphore, #tpu.memory_space<semaphore_mem>> -> memref<!tpu.dma_semaphore, #tpu.memory_space<semaphore_mem>>
    %dma_start3A_98 = arith.constant 0 : i32
    %dma_start3A_99 = tpu.memref_slice %arg4[%mul3A_87, %dma_start3A_98] : memref<524288x128xf32, #tpu.memory_space<hbm>> -> memref<26x64xf32, #tpu.memory_space<hbm>>
    %dma_start3A_100 = arith.constant 0 : i32
    %dma_start3A_101 = arith.constant 0 : i32
    %dma_start3A_102 = tpu.memref_slice %arg6[%dma_start3A_88, %dma_start3A_100, %dma_start3A_101] : memref<4x104x64xf32, #tpu.memory_space<vmem>> -> memref<1x26x64xf32, #tpu.memory_space<vmem>>
    %dma_start3A_103 = tpu.memref_squeeze %dma_start3A_102 : memref<1x26x64xf32, #tpu.memory_space<vmem>> -> memref<26x64xf32, #tpu.memory_space<vmem>>
    tpu.enqueue_dma source(%dma_start3A_103 : memref<26x64xf32, #tpu.memory_space<vmem>>) target(%dma_start3A_99 : memref<26x64xf32, #tpu.memory_space<hbm>>) target_semaphore(%dma_start3A_97 : memref<!tpu.dma_semaphore, #tpu.memory_space<semaphore_mem>>)
    %add3A_104 = arith.constant 124 : i32
    %add3A_105 = arith.addi %mul3A_2, %add3A_104 : i32
    %mul3A_106 = arith.constant 4 : i32
    %mul3A_107 = arith.muli %add3A_105, %mul3A_106 : i32
    %add3A_108 = arith.constant 1 : i32
    %add3A_109 = arith.addi %mul3A_107, %add3A_108 : i32
    %mul3A_110 = arith.constant 32 : i32
    %mul3A_111 = arith.muli %add3A_109, %mul3A_110 : i32
    %dma_start3A_112 = arith.constant 0 : i32
    %dma_start3A_113 = arith.constant 0 : i32
    %dma_start3A_114 = arith.constant 26 : i32
    %dma_start3A_115 = arith.constant 0 : i32
    %dma_start3A_116 = tpu.memref_slice %arg6[%dma_start3A_112, %dma_start3A_114, %dma_start3A_115] : memref<4x104x64xf32, #tpu.memory_space<vmem>> -> memref<1x26x64xf32, #tpu.memory_space<vmem>>
    %dma_start3A_117 = tpu.memref_squeeze %dma_start3A_116 : memref<1x26x64xf32, #tpu.memory_space<vmem>> -> memref<26x64xf32, #tpu.memory_space<vmem>>
    %dma_start3A_118 = arith.constant 0 : i32
    %dma_start3A_119 = tpu.memref_slice %arg4[%mul3A_111, %dma_start3A_118] : memref<524288x128xf32, #tpu.memory_space<hbm>> -> memref<26x64xf32, #tpu.memory_space<hbm>>
    %dma_start3A_120 = tpu.memref_slice %arg8[%dma_start3A_113] : memref<4x!tpu.dma_semaphore, #tpu.memory_space<semaphore_mem>> -> memref<1x!tpu.dma_semaphore, #tpu.memory_space<semaphore_mem>>
    %dma_start3A_121 = tpu.memref_squeeze %dma_start3A_120 : memref<1x!tpu.dma_semaphore, #tpu.memory_space<semaphore_mem>> -> memref<!tpu.dma_semaphore, #tpu.memory_space<semaphore_mem>>
    %dma_start3A_122 = arith.constant 0 : i32
    %dma_start3A_123 = tpu.memref_slice %arg4[%mul3A_111, %dma_start3A_122] : memref<524288x128xf32, #tpu.memory_space<hbm>> -> memref<26x64xf32, #tpu.memory_space<hbm>>
    %dma_start3A_124 = arith.constant 26 : i32
    %dma_start3A_125 = arith.constant 0 : i32
    %dma_start3A_126 = tpu.memref_slice %arg6[%dma_start3A_112, %dma_start3A_124, %dma_start3A_125] : memref<4x104x64xf32, #tpu.memory_space<vmem>> -> memref<1x26x64xf32, #tpu.memory_space<vmem>>
    %dma_start3A_127 = tpu.memref_squeeze %dma_start3A_126 : memref<1x26x64xf32, #tpu.memory_space<vmem>> -> memref<26x64xf32, #tpu.memory_space<vmem>>
    tpu.enqueue_dma source(%dma_start3A_127 : memref<26x64xf32, #tpu.memory_space<vmem>>) target(%dma_start3A_123 : memref<26x64xf32, #tpu.memory_space<hbm>>) target_semaphore(%dma_start3A_121 : memref<!tpu.dma_semaphore, #tpu.memory_space<semaphore_mem>>)
    %add3A_128 = arith.constant 124 : i32
    %add3A_129 = arith.addi %mul3A_2, %add3A_128 : i32
    %mul3A_130 = arith.constant 4 : i32
    %mul3A_131 = arith.muli %add3A_129, %mul3A_130 : i32
    %add3A_132 = arith.constant 2 : i32
    %add3A_133 = arith.addi %mul3A_131, %add3A_132 : i32
    %mul3A_134 = arith.constant 32 : i32
    %mul3A_135 = arith.muli %add3A_133, %mul3A_134 : i32
    %dma_start3A_136 = arith.constant 0 : i32
    %dma_start3A_137 = arith.constant 0 : i32
    %dma_start3A_138 = arith.constant 52 : i32
    %dma_start3A_139 = arith.constant 0 : i32
    %dma_start3A_140 = tpu.memref_slice %arg6[%dma_start3A_136, %dma_start3A_138, %dma_start3A_139] : memref<4x104x64xf32, #tpu.memory_space<vmem>> -> memref<1x26x64xf32, #tpu.memory_space<vmem>>
    %dma_start3A_141 = tpu.memref_squeeze %dma_start3A_140 : memref<1x26x64xf32, #tpu.memory_space<vmem>> -> memref<26x64xf32, #tpu.memory_space<vmem>>
    %dma_start3A_142 = arith.constant 0 : i32
    %dma_start3A_143 = tpu.memref_slice %arg4[%mul3A_135, %dma_start3A_142] : memref<524288x128xf32, #tpu.memory_space<hbm>> -> memref<26x64xf32, #tpu.memory_space<hbm>>
    %dma_start3A_144 = tpu.memref_slice %arg8[%dma_start3A_137] : memref<4x!tpu.dma_semaphore, #tpu.memory_space<semaphore_mem>> -> memref<1x!tpu.dma_semaphore, #tpu.memory_space<semaphore_mem>>
    %dma_start3A_145 = tpu.memref_squeeze %dma_start3A_144 : memref<1x!tpu.dma_semaphore, #tpu.memory_space<semaphore_mem>> -> memref<!tpu.dma_semaphore, #tpu.memory_space<semaphore_mem>>
    %dma_start3A_146 = arith.constant 0 : i32
    %dma_start3A_147 = tpu.memref_slice %arg4[%mul3A_135, %dma_start3A_146] : memref<524288x128xf32, #tpu.memory_space<hbm>> -> memref<26x64xf32, #tpu.memory_space<hbm>>
    %dma_start3A_148 = arith.constant 52 : i32
    %dma_start3A_149 = arith.constant 0 : i32
    %dma_start3A_150 = tpu.memref_slice %arg6[%dma_start3A_136, %dma_start3A_148, %dma_start3A_149] : memref<4x104x64xf32, #tpu.memory_space<vmem>> -> memref<1x26x64xf32, #tpu.memory_space<vmem>>
    %dma_start3A_151 = tpu.memref_squeeze %dma_start3A_150 : memref<1x26x64xf32, #tpu.memory_space<vmem>> -> memref<26x64xf32, #tpu.memory_space<vmem>>
    tpu.enqueue_dma source(%dma_start3A_151 : memref<26x64xf32, #tpu.memory_space<vmem>>) target(%dma_start3A_147 : memref<26x64xf32, #tpu.memory_space<hbm>>) target_semaphore(%dma_start3A_145 : memref<!tpu.dma_semaphore, #tpu.memory_space<semaphore_mem>>)
    %add3A_152 = arith.constant 124 : i32
    %add3A_153 = arith.addi %mul3A_2, %add3A_152 : i32
    %mul3A_154 = arith.constant 4 : i32
    %mul3A_155 = arith.muli %add3A_153, %mul3A_154 : i32
    %add3A_156 = arith.constant 3 : i32
    %add3A_157 = arith.addi %mul3A_155, %add3A_156 : i32
    %mul3A_158 = arith.constant 32 : i32
    %mul3A_159 = arith.muli %add3A_157, %mul3A_158 : i32
    %dma_start3A_160 = arith.constant 0 : i32
    %dma_start3A_161 = arith.constant 0 : i32
    %dma_start3A_162 = arith.constant 78 : i32
    %dma_start3A_163 = arith.constant 0 : i32
    %dma_start3A_164 = tpu.memref_slice %arg6[%dma_start3A_160, %dma_start3A_162, %dma_start3A_163] : memref<4x104x64xf32, #tpu.memory_space<vmem>> -> memref<1x26x64xf32, #tpu.memory_space<vmem>>
    %dma_start3A_165 = tpu.memref_squeeze %dma_start3A_164 : memref<1x26x64xf32, #tpu.memory_space<vmem>> -> memref<26x64xf32, #tpu.memory_space<vmem>>
    %dma_start3A_166 = arith.constant 0 : i32
    %dma_start3A_167 = tpu.memref_slice %arg4[%mul3A_159, %dma_start3A_166] : memref<524288x128xf32, #tpu.memory_space<hbm>> -> memref<26x64xf32, #tpu.memory_space<hbm>>
    %dma_start3A_168 = tpu.memref_slice %arg8[%dma_start3A_161] : memref<4x!tpu.dma_semaphore, #tpu.memory_space<semaphore_mem>> -> memref<1x!tpu.dma_semaphore, #tpu.memory_space<semaphore_mem>>
    %dma_start3A_169 = tpu.memref_squeeze %dma_start3A_168 : memref<1x!tpu.dma_semaphore, #tpu.memory_space<semaphore_mem>> -> memref<!tpu.dma_semaphore, #tpu.memory_space<semaphore_mem>>
    %dma_start3A_170 = arith.constant 0 : i32
    %dma_start3A_171 = tpu.memref_slice %arg4[%mul3A_159, %dma_start3A_170] : memref<524288x128xf32, #tpu.memory_space<hbm>> -> memref<26x64xf32, #tpu.memory_space<hbm>>
    %dma_start3A_172 = arith.constant 78 : i32
    %dma_start3A_173 = arith.constant 0 : i32
    %dma_start3A_174 = tpu.memref_slice %arg6[%dma_start3A_160, %dma_start3A_172, %dma_start3A_173] : memref<4x104x64xf32, #tpu.memory_space<vmem>> -> memref<1x26x64xf32, #tpu.memory_space<vmem>>
    %dma_start3A_175 = tpu.memref_squeeze %dma_start3A_174 : memref<1x26x64xf32, #tpu.memory_space<vmem>> -> memref<26x64xf32, #tpu.memory_space<vmem>>
    tpu.enqueue_dma source(%dma_start3A_175 : memref<26x64xf32, #tpu.memory_space<vmem>>) target(%dma_start3A_171 : memref<26x64xf32, #tpu.memory_space<hbm>>) target_semaphore(%dma_start3A_169 : memref<!tpu.dma_semaphore, #tpu.memory_space<semaphore_mem>>)
    %add3A_176 = arith.constant 124 : i32
    %add3A_177 = arith.addi %mul3A_2, %add3A_176 : i32
    %mul3A_178 = arith.constant 4 : i32
    %mul3A_179 = arith.muli %add3A_177, %mul3A_178 : i32
    %add3A_180 = arith.constant 0 : i32
    %add3A_181 = arith.addi %mul3A_179, %add3A_180 : i32
    %mul3A_182 = arith.constant 32 : i32
    %mul3A_183 = arith.muli %add3A_181, %mul3A_182 : i32
    %dma_wait3A_184 = arith.constant 0 : i32
    %dma_wait3A_185 = arith.constant 0 : i32
    %dma_wait3A_186 = arith.constant 0 : i32
    %dma_wait3A_187 = arith.constant 0 : i32
    %dma_wait3A_188 = tpu.memref_slice %arg6[%dma_wait3A_184, %dma_wait3A_186, %dma_wait3A_187] : memref<4x104x64xf32, #tpu.memory_space<vmem>> -> memref<1x26x64xf32, #tpu.memory_space<vmem>>
    %dma_wait3A_189 = tpu.memref_squeeze %dma_wait3A_188 : memref<1x26x64xf32, #tpu.memory_space<vmem>> -> memref<26x64xf32, #tpu.memory_space<vmem>>
    %dma_wait3A_190 = arith.constant 0 : i32
    %dma_wait3A_191 = tpu.memref_slice %arg4[%mul3A_183, %dma_wait3A_190] : memref<524288x128xf32, #tpu.memory_space<hbm>> -> memref<26x64xf32, #tpu.memory_space<hbm>>
    %dma_wait3A_192 = tpu.memref_slice %arg8[%dma_wait3A_185] : memref<4x!tpu.dma_semaphore, #tpu.memory_space<semaphore_mem>> -> memref<1x!tpu.dma_semaphore, #tpu.memory_space<semaphore_mem>>
    %dma_wait3A_193 = tpu.memref_squeeze %dma_wait3A_192 : memref<1x!tpu.dma_semaphore, #tpu.memory_space<semaphore_mem>> -> memref<!tpu.dma_semaphore, #tpu.memory_space<semaphore_mem>>
    %dma_wait3A_194 = arith.constant 0 : i32
    %dma_wait3A_195 = tpu.memref_slice %arg4[%mul3A_183, %dma_wait3A_194] : memref<524288x128xf32, #tpu.memory_space<hbm>> -> memref<26x64xf32, #tpu.memory_space<hbm>>
    %dma_wait3A_196 = arith.constant 0 : i32
    %dma_wait3A_197 = arith.constant 0 : i32
    %dma_wait3A_198 = tpu.memref_slice %arg6[%dma_wait3A_184, %dma_wait3A_196, %dma_wait3A_197] : memref<4x104x64xf32, #tpu.memory_space<vmem>> -> memref<1x26x64xf32, #tpu.memory_space<vmem>>
    %dma_wait3A_199 = tpu.memref_squeeze %dma_wait3A_198 : memref<1x26x64xf32, #tpu.memory_space<vmem>> -> memref<26x64xf32, #tpu.memory_space<vmem>>
    tpu.wait_dma2 semaphore(%dma_wait3A_193 : memref<!tpu.dma_semaphore, #tpu.memory_space<semaphore_mem>>) src(%dma_wait3A_199 : memref<26x64xf32, #tpu.memory_space<vmem>>) dst(%dma_wait3A_195 : memref<26x64xf32, #tpu.memory_space<hbm>>)
    %add3A_200 = arith.constant 124 : i32
    %add3A_201 = arith.addi %mul3A_2, %add3A_200 : i32
    %mul3A_202 = arith.constant 4 : i32
    %mul3A_203 = arith.muli %add3A_201, %mul3A_202 : i32
    %add3A_204 = arith.constant 1 : i32
    %add3A_205 = arith.addi %mul3A_203, %add3A_204 : i32
    %mul3A_206 = arith.constant 32 : i32
    %mul3A_207 = arith.muli %add3A_205, %mul3A_206 : i32
    %dma_wait3A_208 = arith.constant 0 : i32
    %dma_wait3A_209 = arith.constant 0 : i32
    %dma_wait3A_210 = arith.constant 26 : i32
    %dma_wait3A_211 = arith.constant 0 : i32
    %dma_wait3A_212 = tpu.memref_slice %arg6[%dma_wait3A_208, %dma_wait3A_210, %dma_wait3A_211] : memref<4x104x64xf32, #tpu.memory_space<vmem>> -> memref<1x26x64xf32, #tpu.memory_space<vmem>>
    %dma_wait3A_213 = tpu.memref_squeeze %dma_wait3A_212 : memref<1x26x64xf32, #tpu.memory_space<vmem>> -> memref<26x64xf32, #tpu.memory_space<vmem>>
    %dma_wait3A_214 = arith.constant 0 : i32
    %dma_wait3A_215 = tpu.memref_slice %arg4[%mul3A_207, %dma_wait3A_214] : memref<524288x128xf32, #tpu.memory_space<hbm>> -> memref<26x64xf32, #tpu.memory_space<hbm>>
    %dma_wait3A_216 = tpu.memref_slice %arg8[%dma_wait3A_209] : memref<4x!tpu.dma_semaphore, #tpu.memory_space<semaphore_mem>> -> memref<1x!tpu.dma_semaphore, #tpu.memory_space<semaphore_mem>>
    %dma_wait3A_217 = tpu.memref_squeeze %dma_wait3A_216 : memref<1x!tpu.dma_semaphore, #tpu.memory_space<semaphore_mem>> -> memref<!tpu.dma_semaphore, #tpu.memory_space<semaphore_mem>>
    %dma_wait3A_218 = arith.constant 0 : i32
    %dma_wait3A_219 = tpu.memref_slice %arg4[%mul3A_207, %dma_wait3A_218] : memref<524288x128xf32, #tpu.memory_space<hbm>> -> memref<26x64xf32, #tpu.memory_space<hbm>>
    %dma_wait3A_220 = arith.constant 26 : i32
    %dma_wait3A_221 = arith.constant 0 : i32
    %dma_wait3A_222 = tpu.memref_slice %arg6[%dma_wait3A_208, %dma_wait3A_220, %dma_wait3A_221] : memref<4x104x64xf32, #tpu.memory_space<vmem>> -> memref<1x26x64xf32, #tpu.memory_space<vmem>>
    %dma_wait3A_223 = tpu.memref_squeeze %dma_wait3A_222 : memref<1x26x64xf32, #tpu.memory_space<vmem>> -> memref<26x64xf32, #tpu.memory_space<vmem>>
    tpu.wait_dma2 semaphore(%dma_wait3A_217 : memref<!tpu.dma_semaphore, #tpu.memory_space<semaphore_mem>>) src(%dma_wait3A_223 : memref<26x64xf32, #tpu.memory_space<vmem>>) dst(%dma_wait3A_219 : memref<26x64xf32, #tpu.memory_space<hbm>>)
    %add3A_224 = arith.constant 124 : i32
    %add3A_225 = arith.addi %mul3A_2, %add3A_224 : i32
    %mul3A_226 = arith.constant 4 : i32
    %mul3A_227 = arith.muli %add3A_225, %mul3A_226 : i32
    %add3A_228 = arith.constant 2 : i32
    %add3A_229 = arith.addi %mul3A_227, %add3A_228 : i32
    %mul3A_230 = arith.constant 32 : i32
    %mul3A_231 = arith.muli %add3A_229, %mul3A_230 : i32
    %dma_wait3A_232 = arith.constant 0 : i32
    %dma_wait3A_233 = arith.constant 0 : i32
    %dma_wait3A_234 = arith.constant 52 : i32
    %dma_wait3A_235 = arith.constant 0 : i32
    %dma_wait3A_236 = tpu.memref_slice %arg6[%dma_wait3A_232, %dma_wait3A_234, %dma_wait3A_235] : memref<4x104x64xf32, #tpu.memory_space<vmem>> -> memref<1x26x64xf32, #tpu.memory_space<vmem>>
    %dma_wait3A_237 = tpu.memref_squeeze %dma_wait3A_236 : memref<1x26x64xf32, #tpu.memory_space<vmem>> -> memref<26x64xf32, #tpu.memory_space<vmem>>
    %dma_wait3A_238 = arith.constant 0 : i32
    %dma_wait3A_239 = tpu.memref_slice %arg4[%mul3A_231, %dma_wait3A_238] : memref<524288x128xf32, #tpu.memory_space<hbm>> -> memref<26x64xf32, #tpu.memory_space<hbm>>
    %dma_wait3A_240 = tpu.memref_slice %arg8[%dma_wait3A_233] : memref<4x!tpu.dma_semaphore, #tpu.memory_space<semaphore_mem>> -> memref<1x!tpu.dma_semaphore, #tpu.memory_space<semaphore_mem>>
    %dma_wait3A_241 = tpu.memref_squeeze %dma_wait3A_240 : memref<1x!tpu.dma_semaphore, #tpu.memory_space<semaphore_mem>> -> memref<!tpu.dma_semaphore, #tpu.memory_space<semaphore_mem>>
    %dma_wait3A_242 = arith.constant 0 : i32
    %dma_wait3A_243 = tpu.memref_slice %arg4[%mul3A_231, %dma_wait3A_242] : memref<524288x128xf32, #tpu.memory_space<hbm>> -> memref<26x64xf32, #tpu.memory_space<hbm>>
    %dma_wait3A_244 = arith.constant 52 : i32
    %dma_wait3A_245 = arith.constant 0 : i32
    %dma_wait3A_246 = tpu.memref_slice %arg6[%dma_wait3A_232, %dma_wait3A_244, %dma_wait3A_245] : memref<4x104x64xf32, #tpu.memory_space<vmem>> -> memref<1x26x64xf32, #tpu.memory_space<vmem>>
    %dma_wait3A_247 = tpu.memref_squeeze %dma_wait3A_246 : memref<1x26x64xf32, #tpu.memory_space<vmem>> -> memref<26x64xf32, #tpu.memory_space<vmem>>
    tpu.wait_dma2 semaphore(%dma_wait3A_241 : memref<!tpu.dma_semaphore, #tpu.memory_space<semaphore_mem>>) src(%dma_wait3A_247 : memref<26x64xf32, #tpu.memory_space<vmem>>) dst(%dma_wait3A_243 : memref<26x64xf32, #tpu.memory_space<hbm>>)
    %add3A_248 = arith.constant 124 : i32
    %add3A_249 = arith.addi %mul3A_2, %add3A_248 : i32
    %mul3A_250 = arith.constant 4 : i32
    %mul3A_251 = arith.muli %add3A_249, %mul3A_250 : i32
    %add3A_252 = arith.constant 3 : i32
    %add3A_253 = arith.addi %mul3A_251, %add3A_252 : i32
    %mul3A_254 = arith.constant 32 : i32
    %mul3A_255 = arith.muli %add3A_253, %mul3A_254 : i32
    %dma_wait3A_256 = arith.constant 0 : i32
    %dma_wait3A_257 = arith.constant 0 : i32
    %dma_wait3A_258 = arith.constant 78 : i32
    %dma_wait3A_259 = arith.constant 0 : i32
    %dma_wait3A_260 = tpu.memref_slice %arg6[%dma_wait3A_256, %dma_wait3A_258, %dma_wait3A_259] : memref<4x104x64xf32, #tpu.memory_space<vmem>> -> memref<1x26x64xf32, #tpu.memory_space<vmem>>
    %dma_wait3A_261 = tpu.memref_squeeze %dma_wait3A_260 : memref<1x26x64xf32, #tpu.memory_space<vmem>> -> memref<26x64xf32, #tpu.memory_space<vmem>>
    %dma_wait3A_262 = arith.constant 0 : i32
    %dma_wait3A_263 = tpu.memref_slice %arg4[%mul3A_255, %dma_wait3A_262] : memref<524288x128xf32, #tpu.memory_space<hbm>> -> memref<26x64xf32, #tpu.memory_space<hbm>>
    %dma_wait3A_264 = tpu.memref_slice %arg8[%dma_wait3A_257] : memref<4x!tpu.dma_semaphore, #tpu.memory_space<semaphore_mem>> -> memref<1x!tpu.dma_semaphore, #tpu.memory_space<semaphore_mem>>
    %dma_wait3A_265 = tpu.memref_squeeze %dma_wait3A_264 : memref<1x!tpu.dma_semaphore, #tpu.memory_space<semaphore_mem>> -> memref<!tpu.dma_semaphore, #tpu.memory_space<semaphore_mem>>
    %dma_wait3A_266 = arith.constant 0 : i32
    %dma_wait3A_267 = tpu.memref_slice %arg4[%mul3A_255, %dma_wait3A_266] : memref<524288x128xf32, #tpu.memory_space<hbm>> -> memref<26x64xf32, #tpu.memory_space<hbm>>
    %dma_wait3A_268 = arith.constant 78 : i32
    %dma_wait3A_269 = arith.constant 0 : i32
    %dma_wait3A_270 = tpu.memref_slice %arg6[%dma_wait3A_256, %dma_wait3A_268, %dma_wait3A_269] : memref<4x104x64xf32, #tpu.memory_space<vmem>> -> memref<1x26x64xf32, #tpu.memory_space<vmem>>
    %dma_wait3A_271 = tpu.memref_squeeze %dma_wait3A_270 : memref<1x26x64xf32, #tpu.memory_space<vmem>> -> memref<26x64xf32, #tpu.memory_space<vmem>>
    tpu.wait_dma2 semaphore(%dma_wait3A_265 : memref<!tpu.dma_semaphore, #tpu.memory_space<semaphore_mem>>) src(%dma_wait3A_271 : memref<26x64xf32, #tpu.memory_space<vmem>>) dst(%dma_wait3A_267 : memref<26x64xf32, #tpu.memory_space<hbm>>)
    %dma_wait3A_272 = arith.constant 125 : i32
    %dma_wait3A_273 = arith.constant 1 : i32
    %dma_wait3A_274 = arith.constant 1 : i32
    %dma_wait3A_275 = arith.constant 0 : i32
    %dma_wait3A_276 = arith.constant 0 : i32
    %dma_wait3A_277 = tpu.memref_slice %arg6[%dma_wait3A_273, %dma_wait3A_275, %dma_wait3A_276] : memref<4x104x64xf32, #tpu.memory_space<vmem>> -> memref<1x104x64xf32, #tpu.memory_space<vmem>>
    %dma_wait3A_278 = tpu.memref_squeeze %dma_wait3A_277 : memref<1x104x64xf32, #tpu.memory_space<vmem>> -> memref<104x64xf32, #tpu.memory_space<vmem>>
    %dma_wait3A_279 = arith.constant 0 : i32
    %dma_wait3A_280 = tpu.memref_slice %arg5[%dma_wait3A_272, %dma_wait3A_279] : memref<128x104xi32, #tpu.memory_space<vmem>> -> memref<1x104xi32, #tpu.memory_space<vmem>>
    %dma_wait3A_281 = tpu.memref_squeeze %dma_wait3A_280 : memref<1x104xi32, #tpu.memory_space<vmem>> -> memref<104xi32, #tpu.memory_space<vmem>>
    %dma_wait3A_282 = arith.constant 0 : i32
    %dma_wait3A_283 = arith.constant 0 : i32
    %dma_wait3A_284 = tpu.memref_slice %arg3[%dma_wait3A_282, %dma_wait3A_283] : memref<1000000x64xf32, #tpu.memory_space<hbm>> -> memref<1000000x64xf32, #tpu.memory_space<hbm>>
    %dma_wait3A_285 = tpu.memref_slice %arg7[%dma_wait3A_274] : memref<4x!tpu.dma_semaphore, #tpu.memory_space<semaphore_mem>> -> memref<1x!tpu.dma_semaphore, #tpu.memory_space<semaphore_mem>>
    %dma_wait3A_286 = tpu.memref_squeeze %dma_wait3A_285 : memref<1x!tpu.dma_semaphore, #tpu.memory_space<semaphore_mem>> -> memref<!tpu.dma_semaphore, #tpu.memory_space<semaphore_mem>>
    tpu.wait_indirect_dma semaphore(%dma_wait3A_286 : memref<!tpu.dma_semaphore, #tpu.memory_space<semaphore_mem>>) src(%dma_wait3A_284 : memref<1000000x64xf32, #tpu.memory_space<hbm>>) dst(%dma_wait3A_278 : memref<104x64xf32, #tpu.memory_space<vmem>>)
    %add3A_287 = arith.constant 125 : i32
    %add3A_288 = arith.addi %mul3A_2, %add3A_287 : i32
    %mul3A_289 = arith.constant 4 : i32
    %mul3A_290 = arith.muli %add3A_288, %mul3A_289 : i32
    %add3A_291 = arith.constant 0 : i32
    %add3A_292 = arith.addi %mul3A_290, %add3A_291 : i32
    %mul3A_293 = arith.constant 32 : i32
    %mul3A_294 = arith.muli %add3A_292, %mul3A_293 : i32
    %dma_start3A_295 = arith.constant 1 : i32
    %dma_start3A_296 = arith.constant 1 : i32
    %dma_start3A_297 = arith.constant 0 : i32
    %dma_start3A_298 = arith.constant 0 : i32
    %dma_start3A_299 = tpu.memref_slice %arg6[%dma_start3A_295, %dma_start3A_297, %dma_start3A_298] : memref<4x104x64xf32, #tpu.memory_space<vmem>> -> memref<1x26x64xf32, #tpu.memory_space<vmem>>
    %dma_start3A_300 = tpu.memref_squeeze %dma_start3A_299 : memref<1x26x64xf32, #tpu.memory_space<vmem>> -> memref<26x64xf32, #tpu.memory_space<vmem>>
    %dma_start3A_301 = arith.constant 0 : i32
    %dma_start3A_302 = tpu.memref_slice %arg4[%mul3A_294, %dma_start3A_301] : memref<524288x128xf32, #tpu.memory_space<hbm>> -> memref<26x64xf32, #tpu.memory_space<hbm>>
    %dma_start3A_303 = tpu.memref_slice %arg8[%dma_start3A_296] : memref<4x!tpu.dma_semaphore, #tpu.memory_space<semaphore_mem>> -> memref<1x!tpu.dma_semaphore, #tpu.memory_space<semaphore_mem>>
    %dma_start3A_304 = tpu.memref_squeeze %dma_start3A_303 : memref<1x!tpu.dma_semaphore, #tpu.memory_space<semaphore_mem>> -> memref<!tpu.dma_semaphore, #tpu.memory_space<semaphore_mem>>
    %dma_start3A_305 = arith.constant 0 : i32
    %dma_start3A_306 = tpu.memref_slice %arg4[%mul3A_294, %dma_start3A_305] : memref<524288x128xf32, #tpu.memory_space<hbm>> -> memref<26x64xf32, #tpu.memory_space<hbm>>
    %dma_start3A_307 = arith.constant 0 : i32
    %dma_start3A_308 = arith.constant 0 : i32
    %dma_start3A_309 = tpu.memref_slice %arg6[%dma_start3A_295, %dma_start3A_307, %dma_start3A_308] : memref<4x104x64xf32, #tpu.memory_space<vmem>> -> memref<1x26x64xf32, #tpu.memory_space<vmem>>
    %dma_start3A_310 = tpu.memref_squeeze %dma_start3A_309 : memref<1x26x64xf32, #tpu.memory_space<vmem>> -> memref<26x64xf32, #tpu.memory_space<vmem>>
    tpu.enqueue_dma source(%dma_start3A_310 : memref<26x64xf32, #tpu.memory_space<vmem>>) target(%dma_start3A_306 : memref<26x64xf32, #tpu.memory_space<hbm>>) target_semaphore(%dma_start3A_304 : memref<!tpu.dma_semaphore, #tpu.memory_space<semaphore_mem>>)
    %add3A_311 = arith.constant 125 : i32
    %add3A_312 = arith.addi %mul3A_2, %add3A_311 : i32
    %mul3A_313 = arith.constant 4 : i32
    %mul3A_314 = arith.muli %add3A_312, %mul3A_313 : i32
    %add3A_315 = arith.constant 1 : i32
    %add3A_316 = arith.addi %mul3A_314, %add3A_315 : i32
    %mul3A_317 = arith.constant 32 : i32
    %mul3A_318 = arith.muli %add3A_316, %mul3A_317 : i32
    %dma_start3A_319 = arith.constant 1 : i32
    %dma_start3A_320 = arith.constant 1 : i32
    %dma_start3A_321 = arith.constant 26 : i32
    %dma_start3A_322 = arith.constant 0 : i32
    %dma_start3A_323 = tpu.memref_slice %arg6[%dma_start3A_319, %dma_start3A_321, %dma_start3A_322] : memref<4x104x64xf32, #tpu.memory_space<vmem>> -> memref<1x26x64xf32, #tpu.memory_space<vmem>>
    %dma_start3A_324 = tpu.memref_squeeze %dma_start3A_323 : memref<1x26x64xf32, #tpu.memory_space<vmem>> -> memref<26x64xf32, #tpu.memory_space<vmem>>
    %dma_start3A_325 = arith.constant 0 : i32
    %dma_start3A_326 = tpu.memref_slice %arg4[%mul3A_318, %dma_start3A_325] : memref<524288x128xf32, #tpu.memory_space<hbm>> -> memref<26x64xf32, #tpu.memory_space<hbm>>
    %dma_start3A_327 = tpu.memref_slice %arg8[%dma_start3A_320] : memref<4x!tpu.dma_semaphore, #tpu.memory_space<semaphore_mem>> -> memref<1x!tpu.dma_semaphore, #tpu.memory_space<semaphore_mem>>
    %dma_start3A_328 = tpu.memref_squeeze %dma_start3A_327 : memref<1x!tpu.dma_semaphore, #tpu.memory_space<semaphore_mem>> -> memref<!tpu.dma_semaphore, #tpu.memory_space<semaphore_mem>>
    %dma_start3A_329 = arith.constant 0 : i32
    %dma_start3A_330 = tpu.memref_slice %arg4[%mul3A_318, %dma_start3A_329] : memref<524288x128xf32, #tpu.memory_space<hbm>> -> memref<26x64xf32, #tpu.memory_space<hbm>>
    %dma_start3A_331 = arith.constant 26 : i32
    %dma_start3A_332 = arith.constant 0 : i32
    %dma_start3A_333 = tpu.memref_slice %arg6[%dma_start3A_319, %dma_start3A_331, %dma_start3A_332] : memref<4x104x64xf32, #tpu.memory_space<vmem>> -> memref<1x26x64xf32, #tpu.memory_space<vmem>>
    %dma_start3A_334 = tpu.memref_squeeze %dma_start3A_333 : memref<1x26x64xf32, #tpu.memory_space<vmem>> -> memref<26x64xf32, #tpu.memory_space<vmem>>
    tpu.enqueue_dma source(%dma_start3A_334 : memref<26x64xf32, #tpu.memory_space<vmem>>) target(%dma_start3A_330 : memref<26x64xf32, #tpu.memory_space<hbm>>) target_semaphore(%dma_start3A_328 : memref<!tpu.dma_semaphore, #tpu.memory_space<semaphore_mem>>)
    %add3A_335 = arith.constant 125 : i32
    %add3A_336 = arith.addi %mul3A_2, %add3A_335 : i32
    %mul3A_337 = arith.constant 4 : i32
    %mul3A_338 = arith.muli %add3A_336, %mul3A_337 : i32
    %add3A_339 = arith.constant 2 : i32
    %add3A_340 = arith.addi %mul3A_338, %add3A_339 : i32
    %mul3A_341 = arith.constant 32 : i32
    %mul3A_342 = arith.muli %add3A_340, %mul3A_341 : i32
    %dma_start3A_343 = arith.constant 1 : i32
    %dma_start3A_344 = arith.constant 1 : i32
    %dma_start3A_345 = arith.constant 52 : i32
    %dma_start3A_346 = arith.constant 0 : i32
    %dma_start3A_347 = tpu.memref_slice %arg6[%dma_start3A_343, %dma_start3A_345, %dma_start3A_346] : memref<4x104x64xf32, #tpu.memory_space<vmem>> -> memref<1x26x64xf32, #tpu.memory_space<vmem>>
    %dma_start3A_348 = tpu.memref_squeeze %dma_start3A_347 : memref<1x26x64xf32, #tpu.memory_space<vmem>> -> memref<26x64xf32, #tpu.memory_space<vmem>>
    %dma_start3A_349 = arith.constant 0 : i32
    %dma_start3A_350 = tpu.memref_slice %arg4[%mul3A_342, %dma_start3A_349] : memref<524288x128xf32, #tpu.memory_space<hbm>> -> memref<26x64xf32, #tpu.memory_space<hbm>>
    %dma_start3A_351 = tpu.memref_slice %arg8[%dma_start3A_344] : memref<4x!tpu.dma_semaphore, #tpu.memory_space<semaphore_mem>> -> memref<1x!tpu.dma_semaphore, #tpu.memory_space<semaphore_mem>>
    %dma_start3A_352 = tpu.memref_squeeze %dma_start3A_351 : memref<1x!tpu.dma_semaphore, #tpu.memory_space<semaphore_mem>> -> memref<!tpu.dma_semaphore, #tpu.memory_space<semaphore_mem>>
    %dma_start3A_353 = arith.constant 0 : i32
    %dma_start3A_354 = tpu.memref_slice %arg4[%mul3A_342, %dma_start3A_353] : memref<524288x128xf32, #tpu.memory_space<hbm>> -> memref<26x64xf32, #tpu.memory_space<hbm>>
    %dma_start3A_355 = arith.constant 52 : i32
    %dma_start3A_356 = arith.constant 0 : i32
    %dma_start3A_357 = tpu.memref_slice %arg6[%dma_start3A_343, %dma_start3A_355, %dma_start3A_356] : memref<4x104x64xf32, #tpu.memory_space<vmem>> -> memref<1x26x64xf32, #tpu.memory_space<vmem>>
    %dma_start3A_358 = tpu.memref_squeeze %dma_start3A_357 : memref<1x26x64xf32, #tpu.memory_space<vmem>> -> memref<26x64xf32, #tpu.memory_space<vmem>>
    tpu.enqueue_dma source(%dma_start3A_358 : memref<26x64xf32, #tpu.memory_space<vmem>>) target(%dma_start3A_354 : memref<26x64xf32, #tpu.memory_space<hbm>>) target_semaphore(%dma_start3A_352 : memref<!tpu.dma_semaphore, #tpu.memory_space<semaphore_mem>>)
    %add3A_359 = arith.constant 125 : i32
    %add3A_360 = arith.addi %mul3A_2, %add3A_359 : i32
    %mul3A_361 = arith.constant 4 : i32
    %mul3A_362 = arith.muli %add3A_360, %mul3A_361 : i32
    %add3A_363 = arith.constant 3 : i32
    %add3A_364 = arith.addi %mul3A_362, %add3A_363 : i32
    %mul3A_365 = arith.constant 32 : i32
    %mul3A_366 = arith.muli %add3A_364, %mul3A_365 : i32
    %dma_start3A_367 = arith.constant 1 : i32
    %dma_start3A_368 = arith.constant 1 : i32
    %dma_start3A_369 = arith.constant 78 : i32
    %dma_start3A_370 = arith.constant 0 : i32
    %dma_start3A_371 = tpu.memref_slice %arg6[%dma_start3A_367, %dma_start3A_369, %dma_start3A_370] : memref<4x104x64xf32, #tpu.memory_space<vmem>> -> memref<1x26x64xf32, #tpu.memory_space<vmem>>
    %dma_start3A_372 = tpu.memref_squeeze %dma_start3A_371 : memref<1x26x64xf32, #tpu.memory_space<vmem>> -> memref<26x64xf32, #tpu.memory_space<vmem>>
    %dma_start3A_373 = arith.constant 0 : i32
    %dma_start3A_374 = tpu.memref_slice %arg4[%mul3A_366, %dma_start3A_373] : memref<524288x128xf32, #tpu.memory_space<hbm>> -> memref<26x64xf32, #tpu.memory_space<hbm>>
    %dma_start3A_375 = tpu.memref_slice %arg8[%dma_start3A_368] : memref<4x!tpu.dma_semaphore, #tpu.memory_space<semaphore_mem>> -> memref<1x!tpu.dma_semaphore, #tpu.memory_space<semaphore_mem>>
    %dma_start3A_376 = tpu.memref_squeeze %dma_start3A_375 : memref<1x!tpu.dma_semaphore, #tpu.memory_space<semaphore_mem>> -> memref<!tpu.dma_semaphore, #tpu.memory_space<semaphore_mem>>
    %dma_start3A_377 = arith.constant 0 : i32
    %dma_start3A_378 = tpu.memref_slice %arg4[%mul3A_366, %dma_start3A_377] : memref<524288x128xf32, #tpu.memory_space<hbm>> -> memref<26x64xf32, #tpu.memory_space<hbm>>
    %dma_start3A_379 = arith.constant 78 : i32
    %dma_start3A_380 = arith.constant 0 : i32
    %dma_start3A_381 = tpu.memref_slice %arg6[%dma_start3A_367, %dma_start3A_379, %dma_start3A_380] : memref<4x104x64xf32, #tpu.memory_space<vmem>> -> memref<1x26x64xf32, #tpu.memory_space<vmem>>
    %dma_start3A_382 = tpu.memref_squeeze %dma_start3A_381 : memref<1x26x64xf32, #tpu.memory_space<vmem>> -> memref<26x64xf32, #tpu.memory_space<vmem>>
    tpu.enqueue_dma source(%dma_start3A_382 : memref<26x64xf32, #tpu.memory_space<vmem>>) target(%dma_start3A_378 : memref<26x64xf32, #tpu.memory_space<hbm>>) target_semaphore(%dma_start3A_376 : memref<!tpu.dma_semaphore, #tpu.memory_space<semaphore_mem>>)
    %add3A_383 = arith.constant 125 : i32
    %add3A_384 = arith.addi %mul3A_2, %add3A_383 : i32
    %mul3A_385 = arith.constant 4 : i32
    %mul3A_386 = arith.muli %add3A_384, %mul3A_385 : i32
    %add3A_387 = arith.constant 0 : i32
    %add3A_388 = arith.addi %mul3A_386, %add3A_387 : i32
    %mul3A_389 = arith.constant 32 : i32
    %mul3A_390 = arith.muli %add3A_388, %mul3A_389 : i32
    %dma_wait3A_391 = arith.constant 1 : i32
    %dma_wait3A_392 = arith.constant 1 : i32
    %dma_wait3A_393 = arith.constant 0 : i32
    %dma_wait3A_394 = arith.constant 0 : i32
    %dma_wait3A_395 = tpu.memref_slice %arg6[%dma_wait3A_391, %dma_wait3A_393, %dma_wait3A_394] : memref<4x104x64xf32, #tpu.memory_space<vmem>> -> memref<1x26x64xf32, #tpu.memory_space<vmem>>
    %dma_wait3A_396 = tpu.memref_squeeze %dma_wait3A_395 : memref<1x26x64xf32, #tpu.memory_space<vmem>> -> memref<26x64xf32, #tpu.memory_space<vmem>>
    %dma_wait3A_397 = arith.constant 0 : i32
    %dma_wait3A_398 = tpu.memref_slice %arg4[%mul3A_390, %dma_wait3A_397] : memref<524288x128xf32, #tpu.memory_space<hbm>> -> memref<26x64xf32, #tpu.memory_space<hbm>>
    %dma_wait3A_399 = tpu.memref_slice %arg8[%dma_wait3A_392] : memref<4x!tpu.dma_semaphore, #tpu.memory_space<semaphore_mem>> -> memref<1x!tpu.dma_semaphore, #tpu.memory_space<semaphore_mem>>
    %dma_wait3A_400 = tpu.memref_squeeze %dma_wait3A_399 : memref<1x!tpu.dma_semaphore, #tpu.memory_space<semaphore_mem>> -> memref<!tpu.dma_semaphore, #tpu.memory_space<semaphore_mem>>
    %dma_wait3A_401 = arith.constant 0 : i32
    %dma_wait3A_402 = tpu.memref_slice %arg4[%mul3A_390, %dma_wait3A_401] : memref<524288x128xf32, #tpu.memory_space<hbm>> -> memref<26x64xf32, #tpu.memory_space<hbm>>
    %dma_wait3A_403 = arith.constant 0 : i32
    %dma_wait3A_404 = arith.constant 0 : i32
    %dma_wait3A_405 = tpu.memref_slice %arg6[%dma_wait3A_391, %dma_wait3A_403, %dma_wait3A_404] : memref<4x104x64xf32, #tpu.memory_space<vmem>> -> memref<1x26x64xf32, #tpu.memory_space<vmem>>
    %dma_wait3A_406 = tpu.memref_squeeze %dma_wait3A_405 : memref<1x26x64xf32, #tpu.memory_space<vmem>> -> memref<26x64xf32, #tpu.memory_space<vmem>>
    tpu.wait_dma2 semaphore(%dma_wait3A_400 : memref<!tpu.dma_semaphore, #tpu.memory_space<semaphore_mem>>) src(%dma_wait3A_406 : memref<26x64xf32, #tpu.memory_space<vmem>>) dst(%dma_wait3A_402 : memref<26x64xf32, #tpu.memory_space<hbm>>)
    %add3A_407 = arith.constant 125 : i32
    %add3A_408 = arith.addi %mul3A_2, %add3A_407 : i32
    %mul3A_409 = arith.constant 4 : i32
    %mul3A_410 = arith.muli %add3A_408, %mul3A_409 : i32
    %add3A_411 = arith.constant 1 : i32
    %add3A_412 = arith.addi %mul3A_410, %add3A_411 : i32
    %mul3A_413 = arith.constant 32 : i32
    %mul3A_414 = arith.muli %add3A_412, %mul3A_413 : i32
    %dma_wait3A_415 = arith.constant 1 : i32
    %dma_wait3A_416 = arith.constant 1 : i32
    %dma_wait3A_417 = arith.constant 26 : i32
    %dma_wait3A_418 = arith.constant 0 : i32
    %dma_wait3A_419 = tpu.memref_slice %arg6[%dma_wait3A_415, %dma_wait3A_417, %dma_wait3A_418] : memref<4x104x64xf32, #tpu.memory_space<vmem>> -> memref<1x26x64xf32, #tpu.memory_space<vmem>>
    %dma_wait3A_420 = tpu.memref_squeeze %dma_wait3A_419 : memref<1x26x64xf32, #tpu.memory_space<vmem>> -> memref<26x64xf32, #tpu.memory_space<vmem>>
    %dma_wait3A_421 = arith.constant 0 : i32
    %dma_wait3A_422 = tpu.memref_slice %arg4[%mul3A_414, %dma_wait3A_421] : memref<524288x128xf32, #tpu.memory_space<hbm>> -> memref<26x64xf32, #tpu.memory_space<hbm>>
    %dma_wait3A_423 = tpu.memref_slice %arg8[%dma_wait3A_416] : memref<4x!tpu.dma_semaphore, #tpu.memory_space<semaphore_mem>> -> memref<1x!tpu.dma_semaphore, #tpu.memory_space<semaphore_mem>>
    %dma_wait3A_424 = tpu.memref_squeeze %dma_wait3A_423 : memref<1x!tpu.dma_semaphore, #tpu.memory_space<semaphore_mem>> -> memref<!tpu.dma_semaphore, #tpu.memory_space<semaphore_mem>>
    %dma_wait3A_425 = arith.constant 0 : i32
    %dma_wait3A_426 = tpu.memref_slice %arg4[%mul3A_414, %dma_wait3A_425] : memref<524288x128xf32, #tpu.memory_space<hbm>> -> memref<26x64xf32, #tpu.memory_space<hbm>>
    %dma_wait3A_427 = arith.constant 26 : i32
    %dma_wait3A_428 = arith.constant 0 : i32
    %dma_wait3A_429 = tpu.memref_slice %arg6[%dma_wait3A_415, %dma_wait3A_427, %dma_wait3A_428] : memref<4x104x64xf32, #tpu.memory_space<vmem>> -> memref<1x26x64xf32, #tpu.memory_space<vmem>>
    %dma_wait3A_430 = tpu.memref_squeeze %dma_wait3A_429 : memref<1x26x64xf32, #tpu.memory_space<vmem>> -> memref<26x64xf32, #tpu.memory_space<vmem>>
    tpu.wait_dma2 semaphore(%dma_wait3A_424 : memref<!tpu.dma_semaphore, #tpu.memory_space<semaphore_mem>>) src(%dma_wait3A_430 : memref<26x64xf32, #tpu.memory_space<vmem>>) dst(%dma_wait3A_426 : memref<26x64xf32, #tpu.memory_space<hbm>>)
    %add3A_431 = arith.constant 125 : i32
    %add3A_432 = arith.addi %mul3A_2, %add3A_431 : i32
    %mul3A_433 = arith.constant 4 : i32
    %mul3A_434 = arith.muli %add3A_432, %mul3A_433 : i32
    %add3A_435 = arith.constant 2 : i32
    %add3A_436 = arith.addi %mul3A_434, %add3A_435 : i32
    %mul3A_437 = arith.constant 32 : i32
    %mul3A_438 = arith.muli %add3A_436, %mul3A_437 : i32
    %dma_wait3A_439 = arith.constant 1 : i32
    %dma_wait3A_440 = arith.constant 1 : i32
    %dma_wait3A_441 = arith.constant 52 : i32
    %dma_wait3A_442 = arith.constant 0 : i32
    %dma_wait3A_443 = tpu.memref_slice %arg6[%dma_wait3A_439, %dma_wait3A_441, %dma_wait3A_442] : memref<4x104x64xf32, #tpu.memory_space<vmem>> -> memref<1x26x64xf32, #tpu.memory_space<vmem>>
    %dma_wait3A_444 = tpu.memref_squeeze %dma_wait3A_443 : memref<1x26x64xf32, #tpu.memory_space<vmem>> -> memref<26x64xf32, #tpu.memory_space<vmem>>
    %dma_wait3A_445 = arith.constant 0 : i32
    %dma_wait3A_446 = tpu.memref_slice %arg4[%mul3A_438, %dma_wait3A_445] : memref<524288x128xf32, #tpu.memory_space<hbm>> -> memref<26x64xf32, #tpu.memory_space<hbm>>
    %dma_wait3A_447 = tpu.memref_slice %arg8[%dma_wait3A_440] : memref<4x!tpu.dma_semaphore, #tpu.memory_space<semaphore_mem>> -> memref<1x!tpu.dma_semaphore, #tpu.memory_space<semaphore_mem>>
    %dma_wait3A_448 = tpu.memref_squeeze %dma_wait3A_447 : memref<1x!tpu.dma_semaphore, #tpu.memory_space<semaphore_mem>> -> memref<!tpu.dma_semaphore, #tpu.memory_space<semaphore_mem>>
    %dma_wait3A_449 = arith.constant 0 : i32
    %dma_wait3A_450 = tpu.memref_slice %arg4[%mul3A_438, %dma_wait3A_449] : memref<524288x128xf32, #tpu.memory_space<hbm>> -> memref<26x64xf32, #tpu.memory_space<hbm>>
    %dma_wait3A_451 = arith.constant 52 : i32
    %dma_wait3A_452 = arith.constant 0 : i32
    %dma_wait3A_453 = tpu.memref_slice %arg6[%dma_wait3A_439, %dma_wait3A_451, %dma_wait3A_452] : memref<4x104x64xf32, #tpu.memory_space<vmem>> -> memref<1x26x64xf32, #tpu.memory_space<vmem>>
    %dma_wait3A_454 = tpu.memref_squeeze %dma_wait3A_453 : memref<1x26x64xf32, #tpu.memory_space<vmem>> -> memref<26x64xf32, #tpu.memory_space<vmem>>
    tpu.wait_dma2 semaphore(%dma_wait3A_448 : memref<!tpu.dma_semaphore, #tpu.memory_space<semaphore_mem>>) src(%dma_wait3A_454 : memref<26x64xf32, #tpu.memory_space<vmem>>) dst(%dma_wait3A_450 : memref<26x64xf32, #tpu.memory_space<hbm>>)
    %add3A_455 = arith.constant 125 : i32
    %add3A_456 = arith.addi %mul3A_2, %add3A_455 : i32
    %mul3A_457 = arith.constant 4 : i32
    %mul3A_458 = arith.muli %add3A_456, %mul3A_457 : i32
    %add3A_459 = arith.constant 3 : i32
    %add3A_460 = arith.addi %mul3A_458, %add3A_459 : i32
    %mul3A_461 = arith.constant 32 : i32
    %mul3A_462 = arith.muli %add3A_460, %mul3A_461 : i32
    %dma_wait3A_463 = arith.constant 1 : i32
    %dma_wait3A_464 = arith.constant 1 : i32
    %dma_wait3A_465 = arith.constant 78 : i32
    %dma_wait3A_466 = arith.constant 0 : i32
    %dma_wait3A_467 = tpu.memref_slice %arg6[%dma_wait3A_463, %dma_wait3A_465, %dma_wait3A_466] : memref<4x104x64xf32, #tpu.memory_space<vmem>> -> memref<1x26x64xf32, #tpu.memory_space<vmem>>
    %dma_wait3A_468 = tpu.memref_squeeze %dma_wait3A_467 : memref<1x26x64xf32, #tpu.memory_space<vmem>> -> memref<26x64xf32, #tpu.memory_space<vmem>>
    %dma_wait3A_469 = arith.constant 0 : i32
    %dma_wait3A_470 = tpu.memref_slice %arg4[%mul3A_462, %dma_wait3A_469] : memref<524288x128xf32, #tpu.memory_space<hbm>> -> memref<26x64xf32, #tpu.memory_space<hbm>>
    %dma_wait3A_471 = tpu.memref_slice %arg8[%dma_wait3A_464] : memref<4x!tpu.dma_semaphore, #tpu.memory_space<semaphore_mem>> -> memref<1x!tpu.dma_semaphore, #tpu.memory_space<semaphore_mem>>
    %dma_wait3A_472 = tpu.memref_squeeze %dma_wait3A_471 : memref<1x!tpu.dma_semaphore, #tpu.memory_space<semaphore_mem>> -> memref<!tpu.dma_semaphore, #tpu.memory_space<semaphore_mem>>
    %dma_wait3A_473 = arith.constant 0 : i32
    %dma_wait3A_474 = tpu.memref_slice %arg4[%mul3A_462, %dma_wait3A_473] : memref<524288x128xf32, #tpu.memory_space<hbm>> -> memref<26x64xf32, #tpu.memory_space<hbm>>
    %dma_wait3A_475 = arith.constant 78 : i32
    %dma_wait3A_476 = arith.constant 0 : i32
    %dma_wait3A_477 = tpu.memref_slice %arg6[%dma_wait3A_463, %dma_wait3A_475, %dma_wait3A_476] : memref<4x104x64xf32, #tpu.memory_space<vmem>> -> memref<1x26x64xf32, #tpu.memory_space<vmem>>
    %dma_wait3A_478 = tpu.memref_squeeze %dma_wait3A_477 : memref<1x26x64xf32, #tpu.memory_space<vmem>> -> memref<26x64xf32, #tpu.memory_space<vmem>>
    tpu.wait_dma2 semaphore(%dma_wait3A_472 : memref<!tpu.dma_semaphore, #tpu.memory_space<semaphore_mem>>) src(%dma_wait3A_478 : memref<26x64xf32, #tpu.memory_space<vmem>>) dst(%dma_wait3A_474 : memref<26x64xf32, #tpu.memory_space<hbm>>)
    %dma_wait3A_479 = arith.constant 126 : i32
    %dma_wait3A_480 = arith.constant 2 : i32
    %dma_wait3A_481 = arith.constant 2 : i32
    %dma_wait3A_482 = arith.constant 0 : i32
    %dma_wait3A_483 = arith.constant 0 : i32
    %dma_wait3A_484 = tpu.memref_slice %arg6[%dma_wait3A_480, %dma_wait3A_482, %dma_wait3A_483] : memref<4x104x64xf32, #tpu.memory_space<vmem>> -> memref<1x104x64xf32, #tpu.memory_space<vmem>>
    %dma_wait3A_485 = tpu.memref_squeeze %dma_wait3A_484 : memref<1x104x64xf32, #tpu.memory_space<vmem>> -> memref<104x64xf32, #tpu.memory_space<vmem>>
    %dma_wait3A_486 = arith.constant 0 : i32
    %dma_wait3A_487 = tpu.memref_slice %arg5[%dma_wait3A_479, %dma_wait3A_486] : memref<128x104xi32, #tpu.memory_space<vmem>> -> memref<1x104xi32, #tpu.memory_space<vmem>>
    %dma_wait3A_488 = tpu.memref_squeeze %dma_wait3A_487 : memref<1x104xi32, #tpu.memory_space<vmem>> -> memref<104xi32, #tpu.memory_space<vmem>>
    %dma_wait3A_489 = arith.constant 0 : i32
    %dma_wait3A_490 = arith.constant 0 : i32
    %dma_wait3A_491 = tpu.memref_slice %arg3[%dma_wait3A_489, %dma_wait3A_490] : memref<1000000x64xf32, #tpu.memory_space<hbm>> -> memref<1000000x64xf32, #tpu.memory_space<hbm>>
    %dma_wait3A_492 = tpu.memref_slice %arg7[%dma_wait3A_481] : memref<4x!tpu.dma_semaphore, #tpu.memory_space<semaphore_mem>> -> memref<1x!tpu.dma_semaphore, #tpu.memory_space<semaphore_mem>>
    %dma_wait3A_493 = tpu.memref_squeeze %dma_wait3A_492 : memref<1x!tpu.dma_semaphore, #tpu.memory_space<semaphore_mem>> -> memref<!tpu.dma_semaphore, #tpu.memory_space<semaphore_mem>>
    tpu.wait_indirect_dma semaphore(%dma_wait3A_493 : memref<!tpu.dma_semaphore, #tpu.memory_space<semaphore_mem>>) src(%dma_wait3A_491 : memref<1000000x64xf32, #tpu.memory_space<hbm>>) dst(%dma_wait3A_485 : memref<104x64xf32, #tpu.memory_space<vmem>>)
    %add3A_494 = arith.constant 126 : i32
    %add3A_495 = arith.addi %mul3A_2, %add3A_494 : i32
    %mul3A_496 = arith.constant 4 : i32
    %mul3A_497 = arith.muli %add3A_495, %mul3A_496 : i32
    %add3A_498 = arith.constant 0 : i32
    %add3A_499 = arith.addi %mul3A_497, %add3A_498 : i32
    %mul3A_500 = arith.constant 32 : i32
    %mul3A_501 = arith.muli %add3A_499, %mul3A_500 : i32
    %dma_start3A_502 = arith.constant 2 : i32
    %dma_start3A_503 = arith.constant 2 : i32
    %dma_start3A_504 = arith.constant 0 : i32
    %dma_start3A_505 = arith.constant 0 : i32
    %dma_start3A_506 = tpu.memref_slice %arg6[%dma_start3A_502, %dma_start3A_504, %dma_start3A_505] : memref<4x104x64xf32, #tpu.memory_space<vmem>> -> memref<1x26x64xf32, #tpu.memory_space<vmem>>
    %dma_start3A_507 = tpu.memref_squeeze %dma_start3A_506 : memref<1x26x64xf32, #tpu.memory_space<vmem>> -> memref<26x64xf32, #tpu.memory_space<vmem>>
    %dma_start3A_508 = arith.constant 0 : i32
    %dma_start3A_509 = tpu.memref_slice %arg4[%mul3A_501, %dma_start3A_508] : memref<524288x128xf32, #tpu.memory_space<hbm>> -> memref<26x64xf32, #tpu.memory_space<hbm>>
    %dma_start3A_510 = tpu.memref_slice %arg8[%dma_start3A_503] : memref<4x!tpu.dma_semaphore, #tpu.memory_space<semaphore_mem>> -> memref<1x!tpu.dma_semaphore, #tpu.memory_space<semaphore_mem>>
    %dma_start3A_511 = tpu.memref_squeeze %dma_start3A_510 : memref<1x!tpu.dma_semaphore, #tpu.memory_space<semaphore_mem>> -> memref<!tpu.dma_semaphore, #tpu.memory_space<semaphore_mem>>
    %dma_start3A_512 = arith.constant 0 : i32
    %dma_start3A_513 = tpu.memref_slice %arg4[%mul3A_501, %dma_start3A_512] : memref<524288x128xf32, #tpu.memory_space<hbm>> -> memref<26x64xf32, #tpu.memory_space<hbm>>
    %dma_start3A_514 = arith.constant 0 : i32
    %dma_start3A_515 = arith.constant 0 : i32
    %dma_start3A_516 = tpu.memref_slice %arg6[%dma_start3A_502, %dma_start3A_514, %dma_start3A_515] : memref<4x104x64xf32, #tpu.memory_space<vmem>> -> memref<1x26x64xf32, #tpu.memory_space<vmem>>
    %dma_start3A_517 = tpu.memref_squeeze %dma_start3A_516 : memref<1x26x64xf32, #tpu.memory_space<vmem>> -> memref<26x64xf32, #tpu.memory_space<vmem>>
    tpu.enqueue_dma source(%dma_start3A_517 : memref<26x64xf32, #tpu.memory_space<vmem>>) target(%dma_start3A_513 : memref<26x64xf32, #tpu.memory_space<hbm>>) target_semaphore(%dma_start3A_511 : memref<!tpu.dma_semaphore, #tpu.memory_space<semaphore_mem>>)
    %add3A_518 = arith.constant 126 : i32
    %add3A_519 = arith.addi %mul3A_2, %add3A_518 : i32
    %mul3A_520 = arith.constant 4 : i32
    %mul3A_521 = arith.muli %add3A_519, %mul3A_520 : i32
    %add3A_522 = arith.constant 1 : i32
    %add3A_523 = arith.addi %mul3A_521, %add3A_522 : i32
    %mul3A_524 = arith.constant 32 : i32
    %mul3A_525 = arith.muli %add3A_523, %mul3A_524 : i32
    %dma_start3A_526 = arith.constant 2 : i32
    %dma_start3A_527 = arith.constant 2 : i32
    %dma_start3A_528 = arith.constant 26 : i32
    %dma_start3A_529 = arith.constant 0 : i32
    %dma_start3A_530 = tpu.memref_slice %arg6[%dma_start3A_526, %dma_start3A_528, %dma_start3A_529] : memref<4x104x64xf32, #tpu.memory_space<vmem>> -> memref<1x26x64xf32, #tpu.memory_space<vmem>>
    %dma_start3A_531 = tpu.memref_squeeze %dma_start3A_530 : memref<1x26x64xf32, #tpu.memory_space<vmem>> -> memref<26x64xf32, #tpu.memory_space<vmem>>
    %dma_start3A_532 = arith.constant 0 : i32
    %dma_start3A_533 = tpu.memref_slice %arg4[%mul3A_525, %dma_start3A_532] : memref<524288x128xf32, #tpu.memory_space<hbm>> -> memref<26x64xf32, #tpu.memory_space<hbm>>
    %dma_start3A_534 = tpu.memref_slice %arg8[%dma_start3A_527] : memref<4x!tpu.dma_semaphore, #tpu.memory_space<semaphore_mem>> -> memref<1x!tpu.dma_semaphore, #tpu.memory_space<semaphore_mem>>
    %dma_start3A_535 = tpu.memref_squeeze %dma_start3A_534 : memref<1x!tpu.dma_semaphore, #tpu.memory_space<semaphore_mem>> -> memref<!tpu.dma_semaphore, #tpu.memory_space<semaphore_mem>>
    %dma_start3A_536 = arith.constant 0 : i32
    %dma_start3A_537 = tpu.memref_slice %arg4[%mul3A_525, %dma_start3A_536] : memref<524288x128xf32, #tpu.memory_space<hbm>> -> memref<26x64xf32, #tpu.memory_space<hbm>>
    %dma_start3A_538 = arith.constant 26 : i32
    %dma_start3A_539 = arith.constant 0 : i32
    %dma_start3A_540 = tpu.memref_slice %arg6[%dma_start3A_526, %dma_start3A_538, %dma_start3A_539] : memref<4x104x64xf32, #tpu.memory_space<vmem>> -> memref<1x26x64xf32, #tpu.memory_space<vmem>>
    %dma_start3A_541 = tpu.memref_squeeze %dma_start3A_540 : memref<1x26x64xf32, #tpu.memory_space<vmem>> -> memref<26x64xf32, #tpu.memory_space<vmem>>
    tpu.enqueue_dma source(%dma_start3A_541 : memref<26x64xf32, #tpu.memory_space<vmem>>) target(%dma_start3A_537 : memref<26x64xf32, #tpu.memory_space<hbm>>) target_semaphore(%dma_start3A_535 : memref<!tpu.dma_semaphore, #tpu.memory_space<semaphore_mem>>)
    %add3A_542 = arith.constant 126 : i32
    %add3A_543 = arith.addi %mul3A_2, %add3A_542 : i32
    %mul3A_544 = arith.constant 4 : i32
    %mul3A_545 = arith.muli %add3A_543, %mul3A_544 : i32
    %add3A_546 = arith.constant 2 : i32
    %add3A_547 = arith.addi %mul3A_545, %add3A_546 : i32
    %mul3A_548 = arith.constant 32 : i32
    %mul3A_549 = arith.muli %add3A_547, %mul3A_548 : i32
    %dma_start3A_550 = arith.constant 2 : i32
    %dma_start3A_551 = arith.constant 2 : i32
    %dma_start3A_552 = arith.constant 52 : i32
    %dma_start3A_553 = arith.constant 0 : i32
    %dma_start3A_554 = tpu.memref_slice %arg6[%dma_start3A_550, %dma_start3A_552, %dma_start3A_553] : memref<4x104x64xf32, #tpu.memory_space<vmem>> -> memref<1x26x64xf32, #tpu.memory_space<vmem>>
    %dma_start3A_555 = tpu.memref_squeeze %dma_start3A_554 : memref<1x26x64xf32, #tpu.memory_space<vmem>> -> memref<26x64xf32, #tpu.memory_space<vmem>>
    %dma_start3A_556 = arith.constant 0 : i32
    %dma_start3A_557 = tpu.memref_slice %arg4[%mul3A_549, %dma_start3A_556] : memref<524288x128xf32, #tpu.memory_space<hbm>> -> memref<26x64xf32, #tpu.memory_space<hbm>>
    %dma_start3A_558 = tpu.memref_slice %arg8[%dma_start3A_551] : memref<4x!tpu.dma_semaphore, #tpu.memory_space<semaphore_mem>> -> memref<1x!tpu.dma_semaphore, #tpu.memory_space<semaphore_mem>>
    %dma_start3A_559 = tpu.memref_squeeze %dma_start3A_558 : memref<1x!tpu.dma_semaphore, #tpu.memory_space<semaphore_mem>> -> memref<!tpu.dma_semaphore, #tpu.memory_space<semaphore_mem>>
    %dma_start3A_560 = arith.constant 0 : i32
    %dma_start3A_561 = tpu.memref_slice %arg4[%mul3A_549, %dma_start3A_560] : memref<524288x128xf32, #tpu.memory_space<hbm>> -> memref<26x64xf32, #tpu.memory_space<hbm>>
    %dma_start3A_562 = arith.constant 52 : i32
    %dma_start3A_563 = arith.constant 0 : i32
    %dma_start3A_564 = tpu.memref_slice %arg6[%dma_start3A_550, %dma_start3A_562, %dma_start3A_563] : memref<4x104x64xf32, #tpu.memory_space<vmem>> -> memref<1x26x64xf32, #tpu.memory_space<vmem>>
    %dma_start3A_565 = tpu.memref_squeeze %dma_start3A_564 : memref<1x26x64xf32, #tpu.memory_space<vmem>> -> memref<26x64xf32, #tpu.memory_space<vmem>>
    tpu.enqueue_dma source(%dma_start3A_565 : memref<26x64xf32, #tpu.memory_space<vmem>>) target(%dma_start3A_561 : memref<26x64xf32, #tpu.memory_space<hbm>>) target_semaphore(%dma_start3A_559 : memref<!tpu.dma_semaphore, #tpu.memory_space<semaphore_mem>>)
    %add3A_566 = arith.constant 126 : i32
    %add3A_567 = arith.addi %mul3A_2, %add3A_566 : i32
    %mul3A_568 = arith.constant 4 : i32
    %mul3A_569 = arith.muli %add3A_567, %mul3A_568 : i32
    %add3A_570 = arith.constant 3 : i32
    %add3A_571 = arith.addi %mul3A_569, %add3A_570 : i32
    %mul3A_572 = arith.constant 32 : i32
    %mul3A_573 = arith.muli %add3A_571, %mul3A_572 : i32
    %dma_start3A_574 = arith.constant 2 : i32
    %dma_start3A_575 = arith.constant 2 : i32
    %dma_start3A_576 = arith.constant 78 : i32
    %dma_start3A_577 = arith.constant 0 : i32
    %dma_start3A_578 = tpu.memref_slice %arg6[%dma_start3A_574, %dma_start3A_576, %dma_start3A_577] : memref<4x104x64xf32, #tpu.memory_space<vmem>> -> memref<1x26x64xf32, #tpu.memory_space<vmem>>
    %dma_start3A_579 = tpu.memref_squeeze %dma_start3A_578 : memref<1x26x64xf32, #tpu.memory_space<vmem>> -> memref<26x64xf32, #tpu.memory_space<vmem>>
    %dma_start3A_580 = arith.constant 0 : i32
    %dma_start3A_581 = tpu.memref_slice %arg4[%mul3A_573, %dma_start3A_580] : memref<524288x128xf32, #tpu.memory_space<hbm>> -> memref<26x64xf32, #tpu.memory_space<hbm>>
    %dma_start3A_582 = tpu.memref_slice %arg8[%dma_start3A_575] : memref<4x!tpu.dma_semaphore, #tpu.memory_space<semaphore_mem>> -> memref<1x!tpu.dma_semaphore, #tpu.memory_space<semaphore_mem>>
    %dma_start3A_583 = tpu.memref_squeeze %dma_start3A_582 : memref<1x!tpu.dma_semaphore, #tpu.memory_space<semaphore_mem>> -> memref<!tpu.dma_semaphore, #tpu.memory_space<semaphore_mem>>
    %dma_start3A_584 = arith.constant 0 : i32
    %dma_start3A_585 = tpu.memref_slice %arg4[%mul3A_573, %dma_start3A_584] : memref<524288x128xf32, #tpu.memory_space<hbm>> -> memref<26x64xf32, #tpu.memory_space<hbm>>
    %dma_start3A_586 = arith.constant 78 : i32
    %dma_start3A_587 = arith.constant 0 : i32
    %dma_start3A_588 = tpu.memref_slice %arg6[%dma_start3A_574, %dma_start3A_586, %dma_start3A_587] : memref<4x104x64xf32, #tpu.memory_space<vmem>> -> memref<1x26x64xf32, #tpu.memory_space<vmem>>
    %dma_start3A_589 = tpu.memref_squeeze %dma_start3A_588 : memref<1x26x64xf32, #tpu.memory_space<vmem>> -> memref<26x64xf32, #tpu.memory_space<vmem>>
    tpu.enqueue_dma source(%dma_start3A_589 : memref<26x64xf32, #tpu.memory_space<vmem>>) target(%dma_start3A_585 : memref<26x64xf32, #tpu.memory_space<hbm>>) target_semaphore(%dma_start3A_583 : memref<!tpu.dma_semaphore, #tpu.memory_space<semaphore_mem>>)
    %add3A_590 = arith.constant 126 : i32
    %add3A_591 = arith.addi %mul3A_2, %add3A_590 : i32
    %mul3A_592 = arith.constant 4 : i32
    %mul3A_593 = arith.muli %add3A_591, %mul3A_592 : i32
    %add3A_594 = arith.constant 0 : i32
    %add3A_595 = arith.addi %mul3A_593, %add3A_594 : i32
    %mul3A_596 = arith.constant 32 : i32
    %mul3A_597 = arith.muli %add3A_595, %mul3A_596 : i32
    %dma_wait3A_598 = arith.constant 2 : i32
    %dma_wait3A_599 = arith.constant 2 : i32
    %dma_wait3A_600 = arith.constant 0 : i32
    %dma_wait3A_601 = arith.constant 0 : i32
    %dma_wait3A_602 = tpu.memref_slice %arg6[%dma_wait3A_598, %dma_wait3A_600, %dma_wait3A_601] : memref<4x104x64xf32, #tpu.memory_space<vmem>> -> memref<1x26x64xf32, #tpu.memory_space<vmem>>
    %dma_wait3A_603 = tpu.memref_squeeze %dma_wait3A_602 : memref<1x26x64xf32, #tpu.memory_space<vmem>> -> memref<26x64xf32, #tpu.memory_space<vmem>>
    %dma_wait3A_604 = arith.constant 0 : i32
    %dma_wait3A_605 = tpu.memref_slice %arg4[%mul3A_597, %dma_wait3A_604] : memref<524288x128xf32, #tpu.memory_space<hbm>> -> memref<26x64xf32, #tpu.memory_space<hbm>>
    %dma_wait3A_606 = tpu.memref_slice %arg8[%dma_wait3A_599] : memref<4x!tpu.dma_semaphore, #tpu.memory_space<semaphore_mem>> -> memref<1x!tpu.dma_semaphore, #tpu.memory_space<semaphore_mem>>
    %dma_wait3A_607 = tpu.memref_squeeze %dma_wait3A_606 : memref<1x!tpu.dma_semaphore, #tpu.memory_space<semaphore_mem>> -> memref<!tpu.dma_semaphore, #tpu.memory_space<semaphore_mem>>
    %dma_wait3A_608 = arith.constant 0 : i32
    %dma_wait3A_609 = tpu.memref_slice %arg4[%mul3A_597, %dma_wait3A_608] : memref<524288x128xf32, #tpu.memory_space<hbm>> -> memref<26x64xf32, #tpu.memory_space<hbm>>
    %dma_wait3A_610 = arith.constant 0 : i32
    %dma_wait3A_611 = arith.constant 0 : i32
    %dma_wait3A_612 = tpu.memref_slice %arg6[%dma_wait3A_598, %dma_wait3A_610, %dma_wait3A_611] : memref<4x104x64xf32, #tpu.memory_space<vmem>> -> memref<1x26x64xf32, #tpu.memory_space<vmem>>
    %dma_wait3A_613 = tpu.memref_squeeze %dma_wait3A_612 : memref<1x26x64xf32, #tpu.memory_space<vmem>> -> memref<26x64xf32, #tpu.memory_space<vmem>>
    tpu.wait_dma2 semaphore(%dma_wait3A_607 : memref<!tpu.dma_semaphore, #tpu.memory_space<semaphore_mem>>) src(%dma_wait3A_613 : memref<26x64xf32, #tpu.memory_space<vmem>>) dst(%dma_wait3A_609 : memref<26x64xf32, #tpu.memory_space<hbm>>)
    %add3A_614 = arith.constant 126 : i32
    %add3A_615 = arith.addi %mul3A_2, %add3A_614 : i32
    %mul3A_616 = arith.constant 4 : i32
    %mul3A_617 = arith.muli %add3A_615, %mul3A_616 : i32
    %add3A_618 = arith.constant 1 : i32
    %add3A_619 = arith.addi %mul3A_617, %add3A_618 : i32
    %mul3A_620 = arith.constant 32 : i32
    %mul3A_621 = arith.muli %add3A_619, %mul3A_620 : i32
    %dma_wait3A_622 = arith.constant 2 : i32
    %dma_wait3A_623 = arith.constant 2 : i32
    %dma_wait3A_624 = arith.constant 26 : i32
    %dma_wait3A_625 = arith.constant 0 : i32
    %dma_wait3A_626 = tpu.memref_slice %arg6[%dma_wait3A_622, %dma_wait3A_624, %dma_wait3A_625] : memref<4x104x64xf32, #tpu.memory_space<vmem>> -> memref<1x26x64xf32, #tpu.memory_space<vmem>>
    %dma_wait3A_627 = tpu.memref_squeeze %dma_wait3A_626 : memref<1x26x64xf32, #tpu.memory_space<vmem>> -> memref<26x64xf32, #tpu.memory_space<vmem>>
    %dma_wait3A_628 = arith.constant 0 : i32
    %dma_wait3A_629 = tpu.memref_slice %arg4[%mul3A_621, %dma_wait3A_628] : memref<524288x128xf32, #tpu.memory_space<hbm>> -> memref<26x64xf32, #tpu.memory_space<hbm>>
    %dma_wait3A_630 = tpu.memref_slice %arg8[%dma_wait3A_623] : memref<4x!tpu.dma_semaphore, #tpu.memory_space<semaphore_mem>> -> memref<1x!tpu.dma_semaphore, #tpu.memory_space<semaphore_mem>>
    %dma_wait3A_631 = tpu.memref_squeeze %dma_wait3A_630 : memref<1x!tpu.dma_semaphore, #tpu.memory_space<semaphore_mem>> -> memref<!tpu.dma_semaphore, #tpu.memory_space<semaphore_mem>>
    %dma_wait3A_632 = arith.constant 0 : i32
    %dma_wait3A_633 = tpu.memref_slice %arg4[%mul3A_621, %dma_wait3A_632] : memref<524288x128xf32, #tpu.memory_space<hbm>> -> memref<26x64xf32, #tpu.memory_space<hbm>>
    %dma_wait3A_634 = arith.constant 26 : i32
    %dma_wait3A_635 = arith.constant 0 : i32
    %dma_wait3A_636 = tpu.memref_slice %arg6[%dma_wait3A_622, %dma_wait3A_634, %dma_wait3A_635] : memref<4x104x64xf32, #tpu.memory_space<vmem>> -> memref<1x26x64xf32, #tpu.memory_space<vmem>>
    %dma_wait3A_637 = tpu.memref_squeeze %dma_wait3A_636 : memref<1x26x64xf32, #tpu.memory_space<vmem>> -> memref<26x64xf32, #tpu.memory_space<vmem>>
    tpu.wait_dma2 semaphore(%dma_wait3A_631 : memref<!tpu.dma_semaphore, #tpu.memory_space<semaphore_mem>>) src(%dma_wait3A_637 : memref<26x64xf32, #tpu.memory_space<vmem>>) dst(%dma_wait3A_633 : memref<26x64xf32, #tpu.memory_space<hbm>>)
    %add3A_638 = arith.constant 126 : i32
    %add3A_639 = arith.addi %mul3A_2, %add3A_638 : i32
    %mul3A_640 = arith.constant 4 : i32
    %mul3A_641 = arith.muli %add3A_639, %mul3A_640 : i32
    %add3A_642 = arith.constant 2 : i32
    %add3A_643 = arith.addi %mul3A_641, %add3A_642 : i32
    %mul3A_644 = arith.constant 32 : i32
    %mul3A_645 = arith.muli %add3A_643, %mul3A_644 : i32
    %dma_wait3A_646 = arith.constant 2 : i32
    %dma_wait3A_647 = arith.constant 2 : i32
    %dma_wait3A_648 = arith.constant 52 : i32
    %dma_wait3A_649 = arith.constant 0 : i32
    %dma_wait3A_650 = tpu.memref_slice %arg6[%dma_wait3A_646, %dma_wait3A_648, %dma_wait3A_649] : memref<4x104x64xf32, #tpu.memory_space<vmem>> -> memref<1x26x64xf32, #tpu.memory_space<vmem>>
    %dma_wait3A_651 = tpu.memref_squeeze %dma_wait3A_650 : memref<1x26x64xf32, #tpu.memory_space<vmem>> -> memref<26x64xf32, #tpu.memory_space<vmem>>
    %dma_wait3A_652 = arith.constant 0 : i32
    %dma_wait3A_653 = tpu.memref_slice %arg4[%mul3A_645, %dma_wait3A_652] : memref<524288x128xf32, #tpu.memory_space<hbm>> -> memref<26x64xf32, #tpu.memory_space<hbm>>
    %dma_wait3A_654 = tpu.memref_slice %arg8[%dma_wait3A_647] : memref<4x!tpu.dma_semaphore, #tpu.memory_space<semaphore_mem>> -> memref<1x!tpu.dma_semaphore, #tpu.memory_space<semaphore_mem>>
    %dma_wait3A_655 = tpu.memref_squeeze %dma_wait3A_654 : memref<1x!tpu.dma_semaphore, #tpu.memory_space<semaphore_mem>> -> memref<!tpu.dma_semaphore, #tpu.memory_space<semaphore_mem>>
    %dma_wait3A_656 = arith.constant 0 : i32
    %dma_wait3A_657 = tpu.memref_slice %arg4[%mul3A_645, %dma_wait3A_656] : memref<524288x128xf32, #tpu.memory_space<hbm>> -> memref<26x64xf32, #tpu.memory_space<hbm>>
    %dma_wait3A_658 = arith.constant 52 : i32
    %dma_wait3A_659 = arith.constant 0 : i32
    %dma_wait3A_660 = tpu.memref_slice %arg6[%dma_wait3A_646, %dma_wait3A_658, %dma_wait3A_659] : memref<4x104x64xf32, #tpu.memory_space<vmem>> -> memref<1x26x64xf32, #tpu.memory_space<vmem>>
    %dma_wait3A_661 = tpu.memref_squeeze %dma_wait3A_660 : memref<1x26x64xf32, #tpu.memory_space<vmem>> -> memref<26x64xf32, #tpu.memory_space<vmem>>
    tpu.wait_dma2 semaphore(%dma_wait3A_655 : memref<!tpu.dma_semaphore, #tpu.memory_space<semaphore_mem>>) src(%dma_wait3A_661 : memref<26x64xf32, #tpu.memory_space<vmem>>) dst(%dma_wait3A_657 : memref<26x64xf32, #tpu.memory_space<hbm>>)
    %add3A_662 = arith.constant 126 : i32
    %add3A_663 = arith.addi %mul3A_2, %add3A_662 : i32
    %mul3A_664 = arith.constant 4 : i32
    %mul3A_665 = arith.muli %add3A_663, %mul3A_664 : i32
    %add3A_666 = arith.constant 3 : i32
    %add3A_667 = arith.addi %mul3A_665, %add3A_666 : i32
    %mul3A_668 = arith.constant 32 : i32
    %mul3A_669 = arith.muli %add3A_667, %mul3A_668 : i32
    %dma_wait3A_670 = arith.constant 2 : i32
    %dma_wait3A_671 = arith.constant 2 : i32
    %dma_wait3A_672 = arith.constant 78 : i32
    %dma_wait3A_673 = arith.constant 0 : i32
    %dma_wait3A_674 = tpu.memref_slice %arg6[%dma_wait3A_670, %dma_wait3A_672, %dma_wait3A_673] : memref<4x104x64xf32, #tpu.memory_space<vmem>> -> memref<1x26x64xf32, #tpu.memory_space<vmem>>
    %dma_wait3A_675 = tpu.memref_squeeze %dma_wait3A_674 : memref<1x26x64xf32, #tpu.memory_space<vmem>> -> memref<26x64xf32, #tpu.memory_space<vmem>>
    %dma_wait3A_676 = arith.constant 0 : i32
    %dma_wait3A_677 = tpu.memref_slice %arg4[%mul3A_669, %dma_wait3A_676] : memref<524288x128xf32, #tpu.memory_space<hbm>> -> memref<26x64xf32, #tpu.memory_space<hbm>>
    %dma_wait3A_678 = tpu.memref_slice %arg8[%dma_wait3A_671] : memref<4x!tpu.dma_semaphore, #tpu.memory_space<semaphore_mem>> -> memref<1x!tpu.dma_semaphore, #tpu.memory_space<semaphore_mem>>
    %dma_wait3A_679 = tpu.memref_squeeze %dma_wait3A_678 : memref<1x!tpu.dma_semaphore, #tpu.memory_space<semaphore_mem>> -> memref<!tpu.dma_semaphore, #tpu.memory_space<semaphore_mem>>
    %dma_wait3A_680 = arith.constant 0 : i32
    %dma_wait3A_681 = tpu.memref_slice %arg4[%mul3A_669, %dma_wait3A_680] : memref<524288x128xf32, #tpu.memory_space<hbm>> -> memref<26x64xf32, #tpu.memory_space<hbm>>
    %dma_wait3A_682 = arith.constant 78 : i32
    %dma_wait3A_683 = arith.constant 0 : i32
    %dma_wait3A_684 = tpu.memref_slice %arg6[%dma_wait3A_670, %dma_wait3A_682, %dma_wait3A_683] : memref<4x104x64xf32, #tpu.memory_space<vmem>> -> memref<1x26x64xf32, #tpu.memory_space<vmem>>
    %dma_wait3A_685 = tpu.memref_squeeze %dma_wait3A_684 : memref<1x26x64xf32, #tpu.memory_space<vmem>> -> memref<26x64xf32, #tpu.memory_space<vmem>>
    tpu.wait_dma2 semaphore(%dma_wait3A_679 : memref<!tpu.dma_semaphore, #tpu.memory_space<semaphore_mem>>) src(%dma_wait3A_685 : memref<26x64xf32, #tpu.memory_space<vmem>>) dst(%dma_wait3A_681 : memref<26x64xf32, #tpu.memory_space<hbm>>)
    %dma_wait3A_686 = arith.constant 127 : i32
    %dma_wait3A_687 = arith.constant 3 : i32
    %dma_wait3A_688 = arith.constant 3 : i32
    %dma_wait3A_689 = arith.constant 0 : i32
    %dma_wait3A_690 = arith.constant 0 : i32
    %dma_wait3A_691 = tpu.memref_slice %arg6[%dma_wait3A_687, %dma_wait3A_689, %dma_wait3A_690] : memref<4x104x64xf32, #tpu.memory_space<vmem>> -> memref<1x104x64xf32, #tpu.memory_space<vmem>>
    %dma_wait3A_692 = tpu.memref_squeeze %dma_wait3A_691 : memref<1x104x64xf32, #tpu.memory_space<vmem>> -> memref<104x64xf32, #tpu.memory_space<vmem>>
    %dma_wait3A_693 = arith.constant 0 : i32
    %dma_wait3A_694 = tpu.memref_slice %arg5[%dma_wait3A_686, %dma_wait3A_693] : memref<128x104xi32, #tpu.memory_space<vmem>> -> memref<1x104xi32, #tpu.memory_space<vmem>>
    %dma_wait3A_695 = tpu.memref_squeeze %dma_wait3A_694 : memref<1x104xi32, #tpu.memory_space<vmem>> -> memref<104xi32, #tpu.memory_space<vmem>>
    %dma_wait3A_696 = arith.constant 0 : i32
    %dma_wait3A_697 = arith.constant 0 : i32
    %dma_wait3A_698 = tpu.memref_slice %arg3[%dma_wait3A_696, %dma_wait3A_697] : memref<1000000x64xf32, #tpu.memory_space<hbm>> -> memref<1000000x64xf32, #tpu.memory_space<hbm>>
    %dma_wait3A_699 = tpu.memref_slice %arg7[%dma_wait3A_688] : memref<4x!tpu.dma_semaphore, #tpu.memory_space<semaphore_mem>> -> memref<1x!tpu.dma_semaphore, #tpu.memory_space<semaphore_mem>>
    %dma_wait3A_700 = tpu.memref_squeeze %dma_wait3A_699 : memref<1x!tpu.dma_semaphore, #tpu.memory_space<semaphore_mem>> -> memref<!tpu.dma_semaphore, #tpu.memory_space<semaphore_mem>>
    tpu.wait_indirect_dma semaphore(%dma_wait3A_700 : memref<!tpu.dma_semaphore, #tpu.memory_space<semaphore_mem>>) src(%dma_wait3A_698 : memref<1000000x64xf32, #tpu.memory_space<hbm>>) dst(%dma_wait3A_692 : memref<104x64xf32, #tpu.memory_space<vmem>>)
    %add3A_701 = arith.constant 127 : i32
    %add3A_702 = arith.addi %mul3A_2, %add3A_701 : i32
    %mul3A_703 = arith.constant 4 : i32
    %mul3A_704 = arith.muli %add3A_702, %mul3A_703 : i32
    %add3A_705 = arith.constant 0 : i32
    %add3A_706 = arith.addi %mul3A_704, %add3A_705 : i32
    %mul3A_707 = arith.constant 32 : i32
    %mul3A_708 = arith.muli %add3A_706, %mul3A_707 : i32
    %dma_start3A_709 = arith.constant 3 : i32
    %dma_start3A_710 = arith.constant 3 : i32
    %dma_start3A_711 = arith.constant 0 : i32
    %dma_start3A_712 = arith.constant 0 : i32
    %dma_start3A_713 = tpu.memref_slice %arg6[%dma_start3A_709, %dma_start3A_711, %dma_start3A_712] : memref<4x104x64xf32, #tpu.memory_space<vmem>> -> memref<1x26x64xf32, #tpu.memory_space<vmem>>
    %dma_start3A_714 = tpu.memref_squeeze %dma_start3A_713 : memref<1x26x64xf32, #tpu.memory_space<vmem>> -> memref<26x64xf32, #tpu.memory_space<vmem>>
    %dma_start3A_715 = arith.constant 0 : i32
    %dma_start3A_716 = tpu.memref_slice %arg4[%mul3A_708, %dma_start3A_715] : memref<524288x128xf32, #tpu.memory_space<hbm>> -> memref<26x64xf32, #tpu.memory_space<hbm>>
    %dma_start3A_717 = tpu.memref_slice %arg8[%dma_start3A_710] : memref<4x!tpu.dma_semaphore, #tpu.memory_space<semaphore_mem>> -> memref<1x!tpu.dma_semaphore, #tpu.memory_space<semaphore_mem>>
    %dma_start3A_718 = tpu.memref_squeeze %dma_start3A_717 : memref<1x!tpu.dma_semaphore, #tpu.memory_space<semaphore_mem>> -> memref<!tpu.dma_semaphore, #tpu.memory_space<semaphore_mem>>
    %dma_start3A_719 = arith.constant 0 : i32
    %dma_start3A_720 = tpu.memref_slice %arg4[%mul3A_708, %dma_start3A_719] : memref<524288x128xf32, #tpu.memory_space<hbm>> -> memref<26x64xf32, #tpu.memory_space<hbm>>
    %dma_start3A_721 = arith.constant 0 : i32
    %dma_start3A_722 = arith.constant 0 : i32
    %dma_start3A_723 = tpu.memref_slice %arg6[%dma_start3A_709, %dma_start3A_721, %dma_start3A_722] : memref<4x104x64xf32, #tpu.memory_space<vmem>> -> memref<1x26x64xf32, #tpu.memory_space<vmem>>
    %dma_start3A_724 = tpu.memref_squeeze %dma_start3A_723 : memref<1x26x64xf32, #tpu.memory_space<vmem>> -> memref<26x64xf32, #tpu.memory_space<vmem>>
    tpu.enqueue_dma source(%dma_start3A_724 : memref<26x64xf32, #tpu.memory_space<vmem>>) target(%dma_start3A_720 : memref<26x64xf32, #tpu.memory_space<hbm>>) target_semaphore(%dma_start3A_718 : memref<!tpu.dma_semaphore, #tpu.memory_space<semaphore_mem>>)
    %add3A_725 = arith.constant 127 : i32
    %add3A_726 = arith.addi %mul3A_2, %add3A_725 : i32
    %mul3A_727 = arith.constant 4 : i32
    %mul3A_728 = arith.muli %add3A_726, %mul3A_727 : i32
    %add3A_729 = arith.constant 1 : i32
    %add3A_730 = arith.addi %mul3A_728, %add3A_729 : i32
    %mul3A_731 = arith.constant 32 : i32
    %mul3A_732 = arith.muli %add3A_730, %mul3A_731 : i32
    %dma_start3A_733 = arith.constant 3 : i32
    %dma_start3A_734 = arith.constant 3 : i32
    %dma_start3A_735 = arith.constant 26 : i32
    %dma_start3A_736 = arith.constant 0 : i32
    %dma_start3A_737 = tpu.memref_slice %arg6[%dma_start3A_733, %dma_start3A_735, %dma_start3A_736] : memref<4x104x64xf32, #tpu.memory_space<vmem>> -> memref<1x26x64xf32, #tpu.memory_space<vmem>>
    %dma_start3A_738 = tpu.memref_squeeze %dma_start3A_737 : memref<1x26x64xf32, #tpu.memory_space<vmem>> -> memref<26x64xf32, #tpu.memory_space<vmem>>
    %dma_start3A_739 = arith.constant 0 : i32
    %dma_start3A_740 = tpu.memref_slice %arg4[%mul3A_732, %dma_start3A_739] : memref<524288x128xf32, #tpu.memory_space<hbm>> -> memref<26x64xf32, #tpu.memory_space<hbm>>
    %dma_start3A_741 = tpu.memref_slice %arg8[%dma_start3A_734] : memref<4x!tpu.dma_semaphore, #tpu.memory_space<semaphore_mem>> -> memref<1x!tpu.dma_semaphore, #tpu.memory_space<semaphore_mem>>
    %dma_start3A_742 = tpu.memref_squeeze %dma_start3A_741 : memref<1x!tpu.dma_semaphore, #tpu.memory_space<semaphore_mem>> -> memref<!tpu.dma_semaphore, #tpu.memory_space<semaphore_mem>>
    %dma_start3A_743 = arith.constant 0 : i32
    %dma_start3A_744 = tpu.memref_slice %arg4[%mul3A_732, %dma_start3A_743] : memref<524288x128xf32, #tpu.memory_space<hbm>> -> memref<26x64xf32, #tpu.memory_space<hbm>>
    %dma_start3A_745 = arith.constant 26 : i32
    %dma_start3A_746 = arith.constant 0 : i32
    %dma_start3A_747 = tpu.memref_slice %arg6[%dma_start3A_733, %dma_start3A_745, %dma_start3A_746] : memref<4x104x64xf32, #tpu.memory_space<vmem>> -> memref<1x26x64xf32, #tpu.memory_space<vmem>>
    %dma_start3A_748 = tpu.memref_squeeze %dma_start3A_747 : memref<1x26x64xf32, #tpu.memory_space<vmem>> -> memref<26x64xf32, #tpu.memory_space<vmem>>
    tpu.enqueue_dma source(%dma_start3A_748 : memref<26x64xf32, #tpu.memory_space<vmem>>) target(%dma_start3A_744 : memref<26x64xf32, #tpu.memory_space<hbm>>) target_semaphore(%dma_start3A_742 : memref<!tpu.dma_semaphore, #tpu.memory_space<semaphore_mem>>)
    %add3A_749 = arith.constant 127 : i32
    %add3A_750 = arith.addi %mul3A_2, %add3A_749 : i32
    %mul3A_751 = arith.constant 4 : i32
    %mul3A_752 = arith.muli %add3A_750, %mul3A_751 : i32
    %add3A_753 = arith.constant 2 : i32
    %add3A_754 = arith.addi %mul3A_752, %add3A_753 : i32
    %mul3A_755 = arith.constant 32 : i32
    %mul3A_756 = arith.muli %add3A_754, %mul3A_755 : i32
    %dma_start3A_757 = arith.constant 3 : i32
    %dma_start3A_758 = arith.constant 3 : i32
    %dma_start3A_759 = arith.constant 52 : i32
    %dma_start3A_760 = arith.constant 0 : i32
    %dma_start3A_761 = tpu.memref_slice %arg6[%dma_start3A_757, %dma_start3A_759, %dma_start3A_760] : memref<4x104x64xf32, #tpu.memory_space<vmem>> -> memref<1x26x64xf32, #tpu.memory_space<vmem>>
    %dma_start3A_762 = tpu.memref_squeeze %dma_start3A_761 : memref<1x26x64xf32, #tpu.memory_space<vmem>> -> memref<26x64xf32, #tpu.memory_space<vmem>>
    %dma_start3A_763 = arith.constant 0 : i32
    %dma_start3A_764 = tpu.memref_slice %arg4[%mul3A_756, %dma_start3A_763] : memref<524288x128xf32, #tpu.memory_space<hbm>> -> memref<26x64xf32, #tpu.memory_space<hbm>>
    %dma_start3A_765 = tpu.memref_slice %arg8[%dma_start3A_758] : memref<4x!tpu.dma_semaphore, #tpu.memory_space<semaphore_mem>> -> memref<1x!tpu.dma_semaphore, #tpu.memory_space<semaphore_mem>>
    %dma_start3A_766 = tpu.memref_squeeze %dma_start3A_765 : memref<1x!tpu.dma_semaphore, #tpu.memory_space<semaphore_mem>> -> memref<!tpu.dma_semaphore, #tpu.memory_space<semaphore_mem>>
    %dma_start3A_767 = arith.constant 0 : i32
    %dma_start3A_768 = tpu.memref_slice %arg4[%mul3A_756, %dma_start3A_767] : memref<524288x128xf32, #tpu.memory_space<hbm>> -> memref<26x64xf32, #tpu.memory_space<hbm>>
    %dma_start3A_769 = arith.constant 52 : i32
    %dma_start3A_770 = arith.constant 0 : i32
    %dma_start3A_771 = tpu.memref_slice %arg6[%dma_start3A_757, %dma_start3A_769, %dma_start3A_770] : memref<4x104x64xf32, #tpu.memory_space<vmem>> -> memref<1x26x64xf32, #tpu.memory_space<vmem>>
    %dma_start3A_772 = tpu.memref_squeeze %dma_start3A_771 : memref<1x26x64xf32, #tpu.memory_space<vmem>> -> memref<26x64xf32, #tpu.memory_space<vmem>>
    tpu.enqueue_dma source(%dma_start3A_772 : memref<26x64xf32, #tpu.memory_space<vmem>>) target(%dma_start3A_768 : memref<26x64xf32, #tpu.memory_space<hbm>>) target_semaphore(%dma_start3A_766 : memref<!tpu.dma_semaphore, #tpu.memory_space<semaphore_mem>>)
    %add3A_773 = arith.constant 127 : i32
    %add3A_774 = arith.addi %mul3A_2, %add3A_773 : i32
    %mul3A_775 = arith.constant 4 : i32
    %mul3A_776 = arith.muli %add3A_774, %mul3A_775 : i32
    %add3A_777 = arith.constant 3 : i32
    %add3A_778 = arith.addi %mul3A_776, %add3A_777 : i32
    %mul3A_779 = arith.constant 32 : i32
    %mul3A_780 = arith.muli %add3A_778, %mul3A_779 : i32
    %dma_start3A_781 = arith.constant 3 : i32
    %dma_start3A_782 = arith.constant 3 : i32
    %dma_start3A_783 = arith.constant 78 : i32
    %dma_start3A_784 = arith.constant 0 : i32
    %dma_start3A_785 = tpu.memref_slice %arg6[%dma_start3A_781, %dma_start3A_783, %dma_start3A_784] : memref<4x104x64xf32, #tpu.memory_space<vmem>> -> memref<1x26x64xf32, #tpu.memory_space<vmem>>
    %dma_start3A_786 = tpu.memref_squeeze %dma_start3A_785 : memref<1x26x64xf32, #tpu.memory_space<vmem>> -> memref<26x64xf32, #tpu.memory_space<vmem>>
    %dma_start3A_787 = arith.constant 0 : i32
    %dma_start3A_788 = tpu.memref_slice %arg4[%mul3A_780, %dma_start3A_787] : memref<524288x128xf32, #tpu.memory_space<hbm>> -> memref<26x64xf32, #tpu.memory_space<hbm>>
    %dma_start3A_789 = tpu.memref_slice %arg8[%dma_start3A_782] : memref<4x!tpu.dma_semaphore, #tpu.memory_space<semaphore_mem>> -> memref<1x!tpu.dma_semaphore, #tpu.memory_space<semaphore_mem>>
    %dma_start3A_790 = tpu.memref_squeeze %dma_start3A_789 : memref<1x!tpu.dma_semaphore, #tpu.memory_space<semaphore_mem>> -> memref<!tpu.dma_semaphore, #tpu.memory_space<semaphore_mem>>
    %dma_start3A_791 = arith.constant 0 : i32
    %dma_start3A_792 = tpu.memref_slice %arg4[%mul3A_780, %dma_start3A_791] : memref<524288x128xf32, #tpu.memory_space<hbm>> -> memref<26x64xf32, #tpu.memory_space<hbm>>
    %dma_start3A_793 = arith.constant 78 : i32
    %dma_start3A_794 = arith.constant 0 : i32
    %dma_start3A_795 = tpu.memref_slice %arg6[%dma_start3A_781, %dma_start3A_793, %dma_start3A_794] : memref<4x104x64xf32, #tpu.memory_space<vmem>> -> memref<1x26x64xf32, #tpu.memory_space<vmem>>
    %dma_start3A_796 = tpu.memref_squeeze %dma_start3A_795 : memref<1x26x64xf32, #tpu.memory_space<vmem>> -> memref<26x64xf32, #tpu.memory_space<vmem>>
    tpu.enqueue_dma source(%dma_start3A_796 : memref<26x64xf32, #tpu.memory_space<vmem>>) target(%dma_start3A_792 : memref<26x64xf32, #tpu.memory_space<hbm>>) target_semaphore(%dma_start3A_790 : memref<!tpu.dma_semaphore, #tpu.memory_space<semaphore_mem>>)
    %add3A_797 = arith.constant 127 : i32
    %add3A_798 = arith.addi %mul3A_2, %add3A_797 : i32
    %mul3A_799 = arith.constant 4 : i32
    %mul3A_800 = arith.muli %add3A_798, %mul3A_799 : i32
    %add3A_801 = arith.constant 0 : i32
    %add3A_802 = arith.addi %mul3A_800, %add3A_801 : i32
    %mul3A_803 = arith.constant 32 : i32
    %mul3A_804 = arith.muli %add3A_802, %mul3A_803 : i32
    %dma_wait3A_805 = arith.constant 3 : i32
    %dma_wait3A_806 = arith.constant 3 : i32
    %dma_wait3A_807 = arith.constant 0 : i32
    %dma_wait3A_808 = arith.constant 0 : i32
    %dma_wait3A_809 = tpu.memref_slice %arg6[%dma_wait3A_805, %dma_wait3A_807, %dma_wait3A_808] : memref<4x104x64xf32, #tpu.memory_space<vmem>> -> memref<1x26x64xf32, #tpu.memory_space<vmem>>
    %dma_wait3A_810 = tpu.memref_squeeze %dma_wait3A_809 : memref<1x26x64xf32, #tpu.memory_space<vmem>> -> memref<26x64xf32, #tpu.memory_space<vmem>>
    %dma_wait3A_811 = arith.constant 0 : i32
    %dma_wait3A_812 = tpu.memref_slice %arg4[%mul3A_804, %dma_wait3A_811] : memref<524288x128xf32, #tpu.memory_space<hbm>> -> memref<26x64xf32, #tpu.memory_space<hbm>>
    %dma_wait3A_813 = tpu.memref_slice %arg8[%dma_wait3A_806] : memref<4x!tpu.dma_semaphore, #tpu.memory_space<semaphore_mem>> -> memref<1x!tpu.dma_semaphore, #tpu.memory_space<semaphore_mem>>
    %dma_wait3A_814 = tpu.memref_squeeze %dma_wait3A_813 : memref<1x!tpu.dma_semaphore, #tpu.memory_space<semaphore_mem>> -> memref<!tpu.dma_semaphore, #tpu.memory_space<semaphore_mem>>
    %dma_wait3A_815 = arith.constant 0 : i32
    %dma_wait3A_816 = tpu.memref_slice %arg4[%mul3A_804, %dma_wait3A_815] : memref<524288x128xf32, #tpu.memory_space<hbm>> -> memref<26x64xf32, #tpu.memory_space<hbm>>
    %dma_wait3A_817 = arith.constant 0 : i32
    %dma_wait3A_818 = arith.constant 0 : i32
    %dma_wait3A_819 = tpu.memref_slice %arg6[%dma_wait3A_805, %dma_wait3A_817, %dma_wait3A_818] : memref<4x104x64xf32, #tpu.memory_space<vmem>> -> memref<1x26x64xf32, #tpu.memory_space<vmem>>
    %dma_wait3A_820 = tpu.memref_squeeze %dma_wait3A_819 : memref<1x26x64xf32, #tpu.memory_space<vmem>> -> memref<26x64xf32, #tpu.memory_space<vmem>>
    tpu.wait_dma2 semaphore(%dma_wait3A_814 : memref<!tpu.dma_semaphore, #tpu.memory_space<semaphore_mem>>) src(%dma_wait3A_820 : memref<26x64xf32, #tpu.memory_space<vmem>>) dst(%dma_wait3A_816 : memref<26x64xf32, #tpu.memory_space<hbm>>)
    %add3A_821 = arith.constant 127 : i32
    %add3A_822 = arith.addi %mul3A_2, %add3A_821 : i32
    %mul3A_823 = arith.constant 4 : i32
    %mul3A_824 = arith.muli %add3A_822, %mul3A_823 : i32
    %add3A_825 = arith.constant 1 : i32
    %add3A_826 = arith.addi %mul3A_824, %add3A_825 : i32
    %mul3A_827 = arith.constant 32 : i32
    %mul3A_828 = arith.muli %add3A_826, %mul3A_827 : i32
    %dma_wait3A_829 = arith.constant 3 : i32
    %dma_wait3A_830 = arith.constant 3 : i32
    %dma_wait3A_831 = arith.constant 26 : i32
    %dma_wait3A_832 = arith.constant 0 : i32
    %dma_wait3A_833 = tpu.memref_slice %arg6[%dma_wait3A_829, %dma_wait3A_831, %dma_wait3A_832] : memref<4x104x64xf32, #tpu.memory_space<vmem>> -> memref<1x26x64xf32, #tpu.memory_space<vmem>>
    %dma_wait3A_834 = tpu.memref_squeeze %dma_wait3A_833 : memref<1x26x64xf32, #tpu.memory_space<vmem>> -> memref<26x64xf32, #tpu.memory_space<vmem>>
    %dma_wait3A_835 = arith.constant 0 : i32
    %dma_wait3A_836 = tpu.memref_slice %arg4[%mul3A_828, %dma_wait3A_835] : memref<524288x128xf32, #tpu.memory_space<hbm>> -> memref<26x64xf32, #tpu.memory_space<hbm>>
    %dma_wait3A_837 = tpu.memref_slice %arg8[%dma_wait3A_830] : memref<4x!tpu.dma_semaphore, #tpu.memory_space<semaphore_mem>> -> memref<1x!tpu.dma_semaphore, #tpu.memory_space<semaphore_mem>>
    %dma_wait3A_838 = tpu.memref_squeeze %dma_wait3A_837 : memref<1x!tpu.dma_semaphore, #tpu.memory_space<semaphore_mem>> -> memref<!tpu.dma_semaphore, #tpu.memory_space<semaphore_mem>>
    %dma_wait3A_839 = arith.constant 0 : i32
    %dma_wait3A_840 = tpu.memref_slice %arg4[%mul3A_828, %dma_wait3A_839] : memref<524288x128xf32, #tpu.memory_space<hbm>> -> memref<26x64xf32, #tpu.memory_space<hbm>>
    %dma_wait3A_841 = arith.constant 26 : i32
    %dma_wait3A_842 = arith.constant 0 : i32
    %dma_wait3A_843 = tpu.memref_slice %arg6[%dma_wait3A_829, %dma_wait3A_841, %dma_wait3A_842] : memref<4x104x64xf32, #tpu.memory_space<vmem>> -> memref<1x26x64xf32, #tpu.memory_space<vmem>>
    %dma_wait3A_844 = tpu.memref_squeeze %dma_wait3A_843 : memref<1x26x64xf32, #tpu.memory_space<vmem>> -> memref<26x64xf32, #tpu.memory_space<vmem>>
    tpu.wait_dma2 semaphore(%dma_wait3A_838 : memref<!tpu.dma_semaphore, #tpu.memory_space<semaphore_mem>>) src(%dma_wait3A_844 : memref<26x64xf32, #tpu.memory_space<vmem>>) dst(%dma_wait3A_840 : memref<26x64xf32, #tpu.memory_space<hbm>>)
    %add3A_845 = arith.constant 127 : i32
    %add3A_846 = arith.addi %mul3A_2, %add3A_845 : i32
    %mul3A_847 = arith.constant 4 : i32
    %mul3A_848 = arith.muli %add3A_846, %mul3A_847 : i32
    %add3A_849 = arith.constant 2 : i32
    %add3A_850 = arith.addi %mul3A_848, %add3A_849 : i32
    %mul3A_851 = arith.constant 32 : i32
    %mul3A_852 = arith.muli %add3A_850, %mul3A_851 : i32
    %dma_wait3A_853 = arith.constant 3 : i32
    %dma_wait3A_854 = arith.constant 3 : i32
    %dma_wait3A_855 = arith.constant 52 : i32
    %dma_wait3A_856 = arith.constant 0 : i32
    %dma_wait3A_857 = tpu.memref_slice %arg6[%dma_wait3A_853, %dma_wait3A_855, %dma_wait3A_856] : memref<4x104x64xf32, #tpu.memory_space<vmem>> -> memref<1x26x64xf32, #tpu.memory_space<vmem>>
    %dma_wait3A_858 = tpu.memref_squeeze %dma_wait3A_857 : memref<1x26x64xf32, #tpu.memory_space<vmem>> -> memref<26x64xf32, #tpu.memory_space<vmem>>
    %dma_wait3A_859 = arith.constant 0 : i32
    %dma_wait3A_860 = tpu.memref_slice %arg4[%mul3A_852, %dma_wait3A_859] : memref<524288x128xf32, #tpu.memory_space<hbm>> -> memref<26x64xf32, #tpu.memory_space<hbm>>
    %dma_wait3A_861 = tpu.memref_slice %arg8[%dma_wait3A_854] : memref<4x!tpu.dma_semaphore, #tpu.memory_space<semaphore_mem>> -> memref<1x!tpu.dma_semaphore, #tpu.memory_space<semaphore_mem>>
    %dma_wait3A_862 = tpu.memref_squeeze %dma_wait3A_861 : memref<1x!tpu.dma_semaphore, #tpu.memory_space<semaphore_mem>> -> memref<!tpu.dma_semaphore, #tpu.memory_space<semaphore_mem>>
    %dma_wait3A_863 = arith.constant 0 : i32
    %dma_wait3A_864 = tpu.memref_slice %arg4[%mul3A_852, %dma_wait3A_863] : memref<524288x128xf32, #tpu.memory_space<hbm>> -> memref<26x64xf32, #tpu.memory_space<hbm>>
    %dma_wait3A_865 = arith.constant 52 : i32
    %dma_wait3A_866 = arith.constant 0 : i32
    %dma_wait3A_867 = tpu.memref_slice %arg6[%dma_wait3A_853, %dma_wait3A_865, %dma_wait3A_866] : memref<4x104x64xf32, #tpu.memory_space<vmem>> -> memref<1x26x64xf32, #tpu.memory_space<vmem>>
    %dma_wait3A_868 = tpu.memref_squeeze %dma_wait3A_867 : memref<1x26x64xf32, #tpu.memory_space<vmem>> -> memref<26x64xf32, #tpu.memory_space<vmem>>
    tpu.wait_dma2 semaphore(%dma_wait3A_862 : memref<!tpu.dma_semaphore, #tpu.memory_space<semaphore_mem>>) src(%dma_wait3A_868 : memref<26x64xf32, #tpu.memory_space<vmem>>) dst(%dma_wait3A_864 : memref<26x64xf32, #tpu.memory_space<hbm>>)
    %add3A_869 = arith.constant 127 : i32
    %add3A_870 = arith.addi %mul3A_2, %add3A_869 : i32
    %mul3A_871 = arith.constant 4 : i32
    %mul3A_872 = arith.muli %add3A_870, %mul3A_871 : i32
    %add3A_873 = arith.constant 3 : i32
    %add3A_874 = arith.addi %mul3A_872, %add3A_873 : i32
    %mul3A_875 = arith.constant 32 : i32
    %mul3A_876 = arith.muli %add3A_874, %mul3A_875 : i32
    %dma_wait3A_877 = arith.constant 3 : i32
    %dma_wait3A_878 = arith.constant 3 : i32
    %dma_wait3A_879 = arith.constant 78 : i32
    %dma_wait3A_880 = arith.constant 0 : i32
    %dma_wait3A_881 = tpu.memref_slice %arg6[%dma_wait3A_877, %dma_wait3A_879, %dma_wait3A_880] : memref<4x104x64xf32, #tpu.memory_space<vmem>> -> memref<1x26x64xf32, #tpu.memory_space<vmem>>
    %dma_wait3A_882 = tpu.memref_squeeze %dma_wait3A_881 : memref<1x26x64xf32, #tpu.memory_space<vmem>> -> memref<26x64xf32, #tpu.memory_space<vmem>>
    %dma_wait3A_883 = arith.constant 0 : i32
    %dma_wait3A_884 = tpu.memref_slice %arg4[%mul3A_876, %dma_wait3A_883] : memref<524288x128xf32, #tpu.memory_space<hbm>> -> memref<26x64xf32, #tpu.memory_space<hbm>>
    %dma_wait3A_885 = tpu.memref_slice %arg8[%dma_wait3A_878] : memref<4x!tpu.dma_semaphore, #tpu.memory_space<semaphore_mem>> -> memref<1x!tpu.dma_semaphore, #tpu.memory_space<semaphore_mem>>
    %dma_wait3A_886 = tpu.memref_squeeze %dma_wait3A_885 : memref<1x!tpu.dma_semaphore, #tpu.memory_space<semaphore_mem>> -> memref<!tpu.dma_semaphore, #tpu.memory_space<semaphore_mem>>
    %dma_wait3A_887 = arith.constant 0 : i32
    %dma_wait3A_888 = tpu.memref_slice %arg4[%mul3A_876, %dma_wait3A_887] : memref<524288x128xf32, #tpu.memory_space<hbm>> -> memref<26x64xf32, #tpu.memory_space<hbm>>
    %dma_wait3A_889 = arith.constant 78 : i32
    %dma_wait3A_890 = arith.constant 0 : i32
    %dma_wait3A_891 = tpu.memref_slice %arg6[%dma_wait3A_877, %dma_wait3A_889, %dma_wait3A_890] : memref<4x104x64xf32, #tpu.memory_space<vmem>> -> memref<1x26x64xf32, #tpu.memory_space<vmem>>
    %dma_wait3A_892 = tpu.memref_squeeze %dma_wait3A_891 : memref<1x26x64xf32, #tpu.memory_space<vmem>> -> memref<26x64xf32, #tpu.memory_space<vmem>>
    tpu.wait_dma2 semaphore(%dma_wait3A_886 : memref<!tpu.dma_semaphore, #tpu.memory_space<semaphore_mem>>) src(%dma_wait3A_892 : memref<26x64xf32, #tpu.memory_space<vmem>>) dst(%dma_wait3A_888 : memref<26x64xf32, #tpu.memory_space<hbm>>)
    return
  }
}

</mosaic_0001>

<sc_bundles>
// kernel: kernel.3.cloned.1.call-start
scs
__scs_entry_jumppad:
0x0: {  	(pc) =	sbr.rel $0x88, $3  }
0x1: {  	(tag) =	ssettag $0x0;
	lr =	simm.s32 $0x1  }
0x2: {  	[smem:$0x3F9F] =	sst lr;
	_ =	strace $0xD0000000  }
0x3: {  	_ = 	snop  }
0x4: {  	_ = 	snop  }
0x5: {  	_ = 	snop  }
0x6: {  	_ = 	snop  }
0x7: {  	_ = 	snop  }
__scs_overlays_trampoline_lowered:
0x8: {  	[smem:$0x3FAE] =	sst s0  }
0x9: {  	[smem:$0x3FAF] =	sst s1  }
0xa: {  	[smem:$0x3FB0] =	sst s2  }
0xb: {  	[smem:$0x3FB1] =	sst s3  }
0xc: {  	[smem:$0x3FB2] =	sst s4  }
0xd: {  	[smem:$0x3FB3] =	sst s5  }
0xe: {  	[smem:$0x3FB4] =	sst s6  }
0xf: {  	[smem:$0x3FB5] =	sst s7  }
0x10: {  	[smem:$0x3FB6] =	sst s8  }
0x11: {  	[smem:$0x3FB7] =	sst s9;
	s0 =	simm.s32 @!p0 $0x0  }
0x12: {  	s1 =	sld [smem:$0x3F9D];
	s0 =	simm.s32 @p0 $0x1  }
0x13: {  	[smem:$0x3FB8] =	sst s0;
	s0 =	simm.s32 @!p1 $0x0  }
0x14: {  	s2 =	sld [smem:$0x3F9C];
	s0 =	simm.s32 @p1 $0x1  }
0x15: {  	[smem:$0x3FB9] =	sst s0;
	s0 =	simm.s32 @!p2 $0x0  }
0x16: {  	s3 =	sld [smem:$0x3FDB];
	s0 =	simm.s32 @p2 $0x1  }
0x17: {  	s4 =	simm.s32 $0x1BF5;
	[smem:$0x3FBB] =	sst s0  }
0x18: {  	s0 =	sld [smem:$0x3F9E];
	_ =	swait.ge [sflag:s4], $0x0  }
0x19: {  	s7 =	sld [smem:$0x3F9F]  }
0x1a: {  	s8 =	sadd.s32 $0xFFFFE003, lr  }
0x1b: {  	s9 =	sadd.s32 $0xFFFFFEF7, lr;
	s5 =	simm.s32 $0xFFFFFFFF;
	p2 =	slt.u32 s8, $0xFFFFF086  }
0x1c: {  	p1 =	slt.u32 s9, $0xF7A;
	s5 =	simm.s32 @!p2 $0x0  }
0x1d: {  	s5 =	simm.s32 @p1 $0x1;
	p0 =	seq.s32 s7, s2  }
0x1e: {  	s7 =	smul.u32 @!p0 $0xF7A, s2;
	p2 =	seq.s32 @!p0 s5, $0x0  }
0x1f: {  	s9 =	smul.u32 $0xF7A, s1;
	s8 =	simm.s32 @!p0 $0x1BF5;
	p2 =	por !p2, p0  }
0x20: {  	[sflag:s8] =	ssyncset.s32 @!p0 $0xFFFFF086;
	s6 =	sadd.s32 @!p0 s3, s7;
	s7 =	simm.s32 @!p0 $0x108  }
0x21: {  	s3 =	sadd.s32 s3, s9;
	s6 =	sadd.s32 @!p0 $0x88, s6;
	s7 =	simm.s32 @p2 $0x1082  }
0x22: {  	[simem:s7], [sflag:s8] =	dma.local @!p0 [hbm:s6], $0xF7A  }
0x23: {  	s9 =	sor.u32 $0xD0000000, s2;
	s6 =	simm.s32 $0x108;
	_ =	swait.ge @!p0 [sflag:s8], $0x0  }
0x24: {  	s3 =	sadd.s32 $0x88, s3;
	s6 =	simm.s32 @!p1 $0x1082;
	[sflag:s4] =	ssyncset.s32 $0xFFFFF086  }
0x25: {  	[simem:s6], [sflag:s4] =	dma.local [hbm:s3], $0xF7A  }
0x26: {  	[smem:$0x3F9F] =	sst s1;
	(tag) =	ssettag s2;
	_ =	strace s9  }
0x27: {  	s1 =	sld [smem:$0x3FAF]  }
0x28: {  	s2 =	sld [smem:$0x3FB0]  }
0x29: {  	s4 =	sld [smem:$0x3FB2]  }
0x2a: {  	p0 =	seq.s32 s5, $0x0;
	s5 =	sld [smem:$0x3FB3]  }
0x2b: {  	s6 =	sld [smem:$0x3FB4]  }
0x2c: {  	s7 =	sld [smem:$0x3FB5]  }
0x2d: {  	s3 =	simm.s32 $0x108;
	s8 =	sld [smem:$0x3FB6]  }
0x2e: {  	s3 =	simm.s32 @!p0 $0x1082;
	s9 =	sld [smem:$0x3FB7]  }
0x2f: {  	lr =	sadd.s32 s0, s3;
	s0 =	sld [smem:$0x3FAE]  }
0x30: {  	s3 =	sld [smem:$0x3FB1]  }
0x31: {  	[smem:$0x3FBA] =	sst s10  }
0x32: {  	s10 =	sld [smem:$0x3FB8];
	_ =	sdelay $0x3  }
0x33: {  	p0 =	seq.s32 s10, $0x1;
	s10 =	sld [smem:$0x3FBA];
	_ =	sdelay $0x3  }
0x34: {  	[smem:$0x3FBA] =	sst s10  }
0x35: {  	s10 =	sld [smem:$0x3FB9];
	_ =	sdelay $0x3  }
0x36: {  	p1 =	seq.s32 s10, $0x1;
	s10 =	sld [smem:$0x3FBA];
	_ =	sdelay $0x3  }
0x37: {  	[smem:$0x3FBA] =	sst s10  }
0x38: {  	s10 =	sld [smem:$0x3FBB]  }
0x39: {  	_ = 	snop;
	(pc) =	sbr.ind lr, $3  }
0x3a: {  	_ = 	snop  }
0x3b: {  	_ = 	snop  }
0x3c: {  	p2 =	seq.s32 s10, $0x1;
	s10 =	sld [smem:$0x3FBA]  }
0x3d: {  	_ =	shalt  }
0x3e: {  	_ =	shalt  }
0x3f: {  	_ =	shalt  }
0x40: {  	_ =	shalt  }
0x41: {  	_ =	shalt  }
0x42: {  	_ =	shalt  }
0x43: {  	_ =	shalt  }
0x44: {  	_ =	shalt  }
0x45: {  	_ =	shalt  }
0x46: {  	_ =	shalt  }
0x47: {  	_ =	shalt  }
0x48: {  	_ =	shalt  }
0x49: {  	_ =	shalt  }
0x4a: {  	_ =	shalt  }
0x4b: {  	_ =	shalt  }
0x4c: {  	_ =	shalt  }
0x4d: {  	_ =	shalt  }
0x4e: {  	_ =	shalt  }
0x4f: {  	_ =	shalt  }
0x50: {  	_ =	shalt  }
0x51: {  	_ =	shalt  }
0x52: {  	_ =	shalt  }
0x53: {  	_ =	shalt  }
0x54: {  	_ =	shalt  }
0x55: {  	_ =	shalt  }
0x56: {  	_ =	shalt  }
0x57: {  	_ =	shalt  }
0x58: {  	_ =	shalt  }
0x59: {  	_ =	shalt  }
0x5a: {  	_ =	shalt  }
0x5b: {  	_ =	shalt  }
0x5c: {  	_ =	shalt  }
0x5d: {  	_ =	shalt  }
0x5e: {  	_ =	shalt  }
0x5f: {  	_ =	shalt  }
0x60: {  	_ =	shalt  }
0x61: {  	_ =	shalt  }
0x62: {  	_ =	shalt  }
0x63: {  	_ =	shalt  }
0x64: {  	_ =	shalt  }
0x65: {  	_ =	shalt  }
0x66: {  	_ =	shalt  }
0x67: {  	_ =	shalt  }
0x68: {  	_ =	shalt  }
0x69: {  	_ =	shalt  }
0x6a: {  	_ =	shalt  }
0x6b: {  	_ =	shalt  }
0x6c: {  	_ =	shalt  }
0x6d: {  	_ =	shalt  }
0x6e: {  	_ =	shalt  }
0x6f: {  	_ =	shalt  }
0x70: {  	_ =	shalt  }
0x71: {  	_ =	shalt  }
0x72: {  	_ =	shalt  }
0x73: {  	_ =	shalt  }
0x74: {  	_ =	shalt  }
0x75: {  	_ =	shalt  }
0x76: {  	_ =	shalt  }
0x77: {  	_ =	shalt  }
0x78: {  	_ =	shalt  }
0x79: {  	_ =	shalt  }
0x7a: {  	_ =	shalt  }
0x7b: {  	_ =	shalt  }
0x7c: {  	_ =	shalt  }
0x7d: {  	_ =	shalt  }
0x7e: {  	_ =	shalt  }
0x7f: {  	_ =	shalt  }
0x80: {  	_ =	shalt  }
0x81: {  	_ =	shalt  }
0x82: {  	_ =	shalt  }
0x83: {  	_ =	shalt  }
0x84: {  	_ =	shalt  }
0x85: {  	_ =	shalt  }
0x86: {  	_ =	shalt  }
0x87: {  	_ =	shalt  }
.Lfunc_end0:
.L_simem_size_0:
called_computation.1_lowered:
.L_overlay_start_0:
0x88: {  	s2 =	sld [smem:$0x3FD9]  }
0x89: {  	s3 =	sld [smem:$0x3FFE];
	_ =	sdelay $0x1  }
0x8a: {  	s1 =	srdreg.scid  }
0x8b: {  	s0 =	sand.u32 $0x1, s1  }
0x8c: {  	s17 =	sshll.u32 s0, $0xA;
	s2 =	sadd.s32 s3, s2  }
0x8d: {  	s2 =	sadd.s32 s2, s17  }
0x8e: {  	[smem:$0x3FC6] =	sst s2  }
0x8f: {  	_ = 	snop  }
0x90: {  	s2 =	sld [smem:$0x3FD0];
	(tm) =	ssettm $0x1  }
0x91: {  	s18 =	sld [smem:$0x3FFB];
	_ =	sdelay $0x3  }
0x92: {  	_ =	strace s18  }
0x93: {  	s3 =	sld [smem:$0x3FFC];
	_ =	sdelay $0x3  }
0x94: {  	_ =	strace s3  }
0x95: {  	s3 =	sld [smem:$0x3FFD];
	_ =	sdelay $0x3  }
0x96: {  	_ =	strace s3  }
0x97: {  	_ =	strace $0x8FFFFFFF  }
0x98: {  	s19 =	sld [smem:$0x3FDB];
	_ =	sdelay $0x1  }
0x99: {  	s4 =	simm.s32 $_scs_section_size  }
0x9a: {  	s5 =	simm.s32 $_size__tile_overlayer_lowered;
	s6 =	simm.s32 $_tile_overlayer_lowered  }
0x9b: {  	s22 =	simm.s32 $0x1BFF;
	s21 =	sshll.u32 s6, $0x1;
	s3 =	sadd.s32 s4, s19  }
0x9c: {  	s7 =	simm.s32 $0x0;
	s20 =	sshll.u32 s5, $0x1;
	s5 =	sadd.s32 s21, s3  }
0x9d: {  	[timem:s7], [sflag:s22] =	dma.local [hbm:s5], s20  }
0x9e: {  	_ =	swait.ge [sflag:s22], s20  }
0x9f: {  	s4 =	ssub.s32 $0x0, s20;
	[sflag:s22] =	ssyncset.done $0x0  }
0xa0: {  	[sflag:s22] =	ssyncadd.s32 s4;
	_ =	sdelay $0x1  }
0xa1: {  	s23 =	simm.s32 $0x1B8B  }
0xa2: {  	_ =	swait.ge [sflag:s23], $0x1  }
0xa3: {  	[sflag:s23] =	ssyncset.done $0x0  }
0xa4: {  	s25 =	simm.s32 $0x1B8E;
	s24 =	sld [smem:$0x3FFE];
	[sflag:s23] =	ssyncadd.s32 $0xFFFFFFFF  }
0xa5: {  	s26 =	simm.s32 $execute0_lowered;
	[smem:$0x3FD2] =	sst s25  }
0xa6: {  	s5 =	sshll.u32 s26, $0x1;
	_ =	strace $0x80000046;
	[dreg:$0x1] =	wrdreg $0xFFFFFFFF  }
0xa7: {  	s28 =	simm.s32 $_size_execute0_lowered;
	s3 =	sadd.s32 s3, s5;
	[dreg:$0x0] =	wrdreg $0x0  }
0xa8: {  	s5 =	sshll.u32 s28, $0x1;
	[dreg:$0x2] =	wrdreg s3  }
0xa9: {  	[dreg:$0x3] =	wrdreg s5  }
0xaa: {  	[dreg:$0x4] =	wrdreg $0xC0  }
0xab: {  	_ =	task [dreg:s7], $0x5FFFF  }
0xac: {  	[dreg:$0x1] =	wrdreg $0xFFFFFFFF  }
0xad: {  	[dreg:$0x0] =	wrdreg $0x60  }
0xae: {  	[dreg:$0x2] =	wrdreg s2  }
0xaf: {  	[dreg:$0x3] =	wrdreg s24  }
0xb0: {  	[dreg:$0x4] =	wrdreg $0x9  }
0xb1: {  	_ =	task.clear_ibuf [dreg:s7], $0x5FFFF;
	_ =	strace $0x90000046  }
0xb2: {  	s29 =	simm.s32 $0x9;
	_ =	strace $0x80000048  }
0xb3: {  	_ =	swait.ge [sflag:s29], $0x1  }
0xb4: {  	[sflag:s29] =	ssyncadd.s32 $0xFFFFFFFF  }
0xb5: {  	_ =	strace $0x90000048  }
0xb6: {  	_ =	sfence  }
0xb7: {  	s30 =	sld [smem:$0x0];
	_ =	sdelay $0x2  }
0xb8: {  	s31 =	sshll.u32 s1, $0xD;
	s1 =	sshrl.u32 s1, $0x2  }
0xb9: {  	s3 =	sand.u32 $0x4000, s31;
	s1 =	sadd.s32 s1, s30  }
0xba: {  	s0 =	sor.u32 s3, s0;
	s1 =	sshll.u32 s1, $0x11  }
0xbb: {  	s0 =	sor.u32 s1, s0  }
0xbc: {  	s0 =	sadd.s32 $0x8F2B, s0  }
0xbd: {  	[sflag:s0] =	ssyncadd.remote.s32 $0x1  }
0xbe: {  	_ =	sfence.sel $0xFFFF  }
0xbf: {  	[dreg:$0x0] =	wrdreg $0xFFFFFFFF;
	(pc) =	sbr.abs _section_cstart, $3  }
0xc0: {  	[dreg:$0x1] =	wrdreg $0xFFFFFFFF  }
0xc1: {  	_ =	task.clear_ibuf [dreg:s7], $0x2FFFF;
	_ =	strace $0x9FFFFFFF  }
0xc2: {  	(tm) =	ssettm $0x7FFFFFFF  }
0xc3: {  	_ =	shalt  }
tec
execute0_lowered:
.L_overlay_start_1:
0x0: {  	(tag) =	ssettag $0x1  }
0x1: {  	s2 =	srdreg.scid;
	s8 =	stileid.u32  }
0x2: {  	s0 =	rddreg [dreg:$0x0];
	s2 =	sand.u32 $0x1, s2;
	s7 =	sshll.u32 s8, $0x1  }
0x3: {  	s1 =	rddreg [dreg:$0x1];
	s3 =	simm.s32 $0x0;
	s4 =	sor.u32 s2, s7  }
0x4: {  	[smem:$0x7FF] =	sst s3;
	s6 =	smul.u32 $0x680, s4  }
0x5: {  	s3 =	sadd.s32 $0xF42E00, s1;
	s1 =	sadd.s32 $0xA00, s1;
	s4 =	sshll.u32 s4, $0x12  }
0x6: {  	s9 =	sadd.s32 s4, s1;
	s0 =	sadd.s32 s0, s6  }
0x7: {  	_ =	strace $0x80000047;
	s4 =	sadd.s32 $0x3E000, s9;
	[dreg:$0x5] =	wrdreg s0  }
0x8: {  	s10 =	sadd.s32 $0x3E200, s9;
	[dreg:$0x6] =	wrdreg s4  }
0x9: {  	s29 =	simm.s32 $0x6800;
	s11 =	sadd.s32 $0x3E400, s9;
	[dreg:$0x7] =	wrdreg s10  }
0xa: {  	s31 =	simm.s32 $0x8200;
	s12 =	sadd.s32 $0x3E600, s9;
	[dreg:$0x8] =	wrdreg s11  }
0xb: {  	s28 =	simm.s32 $0x80;
	s13 =	sadd.s32 $0x3E800, s9;
	[dreg:$0x9] =	wrdreg s12  }
0xc: {  	s22 =	sshll.u32 s8, $0x13;
	s14 =	sadd.s32 $0x3EA00, s9;
	[dreg:$0xa] =	wrdreg s13  }
0xd: {  	s5 =	ssub.s32 $0x2, s2;
	s15 =	sadd.s32 $0x3EC00, s9;
	[dreg:$0xb] =	wrdreg s14  }
0xe: {  	s2 =	sshll.u32 s2, $0x12;
	s16 =	sadd.s32 $0x3EE00, s9;
	[dreg:$0xc] =	wrdreg s15  }
0xf: {  	s24 =	sadd.s32 s22, s1;
	s17 =	sadd.s32 $0x3F000, s9;
	[dreg:$0xd] =	wrdreg s16  }
0x10: {  	s7 =	sshrl.u32 s5, $0x1;
	s18 =	sadd.s32 $0x3F200, s9;
	[dreg:$0xe] =	wrdreg s17  }
0x11: {  	s5 =	ssub.s32 s5, s7;
	s19 =	sadd.s32 $0x3F400, s9;
	[dreg:$0xf] =	wrdreg s18  }
0x12: {  	s20 =	sadd.s32 $0x3F600, s9;
	s21 =	sadd.s32 $0x3F800, s9;
	[dreg:$0x10] =	wrdreg s19  }
0x13: {  	s23 =	sadd.s32 $0x3FA00, s9;
	s25 =	sadd.s32 $0x3FC00, s9;
	[dreg:$0x11] =	wrdreg s20  }
0x14: {  	s30 =	smax.u32 s5, $0x1;
	s5 =	simm.s32 $0x5;
	[dreg:$0x12] =	wrdreg s21  }
0x15: {  	s6 =	simm.s32 $0x2;
	[dreg:$0x13] =	wrdreg s23;
	s4 =	sor.u32 s2, s22  }
0x16: {  	[dreg:$0x14] =	wrdreg s25;
	s2 =	sadd.s32 s2, s24;
	s0 =	sadd.s32 $0x3FE00, s9  }
0x17: {  	[dreg:$0x16] =	wrdreg s30;
	s24 =	simm.s32 $0x68;
	s25 =	simm.s32 $0x3400  }
0x18: {  	s9 =	simm.s32 $0x6180;
	s10 =	simm.s32 $0x6;
	s11 =	simm.s32 $0x3  }
0x19: {  	s12 =	simm.s32 $0x6E80;
	s13 =	simm.s32 $0x7500;
	s14 =	simm.s32 $0x7B80  }
0x1a: {  	s15 =	simm.s32 $0x7;
	s16 =	simm.s32 $0x4;
	s17 =	simm.s32 $0x8880  }
0x1b: {  	s18 =	simm.s32 $0x8F00;
	s19 =	simm.s32 $0x9580;
	[dreg:$0x15] =	wrdreg s0  }
0x1c: {  	s21 =	simm.s32 $0x8;
	s20 =	sadd.s32 s4, s1;
	[dreg:$0x3] =	wrdreg s2  }
0x1d: {  	s0 =	simm.s32 $0x1;
	s1 =	simm.s32 $0x40;
	s26 =	sadd.s32 $0x1000, s20  }
0x1e: {  	s4 =	simm.s32 $0x0;
	[dreg:$0x4] =	wrdreg s26;
	s26 =	simm.s32 $0x4E00  }
.LBB2_1:
0x1f: {  	[dreg:$0x17] =	wrdreg s4  }
0x20: {  	s2 =	simm.s32 $0x0;
	s8 =	rddreg [dreg:$0x5];
	s22 =	simm.s32 $0x9  }
0x21: {  	[tilespmem:s2], [sflag:$0x9] =	stream.linear.gather [hbm4b:s8+s2], $0x3400, $0x38;
	[tilespmem:$0x9C00] =	vst v63  }
0x22: {  	_ =	swait.ge [sflag:s22], $0x3400  }
0x23: {  	[sflag:s22] =	ssyncset.done $0x0  }
0x24: {  	[sflag:s22] =	ssyncadd.s32 $0xFFFFCC00  }
0x25: {  	[tilespmem:s25], [sflag:$0x1] =	stream.indirect.gather [hbm4b:s3+s24], $0x40, s2, s24, $0xb8;
	[tilespmem:$0x9C00] =	vst v63  }
0x26: {  	_ = 	snop  }
0x27: {  	[tilespmem:s26], [sflag:$0x2] =	stream.indirect.gather [hbm4b:s3+s24], $0x40, s24, s24, $0xb8;
	[tilespmem:$0x9C00] =	vst v63  }
0x28: {  	s23 =	simm.s32 $0xD0  }
0x29: {  	[tilespmem:s29], [sflag:$0x3] =	stream.indirect.gather [hbm4b:s3+s24], $0x40, s23, s24, $0xb8;
	[tilespmem:$0x9C00] =	vst v63  }
0x2a: {  	s4 =	simm.s32 $0x138  }
0x2b: {  	[tilespmem:s31], [sflag:$0x4] =	stream.indirect.gather [hbm4b:s3+s24], $0x40, s4, s24, $0xb8;
	[tilespmem:$0x9C00] =	vst v63  }
0x2c: {  	_ =	swait.ge [sflag:s0], $0x1A00  }
0x2d: {  	s7 =	rddreg [dreg:$0x3];
	[sflag:s0] =	ssyncset.done $0x0  }
0x2e: {  	[sflag:s0] =	ssyncadd.s32 $0xFFFFE600;
	s2 =	sadd.s32 $0x0, s7  }
0x2f: {  	[hbm4b:s2+s1] =	stream.strided.scatter [tilespmem:s25], [sflag:$0x5], $0x680, s28, s1, $0x38;
	[tilespmem:$0x9C00] =	vst v63  }
0x30: {  	s7 =	simm.s32 $0x3A80;
	s8 =	sadd.s32 $0x200, s2  }
0x31: {  	[hbm4b:s8+s1] =	stream.strided.scatter [tilespmem:s7], [sflag:$0x5], $0x680, s28, s1, $0x38;
	[tilespmem:$0x9C00] =	vst v63  }
0x32: {  	s23 =	simm.s32 $0x4100;
	s22 =	sadd.s32 $0x400, s2  }
0x33: {  	[hbm4b:s22+s1] =	stream.strided.scatter [tilespmem:s23], [sflag:$0x5], $0x680, s28, s1, $0x38;
	[tilespmem:$0x9C00] =	vst v63  }
0x34: {  	s2 =	sadd.s32 $0x600, s2;
	s8 =	simm.s32 $0x4780  }
0x35: {  	[hbm4b:s2+s1] =	stream.strided.scatter [tilespmem:s8], [sflag:$0x5], $0x680, s28, s1, $0x38;
	[tilespmem:$0x9C00] =	vst v63  }
0x36: {  	_ =	swait.ge [sflag:s5], $0x680  }
0x37: {  	[sflag:s5] =	ssyncset.done $0x0  }
0x38: {  	[sflag:s5] =	ssyncadd.s32 $0xFFFFF980  }
0x39: {  	_ =	swait.ge [sflag:s5], $0x680  }
0x3a: {  	[sflag:s5] =	ssyncset.done $0x0  }
0x3b: {  	[sflag:s5] =	ssyncadd.s32 $0xFFFFF980  }
0x3c: {  	_ =	swait.ge [sflag:s5], $0x680  }
0x3d: {  	[sflag:s5] =	ssyncset.done $0x0  }
0x3e: {  	[sflag:s5] =	ssyncadd.s32 $0xFFFFF980  }
0x3f: {  	_ =	swait.ge [sflag:s5], $0x680  }
0x40: {  	[sflag:s5] =	ssyncset.done $0x0  }
0x41: {  	s22 =	simm.s32 $0x1A0;
	[sflag:s5] =	ssyncadd.s32 $0xFFFFF980  }
0x42: {  	[tilespmem:s25], [sflag:$0x1] =	stream.indirect.gather [hbm4b:s3+s24], $0x40, s22, s24, $0xb8;
	[tilespmem:$0x9C00] =	vst v63  }
0x43: {  	_ =	swait.ge [sflag:s6], $0x1A00  }
0x44: {  	s2 =	sadd.s32 $0x0, s20;
	[sflag:s6] =	ssyncset.done $0x0  }
0x45: {  	s23 =	sadd.s32 $0x800, s2;
	[sflag:s6] =	ssyncadd.s32 $0xFFFFE600  }
0x46: {  	[hbm4b:s23+s1] =	stream.strided.scatter [tilespmem:s26], [sflag:$0x6], $0x680, s28, s1, $0x38;
	[tilespmem:$0x9C00] =	vst v63  }
0x47: {  	s8 =	simm.s32 $0x5480;
	s7 =	sadd.s32 $0xA00, s2  }
0x48: {  	[hbm4b:s7+s1] =	stream.strided.scatter [tilespmem:s8], [sflag:$0x6], $0x680, s28, s1, $0x38;
	[tilespmem:$0x9C00] =	vst v63  }
0x49: {  	s22 =	sadd.s32 $0xC00, s2;
	s23 =	simm.s32 $0x5B00  }
0x4a: {  	[hbm4b:s22+s1] =	stream.strided.scatter [tilespmem:s23], [sflag:$0x6], $0x680, s28, s1, $0x38;
	[tilespmem:$0x9C00] =	vst v63  }
0x4b: {  	s7 =	sadd.s32 $0xE00, s2  }
0x4c: {  	[hbm4b:s7+s1] =	stream.strided.scatter [tilespmem:s9], [sflag:$0x6], $0x680, s28, s1, $0x38;
	[tilespmem:$0x9C00] =	vst v63  }
0x4d: {  	_ =	swait.ge [sflag:s10], $0x680  }
0x4e: {  	[sflag:s10] =	ssyncset.done $0x0  }
0x4f: {  	[sflag:s10] =	ssyncadd.s32 $0xFFFFF980  }
0x50: {  	_ =	swait.ge [sflag:s10], $0x680  }
0x51: {  	[sflag:s10] =	ssyncset.done $0x0  }
0x52: {  	[sflag:s10] =	ssyncadd.s32 $0xFFFFF980  }
0x53: {  	_ =	swait.ge [sflag:s10], $0x680  }
0x54: {  	[sflag:s10] =	ssyncset.done $0x0  }
0x55: {  	[sflag:s10] =	ssyncadd.s32 $0xFFFFF980  }
0x56: {  	_ =	swait.ge [sflag:s10], $0x680  }
0x57: {  	[sflag:s10] =	ssyncset.done $0x0  }
0x58: {  	s8 =	simm.s32 $0x208;
	[sflag:s10] =	ssyncadd.s32 $0xFFFFF980  }
0x59: {  	[tilespmem:s26], [sflag:$0x2] =	stream.indirect.gather [hbm4b:s3+s24], $0x40, s8, s24, $0xb8;
	[tilespmem:$0x9C00] =	vst v63  }
0x5a: {  	_ =	swait.ge [sflag:s11], $0x1A00  }
0x5b: {  	s22 =	rddreg [dreg:$0x4];
	[sflag:s11] =	ssyncset.done $0x0  }
0x5c: {  	[sflag:s11] =	ssyncadd.s32 $0xFFFFE600;
	s4 =	sadd.s32 $0x0, s22  }
0x5d: {  	[hbm4b:s4+s1] =	stream.strided.scatter [tilespmem:s29], [sflag:$0x7], $0x680, s28, s1, $0x38;
	[tilespmem:$0x9C00] =	vst v63  }
0x5e: {  	s22 =	sadd.s32 $0x200, s4  }
0x5f: {  	[hbm4b:s22+s1] =	stream.strided.scatter [tilespmem:s12], [sflag:$0x7], $0x680, s28, s1, $0x38;
	[tilespmem:$0x9C00] =	vst v63  }
0x60: {  	s23 =	sadd.s32 $0x400, s4  }
0x61: {  	[hbm4b:s23+s1] =	stream.strided.scatter [tilespmem:s13], [sflag:$0x7], $0x680, s28, s1, $0x38;
	[tilespmem:$0x9C00] =	vst v63  }
0x62: {  	s4 =	sadd.s32 $0x600, s4  }
0x63: {  	[hbm4b:s4+s1] =	stream.strided.scatter [tilespmem:s14], [sflag:$0x7], $0x680, s28, s1, $0x38;
	[tilespmem:$0x9C00] =	vst v63  }
0x64: {  	_ =	swait.ge [sflag:s15], $0x680  }
0x65: {  	[sflag:s15] =	ssyncset.done $0x0  }
0x66: {  	[sflag:s15] =	ssyncadd.s32 $0xFFFFF980  }
0x67: {  	_ =	swait.ge [sflag:s15], $0x680  }
0x68: {  	[sflag:s15] =	ssyncset.done $0x0  }
0x69: {  	[sflag:s15] =	ssyncadd.s32 $0xFFFFF980  }
0x6a: {  	_ =	swait.ge [sflag:s15], $0x680  }
0x6b: {  	[sflag:s15] =	ssyncset.done $0x0  }
0x6c: {  	[sflag:s15] =	ssyncadd.s32 $0xFFFFF980  }
0x6d: {  	_ =	swait.ge [sflag:s15], $0x680  }
0x6e: {  	[sflag:s15] =	ssyncset.done $0x0  }
0x6f: {  	s7 =	simm.s32 $0x270;
	[sflag:s15] =	ssyncadd.s32 $0xFFFFF980  }
0x70: {  	[tilespmem:s29], [sflag:$0x3] =	stream.indirect.gather [hbm4b:s3+s24], $0x40, s7, s24, $0xb8;
	[tilespmem:$0x9C00] =	vst v63  }
0x71: {  	_ =	swait.ge [sflag:s16], $0x1A00  }
0x72: {  	[sflag:s16] =	ssyncset.done $0x0  }
0x73: {  	s8 =	sadd.s32 $0x1800, s2;
	[sflag:s16] =	ssyncadd.s32 $0xFFFFE600  }
0x74: {  	[hbm4b:s8+s1] =	stream.strided.scatter [tilespmem:s31], [sflag:$0x8], $0x680, s28, s1, $0x38;
	[tilespmem:$0x9C00] =	vst v63  }
0x75: {  	s22 =	sadd.s32 $0x1A00, s2  }
0x76: {  	[hbm4b:s22+s1] =	stream.strided.scatter [tilespmem:s17], [sflag:$0x8], $0x680, s28, s1, $0x38;
	[tilespmem:$0x9C00] =	vst v63  }
0x77: {  	s23 =	sadd.s32 $0x1C00, s2  }
0x78: {  	[hbm4b:s23+s1] =	stream.strided.scatter [tilespmem:s18], [sflag:$0x8], $0x680, s28, s1, $0x38;
	[tilespmem:$0x9C00] =	vst v63  }
0x79: {  	s2 =	sadd.s32 $0x1E00, s2  }
0x7a: {  	[hbm4b:s2+s1] =	stream.strided.scatter [tilespmem:s19], [sflag:$0x8], $0x680, s28, s1, $0x38;
	[tilespmem:$0x9C00] =	vst v63  }
0x7b: {  	_ =	swait.ge [sflag:s21], $0x680  }
0x7c: {  	[sflag:s21] =	ssyncset.done $0x0  }
0x7d: {  	[sflag:s21] =	ssyncadd.s32 $0xFFFFF980  }
0x7e: {  	_ =	swait.ge [sflag:s21], $0x680  }
0x7f: {  	[sflag:s21] =	ssyncset.done $0x0  }
0x80: {  	[sflag:s21] =	ssyncadd.s32 $0xFFFFF980  }
0x81: {  	_ =	swait.ge [sflag:s21], $0x680  }
0x82: {  	[sflag:s21] =	ssyncset.done $0x0  }
0x83: {  	[sflag:s21] =	ssyncadd.s32 $0xFFFFF980  }
0x84: {  	_ =	swait.ge [sflag:s21], $0x680  }
0x85: {  	s30 =	simm.s32 $0x478;
	[sflag:s21] =	ssyncset.done $0x0  }
0x86: {  	s22 =	simm.s32 $0x2000;
	s23 =	simm.s32 $0x2D8;
	[sflag:s21] =	ssyncadd.s32 $0xFFFFF980  }
.LBB2_2:
0x87: {  	[tilespmem:s31], [sflag:$0x4] =	stream.indirect.gather [hbm4b:s3+s24], $0x40, s23, s24, $0xb8;
	[tilespmem:$0x9C00] =	vst v63  }
0x88: {  	_ =	swait.ge [sflag:s0], $0x1A00  }
0x89: {  	s4 =	smov.u32 s22;
	s2 =	rddreg [dreg:$0x3];
	[sflag:s0] =	ssyncset.done $0x0  }
0x8a: {  	[sflag:s0] =	ssyncadd.s32 $0xFFFFE600;
	s2 =	sadd.s32 s4, s2  }
0x8b: {  	[hbm4b:s2+s1] =	stream.strided.scatter [tilespmem:s25], [sflag:$0x5], $0x680, s28, s1, $0x38;
	[tilespmem:$0x9C00] =	vst v63  }
0x8c: {  	s8 =	simm.s32 $0x3A80;
	s7 =	sadd.s32 $0x200, s2  }
0x8d: {  	[hbm4b:s7+s1] =	stream.strided.scatter [tilespmem:s8], [sflag:$0x5], $0x680, s28, s1, $0x38;
	[tilespmem:$0x9C00] =	vst v63  }
0x8e: {  	s7 =	sadd.s32 $0x400, s2;
	s8 =	simm.s32 $0x4100  }
0x8f: {  	[hbm4b:s7+s1] =	stream.strided.scatter [tilespmem:s8], [sflag:$0x5], $0x680, s28, s1, $0x38;
	[tilespmem:$0x9C00] =	vst v63  }
0x90: {  	s2 =	sadd.s32 $0x600, s2;
	s8 =	simm.s32 $0x4780  }
0x91: {  	[hbm4b:s2+s1] =	stream.strided.scatter [tilespmem:s8], [sflag:$0x5], $0x680, s28, s1, $0x38;
	[tilespmem:$0x9C00] =	vst v63  }
0x92: {  	_ =	swait.ge [sflag:s5], $0x680  }
0x93: {  	[sflag:s5] =	ssyncset.done $0x0  }
0x94: {  	[sflag:s5] =	ssyncadd.s32 $0xFFFFF980  }
0x95: {  	_ =	swait.ge [sflag:s5], $0x680  }
0x96: {  	[sflag:s5] =	ssyncset.done $0x0  }
0x97: {  	[sflag:s5] =	ssyncadd.s32 $0xFFFFF980  }
0x98: {  	_ =	swait.ge [sflag:s5], $0x680  }
0x99: {  	[sflag:s5] =	ssyncset.done $0x0  }
0x9a: {  	[sflag:s5] =	ssyncadd.s32 $0xFFFFF980  }
0x9b: {  	_ =	swait.ge [sflag:s5], $0x680  }
0x9c: {  	[sflag:s5] =	ssyncset.done $0x0  }
0x9d: {  	s7 =	sadd.s32 $0xFFFFFEC8, s30;
	[sflag:s5] =	ssyncadd.s32 $0xFFFFF980  }
0x9e: {  	[tilespmem:s25], [sflag:$0x1] =	stream.indirect.gather [hbm4b:s3+s24], $0x40, s7, s24, $0xb8;
	[tilespmem:$0x9C00] =	vst v63  }
0x9f: {  	_ =	swait.ge [sflag:s6], $0x1A00  }
0xa0: {  	s2 =	sadd.s32 s4, s20;
	[sflag:s6] =	ssyncset.done $0x0  }
0xa1: {  	s8 =	sadd.s32 $0x800, s2;
	[sflag:s6] =	ssyncadd.s32 $0xFFFFE600  }
0xa2: {  	[hbm4b:s8+s1] =	stream.strided.scatter [tilespmem:s26], [sflag:$0x6], $0x680, s28, s1, $0x38;
	[tilespmem:$0x9C00] =	vst v63  }
0xa3: {  	s7 =	sadd.s32 $0xA00, s2;
	s8 =	simm.s32 $0x5480  }
0xa4: {  	[hbm4b:s7+s1] =	stream.strided.scatter [tilespmem:s8], [sflag:$0x6], $0x680, s28, s1, $0x38;
	[tilespmem:$0x9C00] =	vst v63  }
0xa5: {  	s7 =	sadd.s32 $0xC00, s2;
	s8 =	simm.s32 $0x5B00  }
0xa6: {  	[hbm4b:s7+s1] =	stream.strided.scatter [tilespmem:s8], [sflag:$0x6], $0x680, s28, s1, $0x38;
	[tilespmem:$0x9C00] =	vst v63  }
0xa7: {  	s8 =	sadd.s32 $0xE00, s2  }
0xa8: {  	[hbm4b:s8+s1] =	stream.strided.scatter [tilespmem:s9], [sflag:$0x6], $0x680, s28, s1, $0x38;
	[tilespmem:$0x9C00] =	vst v63  }
0xa9: {  	_ =	swait.ge [sflag:s10], $0x680  }
0xaa: {  	[sflag:s10] =	ssyncset.done $0x0  }
0xab: {  	[sflag:s10] =	ssyncadd.s32 $0xFFFFF980  }
0xac: {  	_ =	swait.ge [sflag:s10], $0x680  }
0xad: {  	[sflag:s10] =	ssyncset.done $0x0  }
0xae: {  	[sflag:s10] =	ssyncadd.s32 $0xFFFFF980  }
0xaf: {  	_ =	swait.ge [sflag:s10], $0x680  }
0xb0: {  	[sflag:s10] =	ssyncset.done $0x0  }
0xb1: {  	[sflag:s10] =	ssyncadd.s32 $0xFFFFF980  }
0xb2: {  	_ =	swait.ge [sflag:s10], $0x680  }
0xb3: {  	[sflag:s10] =	ssyncset.done $0x0  }
0xb4: {  	s8 =	sadd.s32 $0xFFFFFF30, s30;
	[sflag:s10] =	ssyncadd.s32 $0xFFFFF980  }
0xb5: {  	[tilespmem:s26], [sflag:$0x2] =	stream.indirect.gather [hbm4b:s3+s24], $0x40, s8, s24, $0xb8;
	[tilespmem:$0x9C00] =	vst v63  }
0xb6: {  	_ =	swait.ge [sflag:s11], $0x1A00  }
0xb7: {  	s8 =	rddreg [dreg:$0x4];
	[sflag:s11] =	ssyncset.done $0x0  }
0xb8: {  	[sflag:s11] =	ssyncadd.s32 $0xFFFFE600;
	s4 =	sadd.s32 s4, s8  }
0xb9: {  	[hbm4b:s4+s1] =	stream.strided.scatter [tilespmem:s29], [sflag:$0x7], $0x680, s28, s1, $0x38;
	[tilespmem:$0x9C00] =	vst v63  }
0xba: {  	s7 =	sadd.s32 $0x200, s4  }
0xbb: {  	[hbm4b:s7+s1] =	stream.strided.scatter [tilespmem:s12], [sflag:$0x7], $0x680, s28, s1, $0x38;
	[tilespmem:$0x9C00] =	vst v63  }
0xbc: {  	s8 =	sadd.s32 $0x400, s4  }
0xbd: {  	[hbm4b:s8+s1] =	stream.strided.scatter [tilespmem:s13], [sflag:$0x7], $0x680, s28, s1, $0x38;
	[tilespmem:$0x9C00] =	vst v63  }
0xbe: {  	s4 =	sadd.s32 $0x600, s4  }
0xbf: {  	[hbm4b:s4+s1] =	stream.strided.scatter [tilespmem:s14], [sflag:$0x7], $0x680, s28, s1, $0x38;
	[tilespmem:$0x9C00] =	vst v63  }
0xc0: {  	_ =	swait.ge [sflag:s15], $0x680  }
0xc1: {  	[sflag:s15] =	ssyncset.done $0x0  }
0xc2: {  	[sflag:s15] =	ssyncadd.s32 $0xFFFFF980  }
0xc3: {  	_ =	swait.ge [sflag:s15], $0x680  }
0xc4: {  	[sflag:s15] =	ssyncset.done $0x0  }
0xc5: {  	[sflag:s15] =	ssyncadd.s32 $0xFFFFF980  }
0xc6: {  	_ =	swait.ge [sflag:s15], $0x680  }
0xc7: {  	[sflag:s15] =	ssyncset.done $0x0  }
0xc8: {  	[sflag:s15] =	ssyncadd.s32 $0xFFFFF980  }
0xc9: {  	_ =	swait.ge [sflag:s15], $0x680  }
0xca: {  	[sflag:s15] =	ssyncset.done $0x0  }
0xcb: {  	s7 =	sadd.s32 $0xFFFFFF98, s30;
	[sflag:s15] =	ssyncadd.s32 $0xFFFFF980  }
0xcc: {  	[tilespmem:s29], [sflag:$0x3] =	stream.indirect.gather [hbm4b:s3+s24], $0x40, s7, s24, $0xb8;
	[tilespmem:$0x9C00] =	vst v63  }
0xcd: {  	_ =	swait.ge [sflag:s16], $0x1A00  }
0xce: {  	[sflag:s16] =	ssyncset.done $0x0  }
0xcf: {  	s8 =	sadd.s32 $0x1800, s2;
	[sflag:s16] =	ssyncadd.s32 $0xFFFFE600  }
0xd0: {  	[hbm4b:s8+s1] =	stream.strided.scatter [tilespmem:s31], [sflag:$0x8], $0x680, s28, s1, $0x38;
	[tilespmem:$0x9C00] =	vst v63  }
0xd1: {  	s7 =	sadd.s32 $0x1A00, s2  }
0xd2: {  	[hbm4b:s7+s1] =	stream.strided.scatter [tilespmem:s17], [sflag:$0x8], $0x680, s28, s1, $0x38;
	[tilespmem:$0x9C00] =	vst v63  }
0xd3: {  	s8 =	sadd.s32 $0x1C00, s2  }
0xd4: {  	[hbm4b:s8+s1] =	stream.strided.scatter [tilespmem:s18], [sflag:$0x8], $0x680, s28, s1, $0x38;
	[tilespmem:$0x9C00] =	vst v63  }
0xd5: {  	s2 =	sadd.s32 $0x1E00, s2  }
0xd6: {  	[hbm4b:s2+s1] =	stream.strided.scatter [tilespmem:s19], [sflag:$0x8], $0x680, s28, s1, $0x38;
	[tilespmem:$0x9C00] =	vst v63  }
0xd7: {  	_ =	swait.ge [sflag:s21], $0x680  }
0xd8: {  	[sflag:s21] =	ssyncset.done $0x0  }
0xd9: {  	[sflag:s21] =	ssyncadd.s32 $0xFFFFF980  }
0xda: {  	_ =	swait.ge [sflag:s21], $0x680  }
0xdb: {  	[sflag:s21] =	ssyncset.done $0x0  }
0xdc: {  	[sflag:s21] =	ssyncadd.s32 $0xFFFFF980  }
0xdd: {  	p0 =	sne.s32 s22, $0x3C000;
	_ =	swait.ge [sflag:s21], $0x680  }
.Ltmp0:
0xde: {  	[sflag:s21] =	ssyncset.done $0x0;
	(pc) =	sbr.rel @p0 .LBB2_2-.Ltmp0, $4  }
0xdf: {  	[sflag:s21] =	ssyncadd.s32 $0xFFFFF980  }
0xe0: {  	_ =	swait.ge [sflag:s21], $0x680  }
0xe1: {  	s23 =	smov.u32 s30;
	[sflag:s21] =	ssyncset.done $0x0  }
0xe2: {  	s22 =	sadd.s32 $0x2000, s22;
	s30 =	sadd.s32 $0x1A0, s30;
	[sflag:s21] =	ssyncadd.s32 $0xFFFFF980  }
0xe3: {  	[tilespmem:s31], [sflag:$0x4] =	stream.indirect.gather [hbm4b:s3+s24], $0x40, s23, s24, $0xb8;
	[tilespmem:$0x9C00] =	vst v63  }
0xe4: {  	_ =	swait.ge [sflag:s0], $0x1A00  }
0xe5: {  	[sflag:s0] =	ssyncset.done $0x0  }
0xe6: {  	s2 =	rddreg [dreg:$0x6];
	[sflag:s0] =	ssyncadd.s32 $0xFFFFE600  }
0xe7: {  	[hbm4b:s2+s1] =	stream.strided.scatter [tilespmem:s25], [sflag:$0x5], $0x680, s28, s1, $0x38;
	[tilespmem:$0x9C00] =	vst v63  }
0xe8: {  	s4 =	simm.s32 $0x3A80;
	s7 =	rddreg [dreg:$0x7]  }
0xe9: {  	[hbm4b:s7+s1] =	stream.strided.scatter [tilespmem:s4], [sflag:$0x5], $0x680, s28, s1, $0x38;
	[tilespmem:$0x9C00] =	vst v63  }
0xea: {  	s22 =	simm.s32 $0x4100;
	s8 =	rddreg [dreg:$0x8]  }
0xeb: {  	[hbm4b:s8+s1] =	stream.strided.scatter [tilespmem:s22], [sflag:$0x5], $0x680, s28, s1, $0x38;
	[tilespmem:$0x9C00] =	vst v63  }
0xec: {  	s30 =	simm.s32 $0x4780;
	s23 =	rddreg [dreg:$0x9]  }
0xed: {  	[hbm4b:s23+s1] =	stream.strided.scatter [tilespmem:s30], [sflag:$0x5], $0x680, s28, s1, $0x38;
	[tilespmem:$0x9C00] =	vst v63  }
0xee: {  	_ =	swait.ge [sflag:s5], $0x680  }
0xef: {  	[sflag:s5] =	ssyncset.done $0x0  }
0xf0: {  	[sflag:s5] =	ssyncadd.s32 $0xFFFFF980  }
0xf1: {  	_ =	swait.ge [sflag:s5], $0x680  }
0xf2: {  	[sflag:s5] =	ssyncset.done $0x0  }
0xf3: {  	[sflag:s5] =	ssyncadd.s32 $0xFFFFF980  }
0xf4: {  	_ =	swait.ge [sflag:s5], $0x680  }
0xf5: {  	[sflag:s5] =	ssyncset.done $0x0  }
0xf6: {  	[sflag:s5] =	ssyncadd.s32 $0xFFFFF980  }
0xf7: {  	_ =	swait.ge [sflag:s5], $0x680  }
0xf8: {  	[sflag:s5] =	ssyncset.done $0x0  }
0xf9: {  	[sflag:s5] =	ssyncadd.s32 $0xFFFFF980  }
0xfa: {  	_ =	swait.ge [sflag:s6], $0x1A00  }
0xfb: {  	[sflag:s6] =	ssyncset.done $0x0  }
0xfc: {  	s7 =	rddreg [dreg:$0xa];
	[sflag:s6] =	ssyncadd.s32 $0xFFFFE600  }
0xfd: {  	[hbm4b:s7+s1] =	stream.strided.scatter [tilespmem:s26], [sflag:$0x6], $0x680, s28, s1, $0x38;
	[tilespmem:$0x9C00] =	vst v63  }
0xfe: {  	s22 =	simm.s32 $0x5480;
	s8 =	rddreg [dreg:$0xb]  }
0xff: {  	[hbm4b:s8+s1] =	stream.strided.scatter [tilespmem:s22], [sflag:$0x6], $0x680, s28, s1, $0x38;
	[tilespmem:$0x9C00] =	vst v63  }
0x100: {  	s30 =	simm.s32 $0x5B00;
	s23 =	rddreg [dreg:$0xc]  }
0x101: {  	[hbm4b:s23+s1] =	stream.strided.scatter [tilespmem:s30], [sflag:$0x6], $0x680, s28, s1, $0x38;
	[tilespmem:$0x9C00] =	vst v63  }
0x102: {  	s7 =	rddreg [dreg:$0xd]  }
0x103: {  	[hbm4b:s7+s1] =	stream.strided.scatter [tilespmem:s9], [sflag:$0x6], $0x680, s28, s1, $0x38;
	[tilespmem:$0x9C00] =	vst v63  }
0x104: {  	_ =	swait.ge [sflag:s10], $0x680  }
0x105: {  	[sflag:s10] =	ssyncset.done $0x0  }
0x106: {  	[sflag:s10] =	ssyncadd.s32 $0xFFFFF980  }
0x107: {  	_ =	swait.ge [sflag:s10], $0x680  }
0x108: {  	[sflag:s10] =	ssyncset.done $0x0  }
0x109: {  	[sflag:s10] =	ssyncadd.s32 $0xFFFFF980  }
0x10a: {  	_ =	swait.ge [sflag:s10], $0x680  }
0x10b: {  	[sflag:s10] =	ssyncset.done $0x0  }
0x10c: {  	[sflag:s10] =	ssyncadd.s32 $0xFFFFF980  }
0x10d: {  	_ =	swait.ge [sflag:s10], $0x680  }
0x10e: {  	[sflag:s10] =	ssyncset.done $0x0  }
0x10f: {  	[sflag:s10] =	ssyncadd.s32 $0xFFFFF980  }
0x110: {  	_ =	swait.ge [sflag:s11], $0x1A00  }
0x111: {  	[sflag:s11] =	ssyncset.done $0x0  }
0x112: {  	s8 =	rddreg [dreg:$0xe];
	[sflag:s11] =	ssyncadd.s32 $0xFFFFE600  }
0x113: {  	[hbm4b:s8+s1] =	stream.strided.scatter [tilespmem:s29], [sflag:$0x7], $0x680, s28, s1, $0x38;
	[tilespmem:$0x9C00] =	vst v63  }
0x114: {  	s22 =	rddreg [dreg:$0xf]  }
0x115: {  	[hbm4b:s22+s1] =	stream.strided.scatter [tilespmem:s12], [sflag:$0x7], $0x680, s28, s1, $0x38;
	[tilespmem:$0x9C00] =	vst v63  }
0x116: {  	s23 =	rddreg [dreg:$0x10]  }
0x117: {  	[hbm4b:s23+s1] =	stream.strided.scatter [tilespmem:s13], [sflag:$0x7], $0x680, s28, s1, $0x38;
	[tilespmem:$0x9C00] =	vst v63  }
0x118: {  	s30 =	rddreg [dreg:$0x11]  }
0x119: {  	[hbm4b:s30+s1] =	stream.strided.scatter [tilespmem:s14], [sflag:$0x7], $0x680, s28, s1, $0x38;
	[tilespmem:$0x9C00] =	vst v63  }
0x11a: {  	_ =	swait.ge [sflag:s15], $0x680  }
0x11b: {  	[sflag:s15] =	ssyncset.done $0x0  }
0x11c: {  	[sflag:s15] =	ssyncadd.s32 $0xFFFFF980  }
0x11d: {  	_ =	swait.ge [sflag:s15], $0x680  }
0x11e: {  	[sflag:s15] =	ssyncset.done $0x0  }
0x11f: {  	[sflag:s15] =	ssyncadd.s32 $0xFFFFF980  }
0x120: {  	_ =	swait.ge [sflag:s15], $0x680  }
0x121: {  	[sflag:s15] =	ssyncset.done $0x0  }
0x122: {  	[sflag:s15] =	ssyncadd.s32 $0xFFFFF980  }
0x123: {  	_ =	swait.ge [sflag:s15], $0x680  }
0x124: {  	[sflag:s15] =	ssyncset.done $0x0  }
0x125: {  	[sflag:s15] =	ssyncadd.s32 $0xFFFFF980  }
0x126: {  	_ =	swait.ge [sflag:s16], $0x1A00  }
0x127: {  	[sflag:s16] =	ssyncset.done $0x0  }
0x128: {  	s4 =	rddreg [dreg:$0x12];
	[sflag:s16] =	ssyncadd.s32 $0xFFFFE600  }
0x129: {  	[hbm4b:s4+s1] =	stream.strided.scatter [tilespmem:s31], [sflag:$0x8], $0x680, s28, s1, $0x38;
	[tilespmem:$0x9C00] =	vst v63  }
0x12a: {  	s7 =	rddreg [dreg:$0x13]  }
0x12b: {  	[hbm4b:s7+s1] =	stream.strided.scatter [tilespmem:s17], [sflag:$0x8], $0x680, s28, s1, $0x38;
	[tilespmem:$0x9C00] =	vst v63  }
0x12c: {  	s8 =	rddreg [dreg:$0x14]  }
0x12d: {  	[hbm4b:s8+s1] =	stream.strided.scatter [tilespmem:s18], [sflag:$0x8], $0x680, s28, s1, $0x38;
	[tilespmem:$0x9C00] =	vst v63  }
0x12e: {  	s22 =	rddreg [dreg:$0x15]  }
0x12f: {  	[hbm4b:s22+s1] =	stream.strided.scatter [tilespmem:s19], [sflag:$0x8], $0x680, s28, s1, $0x38;
	[tilespmem:$0x9C00] =	vst v63  }
0x130: {  	_ =	swait.ge [sflag:s21], $0x680  }
0x131: {  	[sflag:s21] =	ssyncset.done $0x0  }
0x132: {  	[sflag:s21] =	ssyncadd.s32 $0xFFFFF980  }
0x133: {  	_ =	swait.ge [sflag:s21], $0x680  }
0x134: {  	[sflag:s21] =	ssyncset.done $0x0  }
0x135: {  	[sflag:s21] =	ssyncadd.s32 $0xFFFFF980  }
0x136: {  	_ =	swait.ge [sflag:s21], $0x680  }
0x137: {  	[sflag:s21] =	ssyncset.done $0x0  }
0x138: {  	[sflag:s21] =	ssyncadd.s32 $0xFFFFF980  }
0x139: {  	_ =	swait.ge [sflag:s21], $0x680  }
0x13a: {  	s23 =	rddreg [dreg:$0x17]  }
0x13b: {  	s30 =	rddreg [dreg:$0x16];
	s4 =	sadd.s32 $0x1, s23  }
0x13c: {  	p0 =	sne.s32 s4, s30  }
.Ltmp1:
0x13d: {  	_ = 	snop;
	(pc) =	sbr.rel @p0 .LBB2_1-.Ltmp1, $3  }
0x13e: {  	_ =	sdelay $0x1  }
0x13f: {  	[sflag:s21] =	ssyncset.done $0x0  }
0x140: {  	[sflag:s21] =	ssyncadd.s32 $0xFFFFF980  }
0x141: {  	_ =	sfence.sel $0x180000  }
0x142: {  	[bflag:$0x0] =	sbarrier.arrive $0xFFFF  }
0x143: {  	_ =	strace $0x90000047  }
0x144: {  	s0 =	stileid.u32;
	[bflag:$0x2] =	sbarrier.arrive $0xFFFF  }
0x145: {  	p0 =	sne.s32 s0, $0x0;
	s0 =	rddreg [dreg:$0x2]  }
0x146: {  	s0 =	sadd.s32 @!p0 $0x100000, s0  }
0x147: {  	[sflag:s0] =	ssyncadd.tile.s32 @!p0 $0x1;
	_ =	shalt  }
.Lfunc_end2:
_tile_overlayer_lowered:
.L_overlay_start_2:
0x148: {  	(tag) =	ssettag $0x2  }
0x149: {  	s0 =	rddreg [dreg:$0x0];
	s2 =	stileid.u32  }
0x14a: {  	s1 =	rddreg [dreg:$0x1];
	p0 =	sne.s32 s2, $0x0  }
0x14b: {  	s3 =	rddreg [dreg:$0x2];
	[bflag:$0x3] =	sbarrier.arrive $0xFFFF;
	s2 =	simm.s32 @!p0 $0x1C09  }
0x14c: {  	[timem:s3], [sflag:s2] =	dma.local @!p0 [hbm:s0], s1  }
0x14d: {  	s0 =	simm.s32 @!p0 $0x9  }
0x14e: {  	_ =	swait.ge @!p0 [sflag:s0], s1  }
0x14f: {  	s1 =	ssub.s32 @!p0 $0x0, s1;
	[sflag:s0] =	ssyncset.done @!p0 $0x0  }
0x150: {  	[sflag:s0] =	ssyncadd.s32 @!p0 s1  }
0x151: {  	[bflag:$0x3] =	sbarrier.arrive $0xFFFF  }
0x152: {  	_ =	shalt  }

// kernel: sparse-core-data-format-call.cloned.1.call-start
scs
called_computation_lowered:
.L_overlay_start_0:
0x0: {  	s2 =	sld [smem:$0x3FD9]  }
0x1: {  	s3 =	sld [smem:$0x3FFE];
	_ =	sdelay $0x1  }
0x2: {  	s1 =	srdreg.scid  }
0x3: {  	s0 =	sand.u32 $0x1, s1  }
0x4: {  	s18 =	sshll.u32 s0, $0xA;
	s2 =	sadd.s32 s3, s2  }
0x5: {  	s2 =	sadd.s32 s2, s18  }
0x6: {  	[smem:$0x3FC6] =	sst s2  }
0x7: {  	_ = 	snop  }
0x8: {  	s2 =	sld [smem:$0x3FD0];
	(tm) =	ssettm $0x1  }
0x9: {  	s19 =	sld [smem:$0x3FFB];
	_ =	sdelay $0x3  }
0xa: {  	_ =	strace s19  }
0xb: {  	s3 =	sld [smem:$0x3FFC];
	_ =	sdelay $0x3  }
0xc: {  	_ =	strace s3  }
0xd: {  	s3 =	sld [smem:$0x3FFD];
	_ =	sdelay $0x3  }
0xe: {  	_ =	strace s3  }
0xf: {  	_ =	strace $0x8FFFFFFF  }
0x10: {  	s20 =	sld [smem:$0x3FDB];
	_ =	sdelay $0x1  }
0x11: {  	s4 =	simm.s32 $_scs_section_size  }
0x12: {  	s5 =	simm.s32 $_size__tile_overlayer_lowered;
	s6 =	simm.s32 $_tile_overlayer_lowered  }
0x13: {  	s23 =	simm.s32 $0x1BFF;
	s22 =	sshll.u32 s6, $0x1;
	s3 =	sadd.s32 s4, s20  }
0x14: {  	s7 =	simm.s32 $0x0;
	s21 =	sshll.u32 s5, $0x1;
	s5 =	sadd.s32 s22, s3  }
0x15: {  	[timem:s7], [sflag:s23] =	dma.local [hbm:s5], s21  }
0x16: {  	_ =	swait.ge [sflag:s23], s21  }
0x17: {  	s4 =	ssub.s32 $0x0, s21;
	[sflag:s23] =	ssyncset.done $0x0  }
0x18: {  	[sflag:s23] =	ssyncadd.s32 s4;
	_ =	sdelay $0x1  }
0x19: {  	s24 =	simm.s32 $0x1B8B  }
0x1a: {  	_ =	swait.ge [sflag:s24], $0x1  }
0x1b: {  	[sflag:s24] =	ssyncset.done $0x0  }
0x1c: {  	s26 =	simm.s32 $0x1B8E;
	s25 =	sld [smem:$0x3FFE];
	[sflag:s24] =	ssyncadd.s32 $0xFFFFFFFF  }
0x1d: {  	s27 =	simm.s32 $execute0_lowered;
	[smem:$0x3FD2] =	sst s26  }
0x1e: {  	s5 =	sshll.u32 s27, $0x1;
	_ =	strace $0x80000049;
	[dreg:$0x1] =	wrdreg $0xFFFFFFFF  }
0x1f: {  	s28 =	simm.s32 $_size_execute0_lowered;
	s3 =	sadd.s32 s3, s5;
	[dreg:$0x0] =	wrdreg $0x0  }
0x20: {  	s5 =	sshll.u32 s28, $0x1;
	[dreg:$0x2] =	wrdreg s3  }
0x21: {  	[dreg:$0x3] =	wrdreg s5  }
0x22: {  	[dreg:$0x4] =	wrdreg $0xC0  }
0x23: {  	_ =	task [dreg:s7], $0x5FFFF  }
0x24: {  	[dreg:$0x1] =	wrdreg $0xFFFFFFFF  }
0x25: {  	[dreg:$0x0] =	wrdreg $0x60  }
0x26: {  	[dreg:$0x2] =	wrdreg s25  }
0x27: {  	[dreg:$0x3] =	wrdreg s2  }
0x28: {  	[dreg:$0x4] =	wrdreg $0x9  }
0x29: {  	_ =	task.clear_ibuf [dreg:s7], $0x5FFFF;
	_ =	strace $0x90000049  }
0x2a: {  	s29 =	simm.s32 $0x9;
	_ =	strace $0x8000004B  }
0x2b: {  	_ =	swait.ge [sflag:s29], $0x1  }
0x2c: {  	[sflag:s29] =	ssyncadd.s32 $0xFFFFFFFF  }
0x2d: {  	_ =	strace $0x9000004B  }
0x2e: {  	_ =	sfence  }
0x2f: {  	s30 =	sld [smem:$0x0];
	_ =	sdelay $0x2  }
0x30: {  	s31 =	sshll.u32 s1, $0xD;
	s1 =	sshrl.u32 s1, $0x2  }
0x31: {  	s3 =	sand.u32 $0x4000, s31;
	s1 =	sadd.s32 s1, s30  }
0x32: {  	s0 =	sor.u32 s3, s0;
	s1 =	sshll.u32 s1, $0x11  }
0x33: {  	s0 =	sor.u32 s1, s0  }
0x34: {  	s0 =	sadd.s32 $0x8F2B, s0  }
0x35: {  	[sflag:s0] =	ssyncadd.remote.s32 $0x1  }
0x36: {  	_ =	sfence.sel $0xFFFF  }
0x37: {  	[dreg:$0x0] =	wrdreg $0xFFFFFFFF;
	(pc) =	sbr.abs _section_cstart, $3  }
0x38: {  	[dreg:$0x1] =	wrdreg $0xFFFFFFFF  }
0x39: {  	_ =	task.clear_ibuf [dreg:s7], $0x2FFFF;
	_ =	strace $0x9FFFFFFF  }
0x3a: {  	(tm) =	ssettm $0x7FFFFFFF  }
0x3b: {  	_ =	shalt  }
tec
execute0_lowered:
.L_overlay_start_1:
0x0: {  	(tag) =	ssettag $0x1  }
0x1: {  	s0 =	srdreg.scid  }
0x2: {  	s1 =	sshll.u32 s0, $0x4  }
0x3: {  	s0 =	stileid.u32;
	s1 =	sand.u32 $0x10, s1  }
0x4: {  	s1 =	sor.u32 s0, s1  }
0x5: {  	s6 =	rddreg [dreg:$0x0];
	s4 =	simm.s32 $0x1;
	s2 =	sshll.u32 s1, $0x7  }
0x6: {  	s7 =	simm.s32 $0x2;
	s12 =	simm.s32 $0x0;
	s1 =	ssub.s32 $0x4000, s2  }
0x7: {  	s8 =	simm.s32 $0x20000;
	s13 =	simm.s32 $0x0;
	s3 =	sand.u32 $0xF80, s1  }
0x8: {  	s9 =	simm.s32 $0x0;
	s5 =	sshrl.u32 s1, $0xC;
	p0 =	sne.s32 s3, $0x0  }
.Ltmp0:
0x9: {  	s1 =	rddreg [dreg:$0x2];
	s4 =	simm.s32 @!p0 $0x0;
	(pc) =	sbr.rel .LBB1_1-.Ltmp0, $4  }
0xa: {  	s11 =	simm.s32 $0x0;
	s3 =	rddreg [dreg:$0x1];
	s5 =	sadd.s32 s4, s5  }
0xb: {  	_ =	strace $0x8000004A;
	s4 =	simm.s32 $0x1;
	s5 =	smul.u32 $0x1A, s5  }
0xc: {  	s6 =	sadd.s32 $0xA00, s6;
	s10 =	smov.u32 s2;
	[sflag:s4] =	ssyncpa.u1 $0x0  }
0xd: {  	p0 =	por $0x0, $0x0;
	[sflag:s7] =	ssyncpa.u1 $0x0;
	s7 =	sor.u32 $0x1, s5  }
.LBB1_4:
0xe: {  	s16 =	sshll.u32 s13, $0x3;
	s17 =	sand.u32 $0x78, s13  }
0xf: {  	s30 =	sand.u32 $0x1F800, s13;
	s12 =	sshll.u32 s12, $0x11;
	s16 =	sand.u32 $0x3C00, s16  }
0x10: {  	[tilespmem:s15+$0x810 ss:$0x81] =	vst.msk $0xffff, v2;
	s31 =	sand.u32 $0x7, s13;
	s16 =	sor.u32 s17, s16;
	s17 =	sadd.s32 s3, s30  }
0x11: {  	[tilespmem:s15+$0x1020 ss:$0x81] =	vst.msk $0xffff, v0;
	s13 =	sshll.u32 s31, $0x12;
	s12 =	sadd.s32 s12, s17;
	s16 =	sshrl.u32 s16, $0x3  }
0x12: {  	[tilespmem:s15+$0x0 ss:$0x81] =	vst.msk $0xffff, v1;
	s13 =	sor.u32 $0x400, s13;
	s12 =	sadd.s32 s16, s12  }
0x13: {  	[hbm4b:s12+s13] =	stream.strided.scatter [tilespmem:s14], [sflag:$0x2], $0x2000, s8, s13, $0x20;
	[tilespmem:$0x8080] =	vst v63  }
.LBB1_5:
0x14: {  	s14 =	sadd.s32 $0x1, s9  }
0x15: {  	s12 =	sadd.s32 $0x1000, s10;
	s16 =	smov.u32 s10;
	p2 =	sgt.s32 s14, $0x19  }
0x16: {  	s16 =	smov.u32 @p2 s12  }
0x17: {  	s14 =	simm.s32 @p2 $0x0;
	p2 =	sgt.s32 s16, $0x3FFF  }
0x18: {  	s16 =	smov.u32 @p2 s2;
	p2 =	sne.s32 s11, s7  }
.Ltmp1:
0x19: {  	p1 =	slt.u32 s11, $0x2;
	(pc) =	sbr.rel @!p2 .LBB1_6-.Ltmp1, $4  }
0x1a: {  	s15 =	simm.s32 @!p1 $0x2  }
0x1b: {  	s13 =	smov.u32 s10;
	p0 =	por !p0, !p0;
	_ =	swait.ge @!p1 [sflag:s15], $0x2000  }
0x1c: {  	s12 =	smov.u32 s9;
	[sflag:s15] =	ssyncset.done @!p1 $0x0;
	s9 =	smov.u32 s14  }
0x1d: {  	s11 =	sadd.s32 $0x1, s11;
	[sflag:s15] =	ssyncadd.s32 @!p1 $0xFFFFE000;
	s10 =	smov.u32 s16  }
.LBB1_1:
0x1e: {  	p1 =	sge.u32 s11, s5  }
0x1f: {  	s31 =	sadd.s32 $0xFFFFFFFF, s11;
	s14 =	sxor.u32 @!p1 $0xFFFFFFFF, s11  }
0x20: {  	s15 =	sshll.u32 @!p1 s10, $0x9;
	s16 =	sshll.u32 @!p1 s9, $0x4;
	s17 =	simm.s32 @!p1 $0x1000  }
0x21: {  	s14 =	sshll.u32 @!p1 s14, $0xD;
	s16 =	sand.u32 @!p1 $0x1F0, s16;
	s15 =	sadd.s32 @!p1 s6, s15  }
0x22: {  	s14 =	sand.u32 @!p1 $0x2000, s14;
	s15 =	sadd.s32 @!p1 s16, s15;
	s16 =	simm.s32 @!p1 $0x40  }
0x23: {  	[tilespmem:s14], [sflag:$0x1] =	stream.strided.gather @!p1 [hbm4b:s15+s16], $0x2000, s17, s16, $0x38;
	[tilespmem:$0x8080] =	vst v63  }
0x24: {  	p1 =	sge.u32 s31, s5  }
.Ltmp2:
0x25: {  	_ = 	snop;
	(pc) =	sbr.rel @p1 .LBB1_5-.Ltmp2, $1  }
0x26: {  	_ =	sdelay $0x3  }
0x27: {  	s14 =	simm.s32 $0x1  }
0x28: {  	_ =	swait.ge [sflag:s4], $0x2000;
	s14 =	simm.s32 @!p0 $0x0  }
0x29: {  	[sflag:s4] =	ssyncset.done $0x0;
	s15 =	sshll.u32 s14, $0xD  }
0x2a: {  	[sflag:s4] =	ssyncadd.s32 $0xFFFFE000;
	s18 =	sor.u32 $0x20, s15  }
0x2b: {  	s14 =	smul.u32 $0x8100, s14;
	v3 =	vld [tilespmem:s18+$0x10]  }
0x2c: {  	s30 =	sand.u32 $0x1, s11;
	v2 =	vld [tilespmem:s18+$0xFFFFFFF0]  }
0x2d: {  	s15 =	smul.u32 $0x8100, s30;
	s14 =	sshrl.u32 s14, $0x2;
	v0 =	vld [tilespmem:s18+$0x0]  }
0x2e: {  	v1 =	vld [tilespmem:s18+$0xFFFFFFE0];
	s16 =	sor.u32 $0x4000, s14  }
0x2f: {  	s31 =	sshrl.u32 s15, $0x2;
	s15 =	sadd.s32 $0x0, s16  }
0x30: {  	s17 =	simm.s32 $0x4;
	s18 =	sadd.s32 $0x40, s18;
	s14 =	sor.u32 $0x4000, s31;
	[tilespmem:s15+$0x1830 ss:$0x81] =	vst.msk $0xffff, v3  }
.LBB1_3:
0x31: {  	v3 =	vld [tilespmem:s18+$0x10];
	p1 =	sne.s32 s17, $0x1FC;
	[tilespmem:s15+$0x810 ss:$0x81] =	vst.msk $0xffff, v2;
	s19 =	smov.u32 s17;
	s17 =	sadd.s32 $0x4, s17  }
.Ltmp3:
0x32: {  	v2 =	vld [tilespmem:s18+$0xFFFFFFF0];
	[tilespmem:s15+$0x1020 ss:$0x81] =	vst.msk $0xffff, v0;
	(pc) =	sbr.rel @p1 .LBB1_3-.Ltmp3, $4  }
0x33: {  	v0 =	vld [tilespmem:s18+$0x0];
	[tilespmem:s15+$0x0 ss:$0x81] =	vst.msk $0xffff, v1  }
0x34: {  	s15 =	sshra.s32 s19, $0x2;
	v1 =	vld [tilespmem:s18+$0xFFFFFFE0]  }
0x35: {  	s15 =	sadd.s32 s15, s16  }
0x36: {  	s18 =	sadd.s32 $0x40, s18;
	[tilespmem:s15+$0x1830 ss:$0x81] =	vst.msk $0xffff, v3  }
.Ltmp4:
0x37: {  	_ = 	snop;
	(pc) =	sbr.rel .LBB1_4-.Ltmp4, $1  }
0x38: {  	_ =	sdelay $0x3  }
.LBB1_6:
0x39: {  	_ =	sfence.sel $0x180000  }
0x3a: {  	s2 =	simm.s32 $0x1;
	[bflag:$0x0] =	sbarrier.arrive $0xFFFF  }
0x3b: {  	s31 =	simm.s32 $0x2;
	[sflag:s2] =	ssyncpa.u1 $0x1  }
0x3c: {  	[sflag:s31] =	ssyncpa.u1 $0x1  }
0x3d: {  	p0 =	sne.s32 s0, $0x0;
	_ =	strace $0x9000004A  }
0x3e: {  	s0 =	sadd.s32 @!p0 $0x100000, s1;
	[bflag:$0x2] =	sbarrier.arrive $0xFFFF  }
0x3f: {  	[sflag:s0] =	ssyncadd.tile.s32 @!p0 $0x1;
	_ =	shalt  }
.Lfunc_end1:
_tile_overlayer_lowered:
.L_overlay_start_2:
0x40: {  	(tag) =	ssettag $0x2  }
0x41: {  	s0 =	rddreg [dreg:$0x0];
	s2 =	stileid.u32  }
0x42: {  	s1 =	rddreg [dreg:$0x1];
	p0 =	sne.s32 s2, $0x0  }
0x43: {  	s3 =	rddreg [dreg:$0x2];
	[bflag:$0x3] =	sbarrier.arrive $0xFFFF;
	s2 =	simm.s32 @!p0 $0x1C01  }
0x44: {  	[timem:s3], [sflag:s2] =	dma.local @!p0 [hbm:s0], s1  }
0x45: {  	s0 =	simm.s32 @!p0 $0x1  }
0x46: {  	_ =	swait.ge @!p0 [sflag:s0], s1  }
0x47: {  	s1 =	ssub.s32 @!p0 $0x0, s1;
	[sflag:s0] =	ssyncset.done @!p0 $0x0  }
0x48: {  	[sflag:s0] =	ssyncadd.s32 @!p0 s1  }
0x49: {  	[bflag:$0x3] =	sbarrier.arrive $0xFFFF  }
0x4a: {  	_ =	shalt  }

</sc_bundles>
